<compile_context>
chip_gen: v7x
topology: tpu7x:2x2x1
jax: 0.10.2.dev20260603
libtpu: 0.0.44.dev20260713+nightly
codegen_flags: <defaults>
</compile_context>

<pallas_src>
import jax
import jax.numpy as jnp
from jax import lax
from jax.experimental import pallas as pl
from jax.experimental.pallas import tpu as pltpu
from jax.experimental.pallas import tpu_sc as plsc

N = 16384
D = 64
DH = 32
NNZ = 2684354
LEAKY = 0.2

NW = 32
CHUNK = 512
KSTREAM = CHUNK // 128
CHUNKS_PER_W = -(-NNZ // (NW * CHUNK))
NNZ_PAD = NW * CHUNK * CHUNKS_PER_W
ROWS_PER_SUB = N // 16


def _propagate_body(src_hbm, dst_hbm, vals_hbm, table_hbm, out_hbm,
                    src_v, dst_v, vals_v, rowbuf0, rowbuf1, sbuf, acc,
                    gsem0, gsem1, ssem0, ssem1, isem0, isem1):
    cid = lax.axis_index("c")
    sid = lax.axis_index("s")
    wid = sid * 2 + cid
    chunk0 = wid * CHUNKS_PER_W

    rowbufs = (rowbuf0, rowbuf1)
    gsems = (gsem0, gsem1)
    ssems = (ssem0, ssem1)
    isems = (isem0, isem1)

    def fire_idx(g, isem):
        m = lax.rem(g, 3)
        row0 = (chunk0 + g) * KSTREAM
        pltpu.async_copy(src_hbm.at[pl.ds(row0, KSTREAM)], src_v.at[m], isem)
        pltpu.async_copy(dst_hbm.at[pl.ds(row0, KSTREAM)], dst_v.at[m], isem)
        pltpu.async_copy(vals_hbm.at[pl.ds(row0 * 128, CHUNK)],
                         vals_v.at[m], isem)

    def wait_idx(isem):
        pltpu.make_async_copy(src_hbm.at[pl.ds(0, KSTREAM)],
                              src_v.at[0], isem).wait()
        pltpu.make_async_copy(dst_hbm.at[pl.ds(0, KSTREAM)],
                              dst_v.at[0], isem).wait()
        pltpu.make_async_copy(vals_hbm.at[pl.ds(0, CHUNK)],
                              vals_v.at[0], isem).wait()

    def fire_gather(g, rb, gsem):
        m = lax.rem(g, 3)

        @pl.loop(0, KSTREAM)
        def _fg(j):
            pltpu.async_copy(table_hbm.at[src_v.at[m].at[j]],
                             rb.at[pl.ds(j * 128, 128)], gsem)

    def wait_gather(rb, gsem):
        pltpu.make_async_copy(table_hbm.at[pl.ds(0, CHUNK)], rb, gsem).wait()

    def fire_scatter(g, rb, ssem):
        m = lax.rem(g, 3)

        @pl.loop(0, KSTREAM)
        def _fs(j):
            pltpu.async_copy(sbuf.at[pl.ds(j * 128, 128)],
                             acc.at[dst_v.at[m].at[j]], ssem, add=True)

    def wait_scatter(rb, ssem):
        pltpu.make_async_copy(sbuf, acc.at[pl.ds(0, CHUNK)], ssem).wait()

    def scale(g, rb):
        m = lax.rem(g, 3)

        @pl.loop(0, CHUNK // 16)
        def _sc(i16):
            vv = vals_v[m, pl.ds(i16 * 16, 16)]
            for lane in range(16):
                v = vv[lane]
                e = i16 * 16 + lane
                for k in range(D // 16):
                    sl = pl.ds(k * 16, 16)
                    rb[e, sl] = rb[e, sl] * v

    @pl.loop(0, CHUNK)
    def _zero(i):
        for k in range(DH // 16):
            sbuf[i, pl.ds(k * 16, 16)] = jnp.zeros((16,), jnp.float32)

    for rep in range(2):
        pltpu.sync_copy(sbuf, acc.at[pl.ds(sid * ROWS_PER_SUB + rep * CHUNK,
                                           CHUNK)])
    plsc.subcore_barrier()

    fire_idx(jnp.int32(0), isems[0])
    fire_idx(jnp.int32(1), isems[1])
    wait_idx(isems[0])
    fire_gather(jnp.int32(0), rowbufs[0], gsems[0])

    @pl.loop(0, CHUNKS_PER_W // 2)
    def _outer(gg):
        for half in range(2):
            g = gg * 2 + half
            p, q = half, 1 - half
            wait_gather(rowbufs[p], gsems[p])
            scale(g, rowbufs[p])
            fire_scatter(g, rowbufs[p], ssems[p])

            @pl.when(g + 1 < CHUNKS_PER_W)
            def _widx():
                wait_idx(isems[q])

            @pl.when(g >= 1)
            def _wsc():
                wait_scatter(rowbufs[q], ssems[q])

            @pl.when(g + 1 < CHUNKS_PER_W)
            def _fg():
                fire_gather(g + 1, rowbufs[q], gsems[q])

            @pl.when(g + 2 < CHUNKS_PER_W)
            def _fi():
                fire_idx(g + 2, isems[p])

    wait_scatter(rowbufs[1], ssems[1])
    plsc.subcore_barrier()
    pltpu.sync_copy(acc.at[pl.ds(sid * ROWS_PER_SUB, ROWS_PER_SUB)],
                    out_hbm.at[pl.ds(cid * N + sid * ROWS_PER_SUB,
                                     ROWS_PER_SUB)])


_propagate = pl.kernel(
    _propagate_body,
    out_type=jax.ShapeDtypeStruct((2 * N, DH), jnp.float32),
    mesh=plsc.VectorSubcoreMesh(core_axis_name="c", subcore_axis_name="s"),
    scratch_types=[
        pltpu.VMEM((3, KSTREAM, 128), jnp.int32),
        pltpu.VMEM((3, KSTREAM, 128), jnp.int32),
        pltpu.VMEM((3, CHUNK), jnp.float32),
        pltpu.VMEM((CHUNK, D), jnp.float32),
        pltpu.VMEM((CHUNK, D), jnp.float32),
        pltpu.VMEM((CHUNK, DH), jnp.float32),
        pltpu.VMEM_SHARED((N, DH), jnp.float32),
        pltpu.SemaphoreType.DMA,
        pltpu.SemaphoreType.DMA,
        pltpu.SemaphoreType.DMA,
        pltpu.SemaphoreType.DMA,
        pltpu.SemaphoreType.DMA,
        pltpu.SemaphoreType.DMA,
    ],
    compiler_params=pltpu.CompilerParams(use_tc_tiling_on_sc=False),
)


def _combine_add_body(p_ref, o_ref):
    o_ref[...] = p_ref[0] + p_ref[1]


_combine_add = pl.pallas_call(
    _combine_add_body,
    grid=(N // 2048,),
    in_specs=[pl.BlockSpec((2, 2048, DH), lambda i: (0, i, 0))],
    out_specs=pl.BlockSpec((2048, DH), lambda i: (i, 0)),
    out_shape=jax.ShapeDtypeStruct((N, DH), jnp.float32),
)


def _combine_act_body(h0_ref, h1_ref, o_ref):
    z0 = h0_ref[0] + h0_ref[1]
    z1 = h1_ref[0] + h1_ref[1]
    z = jnp.concatenate([z0, z1], axis=1)
    o_ref[...] = jnp.where(z >= 0, z, LEAKY * z)


_combine_act = pl.pallas_call(
    _combine_act_body,
    grid=(N // 2048,),
    in_specs=[pl.BlockSpec((2, 2048, DH), lambda i: (0, i, 0)),
              pl.BlockSpec((2, 2048, DH), lambda i: (0, i, 0))],
    out_specs=pl.BlockSpec((2048, D), lambda i: (i, 0)),
    out_shape=jax.ShapeDtypeStruct((N, D), jnp.float32),
)


def kernel(adj_indices, adj_values, embs):
    rows = adj_indices[0]
    cols = adj_indices[1]
    pad = NNZ_PAD - NNZ
    zi = jnp.zeros((pad,), jnp.int32)
    rows_p = jnp.concatenate([rows, zi]).reshape(NNZ_PAD // 128, 128)
    cols_p = jnp.concatenate([cols, zi]).reshape(NNZ_PAD // 128, 128)
    vals_p = jnp.concatenate([adj_values, jnp.zeros((pad,), jnp.float32)])

    e_h = [embs, embs]
    y1_h = []
    for h in range(2):
        p = _propagate(rows_p, cols_p, vals_p, e_h[h]).reshape(2, N, DH)
        y1_h.append(_combine_add(p))
    q = [_propagate(cols_p, rows_p, vals_p, embs).reshape(2, N, DH)
         for h in range(2)]
    return _combine_act(q[0], q[1])

# --- scband reference (transcript-rebuilt; emitter-appended) ---
"""Pipeline reference for scband-hgcnconv-35880156791578 (READ-ONLY COPY).

The authoritative reference and input builder live on the scoring server;
editing this copy changes nothing except your own understanding.
"""

import jax, jax.numpy as jnp
import numpy as np

N = 16384
NNZ = 2684354
D = 64
LEAKY = 0.2

def setup_inputs(seed: int = 0) -> dict:
    key = jax.random.key(seed)
    k1, k2, k3 = jax.random.split(key, 3)
    adj_indices = jax.random.randint(k1, (2, NNZ), 0, N, dtype=jnp.int64 if jax.config.read('jax_enable_x64') else jnp.int32).astype(jnp.int32)
    adj_values = jax.random.uniform(k2, (NNZ,), dtype=jnp.float32)
    embs = jax.random.normal(k3, (N, D), dtype=jnp.float32)
    return {"adj_indices": adj_indices, "adj_values": adj_values, "embs": embs}

def reference(adj_indices, adj_values, embs):
    # adj is a sparse [N, N] matrix in COO form: adj[rows[e], cols[e]] = values[e]
    rows = adj_indices[0]
    cols = adj_indices[1]
    # y1 = adj.T @ embs : entry e scatters values[e] * embs[rows[e]] into row cols[e]
    y1 = jax.ops.segment_sum(adj_values[:, None] * embs[rows], cols, num_segments=N)
    # y2 = adj @ y1 : entry e scatters values[e] * y1[cols[e]] into row rows[e]
    y2 = jax.ops.segment_sum(adj_values[:, None] * y1[cols], rows, num_segments=N)
    # LeakyReLU with negative_slope=LEAKY (act=True default path)
    return jnp.where(y2 >= 0, y2, LEAKY * y2)

if __name__ == "__main__":
    import jax
    _d = setup_inputs()
    print(jax.jit(kernel)(*tuple(_d.values())))

</pallas_src>

<mosaic_0001>
#map = affine_map<(d0, d1) -> (0, 0)>
#map1 = affine_map<(d0, d1) -> (0)>
module attributes {stable_mosaic.version = 14 : i64} {
  func.func @_propagate_body(%arg0: i32, %arg1: i32, %arg2: memref<20992x128xi32, #tpu.memory_space<hbm>>, %arg3: memref<20992x128xi32, #tpu.memory_space<hbm>>, %arg4: memref<2686976xf32, #tpu.memory_space<hbm>>, %arg5: memref<16384x64xf32, #tpu.memory_space<hbm>>, %arg6: memref<32768x32xf32, #tpu.memory_space<hbm>>, %arg7: memref<3x4x128xi32, #tpu.memory_space<vmem>>, %arg8: memref<3x4x128xi32, #tpu.memory_space<vmem>>, %arg9: memref<3x512xf32, #tpu.memory_space<vmem>>, %arg10: memref<512x64xf32, #tpu.memory_space<vmem>>, %arg11: memref<512x64xf32, #tpu.memory_space<vmem>>, %arg12: memref<512x32xf32, #tpu.memory_space<vmem>>, %arg13: memref<16384x32xf32, #tpu.memory_space<vmem_shared>>, %arg14: memref<!tpu.dma_semaphore, #tpu.memory_space<semaphore_mem>>, %arg15: memref<!tpu.dma_semaphore, #tpu.memory_space<semaphore_mem>>, %arg16: memref<!tpu.dma_semaphore, #tpu.memory_space<semaphore_mem>>, %arg17: memref<!tpu.dma_semaphore, #tpu.memory_space<semaphore_mem>>, %arg18: memref<!tpu.dma_semaphore, #tpu.memory_space<semaphore_mem>>, %arg19: memref<!tpu.dma_semaphore, #tpu.memory_space<semaphore_mem>>) attributes {dimension_semantics = [#tpu.dimension_semantics<core_parallel>, #tpu.dimension_semantics<subcore_parallel>], iteration_bounds = array<i64: 2, 16>, scalar_prefetch = 0 : i64, scratch_operands = 13 : i64, tpu.core_type = #tpu.core_type<sc_vector_subcore>, window_params = [{transform_indices = #map}, {transform_indices = #map}, {transform_indices = #map1}, {transform_indices = #map}, {transform_indices = #map}]} {
    %mul3A = arith.constant 2 : i32
    %mul3A_0 = arith.muli %arg1, %mul3A : i32
    %add3A = arith.addi %mul3A_0, %arg0 : i32
    %mul3A_1 = arith.constant 164 : i32
    %mul3A_2 = arith.muli %add3A, %mul3A_1 : i32
    %scan3A = arith.constant 0 : i32
    %scan3A_3 = arith.constant 512 : i32
    %scan3A_4 = arith.addi %scan3A, %scan3A_3 : i32
    %scan3A_5 = arith.constant 1 : i32
    scf.for %scan3A_162 = %scan3A to %scan3A_4 step %scan3A_5  : i32 {
      %mul3A_163 = arith.constant 1 : i32
      %mul3A_164 = arith.muli %scan3A_162, %mul3A_163 : i32
      %add3A_165 = arith.constant 0 : i32
      %add3A_166 = arith.addi %add3A_165, %mul3A_164 : i32
      %broadcast_in_dim3A = arith.constant 0.000000e+00 : f32
      %broadcast_in_dim3A_167 = vector.broadcast %broadcast_in_dim3A : f32 to vector<16xf32>
      %swap3A = arith.index_cast %add3A_166 : i32 to index
      %swap3A_168 = arith.constant 0 : index
      %swap3A_169 = tpu.vector_load %arg12[%swap3A, %swap3A_168] {strides = array<i32>} : memref<512x32xf32, #tpu.memory_space<vmem>>, vector<1x16xf32>,
      %swap3A_170 = vector.shape_cast %swap3A_169 : vector<1x16xf32> to vector<16xf32>
      %swap3A_171 = vector.shape_cast %broadcast_in_dim3A_167 : vector<16xf32> to vector<1x16xf32>
      tpu.vector_store %arg12[%swap3A, %swap3A_168], %swap3A_171 {strides = array<i32>} : memref<512x32xf32, #tpu.memory_space<vmem>>, vector<1x16xf32>,
      %broadcast_in_dim3A_172 = arith.constant 0.000000e+00 : f32
      %broadcast_in_dim3A_173 = vector.broadcast %broadcast_in_dim3A_172 : f32 to vector<16xf32>
      %swap3A_174 = arith.index_cast %add3A_166 : i32 to index
      %swap3A_175 = arith.constant 16 : index
      %swap3A_176 = tpu.vector_load %arg12[%swap3A_174, %swap3A_175] {strides = array<i32>} : memref<512x32xf32, #tpu.memory_space<vmem>>, vector<1x16xf32>,
      %swap3A_177 = vector.shape_cast %swap3A_176 : vector<1x16xf32> to vector<16xf32>
      %swap3A_178 = vector.shape_cast %broadcast_in_dim3A_173 : vector<16xf32> to vector<1x16xf32>
      tpu.vector_store %arg12[%swap3A_174, %swap3A_175], %swap3A_178 {strides = array<i32>} : memref<512x32xf32, #tpu.memory_space<vmem>>, vector<1x16xf32>,
    }
    %scan3A_6 = arith.constant 512 : i32
    %mul3A_7 = arith.constant 1024 : i32
    %mul3A_8 = arith.muli %arg1, %mul3A_7 : i32
    %add3A_9 = arith.constant 0 : i32
    %add3A_10 = arith.addi %mul3A_8, %add3A_9 : i32
    "tpu.region"() ({
      %run_scoped3A = tpu.sem_alloc : memref<!tpu.dma_semaphore, #tpu.memory_space<semaphore_mem>>
      %dma_start3A_162 = arith.constant 0 : i32
      %dma_start3A_163 = tpu.memref_slice %arg13[%add3A_10, %dma_start3A_162] : memref<16384x32xf32, #tpu.memory_space<vmem_shared>> -> memref<512x32xf32, #tpu.memory_space<vmem_shared>>
      %dma_start3A_164 = arith.constant 0 : i32
      %dma_start3A_165 = tpu.memref_slice %arg13[%add3A_10, %dma_start3A_164] : memref<16384x32xf32, #tpu.memory_space<vmem_shared>> -> memref<512x32xf32, #tpu.memory_space<vmem_shared>>
      tpu.enqueue_dma source(%arg12 : memref<512x32xf32, #tpu.memory_space<vmem>>) target(%dma_start3A_165 : memref<512x32xf32, #tpu.memory_space<vmem_shared>>) target_semaphore(%run_scoped3A : memref<!tpu.dma_semaphore, #tpu.memory_space<semaphore_mem>>)
      %dma_wait3A_166 = arith.constant 0 : i32
      %dma_wait3A_167 = tpu.memref_slice %arg13[%add3A_10, %dma_wait3A_166] : memref<16384x32xf32, #tpu.memory_space<vmem_shared>> -> memref<512x32xf32, #tpu.memory_space<vmem_shared>>
      %dma_wait3A_168 = arith.constant 0 : i32
      %dma_wait3A_169 = tpu.memref_slice %arg13[%add3A_10, %dma_wait3A_168] : memref<16384x32xf32, #tpu.memory_space<vmem_shared>> -> memref<512x32xf32, #tpu.memory_space<vmem_shared>>
      tpu.wait_dma2 semaphore(%run_scoped3A : memref<!tpu.dma_semaphore, #tpu.memory_space<semaphore_mem>>) src(%arg12 : memref<512x32xf32, #tpu.memory_space<vmem>>) dst(%dma_wait3A_169 : memref<512x32xf32, #tpu.memory_space<vmem_shared>>)
      tpu.yield
    }) : () -> ()
    %mul3A_11 = arith.constant 1024 : i32
    %mul3A_12 = arith.muli %arg1, %mul3A_11 : i32
    %add3A_13 = arith.constant 512 : i32
    %add3A_14 = arith.addi %mul3A_12, %add3A_13 : i32
    "tpu.region"() ({
      %run_scoped3A = tpu.sem_alloc : memref<!tpu.dma_semaphore, #tpu.memory_space<semaphore_mem>>
      %dma_start3A_162 = arith.constant 0 : i32
      %dma_start3A_163 = tpu.memref_slice %arg13[%add3A_14, %dma_start3A_162] : memref<16384x32xf32, #tpu.memory_space<vmem_shared>> -> memref<512x32xf32, #tpu.memory_space<vmem_shared>>
      %dma_start3A_164 = arith.constant 0 : i32
      %dma_start3A_165 = tpu.memref_slice %arg13[%add3A_14, %dma_start3A_164] : memref<16384x32xf32, #tpu.memory_space<vmem_shared>> -> memref<512x32xf32, #tpu.memory_space<vmem_shared>>
      tpu.enqueue_dma source(%arg12 : memref<512x32xf32, #tpu.memory_space<vmem>>) target(%dma_start3A_165 : memref<512x32xf32, #tpu.memory_space<vmem_shared>>) target_semaphore(%run_scoped3A : memref<!tpu.dma_semaphore, #tpu.memory_space<semaphore_mem>>)
      %dma_wait3A_166 = arith.constant 0 : i32
      %dma_wait3A_167 = tpu.memref_slice %arg13[%add3A_14, %dma_wait3A_166] : memref<16384x32xf32, #tpu.memory_space<vmem_shared>> -> memref<512x32xf32, #tpu.memory_space<vmem_shared>>
      %dma_wait3A_168 = arith.constant 0 : i32
      %dma_wait3A_169 = tpu.memref_slice %arg13[%add3A_14, %dma_wait3A_168] : memref<16384x32xf32, #tpu.memory_space<vmem_shared>> -> memref<512x32xf32, #tpu.memory_space<vmem_shared>>
      tpu.wait_dma2 semaphore(%run_scoped3A : memref<!tpu.dma_semaphore, #tpu.memory_space<semaphore_mem>>) src(%arg12 : memref<512x32xf32, #tpu.memory_space<vmem>>) dst(%dma_wait3A_169 : memref<512x32xf32, #tpu.memory_space<vmem_shared>>)
      tpu.yield
    }) : () -> ()
    %barrier3A = arith.constant 0 : index
    tpu.barrier barrier_id(%barrier3A)
    %rem3A = arith.constant 0 : i32
    %rem3A_15 = arith.constant 3 : i32
    %rem3A_16 = arith.remsi %rem3A, %rem3A_15 : i32
    %add3A_17 = arith.constant 0 : i32
    %add3A_18 = arith.addi %mul3A_2, %add3A_17 : i32
    %mul3A_19 = arith.constant 4 : i32
    %mul3A_20 = arith.muli %add3A_18, %mul3A_19 : i32
    %dma_start3A = arith.constant 0 : i32
    %dma_start3A_21 = arith.constant 0 : i32
    %dma_start3A_22 = tpu.memref_slice %arg7[%rem3A_16, %dma_start3A, %dma_start3A_21] : memref<3x4x128xi32, #tpu.memory_space<vmem>> -> memref<1x4x128xi32, #tpu.memory_space<vmem>>
    %dma_start3A_23 = tpu.memref_squeeze %dma_start3A_22 : memref<1x4x128xi32, #tpu.memory_space<vmem>> -> memref<4x128xi32, #tpu.memory_space<vmem>>
    %dma_start3A_24 = arith.constant 0 : i32
    %dma_start3A_25 = tpu.memref_slice %arg2[%mul3A_20, %dma_start3A_24] : memref<20992x128xi32, #tpu.memory_space<hbm>> -> memref<4x128xi32, #tpu.memory_space<hbm>>
    %dma_start3A_26 = arith.constant 0 : i32
    %dma_start3A_27 = arith.constant 0 : i32
    %dma_start3A_28 = tpu.memref_slice %arg7[%rem3A_16, %dma_start3A_26, %dma_start3A_27] : memref<3x4x128xi32, #tpu.memory_space<vmem>> -> memref<1x4x128xi32, #tpu.memory_space<vmem>>
    %dma_start3A_29 = tpu.memref_squeeze %dma_start3A_28 : memref<1x4x128xi32, #tpu.memory_space<vmem>> -> memref<4x128xi32, #tpu.memory_space<vmem>>
    %dma_start3A_30 = arith.constant 0 : i32
    %dma_start3A_31 = tpu.memref_slice %arg2[%mul3A_20, %dma_start3A_30] : memref<20992x128xi32, #tpu.memory_space<hbm>> -> memref<4x128xi32, #tpu.memory_space<hbm>>
    tpu.enqueue_dma source(%dma_start3A_31 : memref<4x128xi32, #tpu.memory_space<hbm>>) target(%dma_start3A_29 : memref<4x128xi32, #tpu.memory_space<vmem>>) target_semaphore(%arg18 : memref<!tpu.dma_semaphore, #tpu.memory_space<semaphore_mem>>)
    %dma_start3A_32 = arith.constant 0 : i32
    %dma_start3A_33 = arith.constant 0 : i32
    %dma_start3A_34 = tpu.memref_slice %arg8[%rem3A_16, %dma_start3A_32, %dma_start3A_33] : memref<3x4x128xi32, #tpu.memory_space<vmem>> -> memref<1x4x128xi32, #tpu.memory_space<vmem>>
    %dma_start3A_35 = tpu.memref_squeeze %dma_start3A_34 : memref<1x4x128xi32, #tpu.memory_space<vmem>> -> memref<4x128xi32, #tpu.memory_space<vmem>>
    %dma_start3A_36 = arith.constant 0 : i32
    %dma_start3A_37 = tpu.memref_slice %arg3[%mul3A_20, %dma_start3A_36] : memref<20992x128xi32, #tpu.memory_space<hbm>> -> memref<4x128xi32, #tpu.memory_space<hbm>>
    %dma_start3A_38 = arith.constant 0 : i32
    %dma_start3A_39 = arith.constant 0 : i32
    %dma_start3A_40 = tpu.memref_slice %arg8[%rem3A_16, %dma_start3A_38, %dma_start3A_39] : memref<3x4x128xi32, #tpu.memory_space<vmem>> -> memref<1x4x128xi32, #tpu.memory_space<vmem>>
    %dma_start3A_41 = tpu.memref_squeeze %dma_start3A_40 : memref<1x4x128xi32, #tpu.memory_space<vmem>> -> memref<4x128xi32, #tpu.memory_space<vmem>>
    %dma_start3A_42 = arith.constant 0 : i32
    %dma_start3A_43 = tpu.memref_slice %arg3[%mul3A_20, %dma_start3A_42] : memref<20992x128xi32, #tpu.memory_space<hbm>> -> memref<4x128xi32, #tpu.memory_space<hbm>>
    tpu.enqueue_dma source(%dma_start3A_43 : memref<4x128xi32, #tpu.memory_space<hbm>>) target(%dma_start3A_41 : memref<4x128xi32, #tpu.memory_space<vmem>>) target_semaphore(%arg18 : memref<!tpu.dma_semaphore, #tpu.memory_space<semaphore_mem>>)
    %mul3A_44 = arith.constant 128 : i32
    %mul3A_45 = arith.muli %mul3A_20, %mul3A_44 : i32
    %dma_start3A_46 = arith.constant 0 : i32
    %dma_start3A_47 = tpu.memref_slice %arg9[%rem3A_16, %dma_start3A_46] : memref<3x512xf32, #tpu.memory_space<vmem>> -> memref<1x512xf32, #tpu.memory_space<vmem>>
    %dma_start3A_48 = tpu.memref_squeeze %dma_start3A_47 : memref<1x512xf32, #tpu.memory_space<vmem>> -> memref<512xf32, #tpu.memory_space<vmem>>
    %dma_start3A_49 = tpu.memref_slice %arg4[%mul3A_45] : memref<2686976xf32, #tpu.memory_space<hbm>> -> memref<512xf32, #tpu.memory_space<hbm>>
    %dma_start3A_50 = arith.constant 0 : i32
    %dma_start3A_51 = tpu.memref_slice %arg9[%rem3A_16, %dma_start3A_50] : memref<3x512xf32, #tpu.memory_space<vmem>> -> memref<1x512xf32, #tpu.memory_space<vmem>>
    %dma_start3A_52 = tpu.memref_squeeze %dma_start3A_51 : memref<1x512xf32, #tpu.memory_space<vmem>> -> memref<512xf32, #tpu.memory_space<vmem>>
    %dma_start3A_53 = tpu.memref_slice %arg4[%mul3A_45] : memref<2686976xf32, #tpu.memory_space<hbm>> -> memref<512xf32, #tpu.memory_space<hbm>>
    tpu.enqueue_dma source(%dma_start3A_53 : memref<512xf32, #tpu.memory_space<hbm>>) target(%dma_start3A_52 : memref<512xf32, #tpu.memory_space<vmem>>) target_semaphore(%arg18 : memref<!tpu.dma_semaphore, #tpu.memory_space<semaphore_mem>>)
    %rem3A_54 = arith.constant 1 : i32
    %rem3A_55 = arith.constant 3 : i32
    %rem3A_56 = arith.remsi %rem3A_54, %rem3A_55 : i32
    %add3A_57 = arith.constant 1 : i32
    %add3A_58 = arith.addi %mul3A_2, %add3A_57 : i32
    %mul3A_59 = arith.constant 4 : i32
    %mul3A_60 = arith.muli %add3A_58, %mul3A_59 : i32
    %dma_start3A_61 = arith.constant 0 : i32
    %dma_start3A_62 = arith.constant 0 : i32
    %dma_start3A_63 = tpu.memref_slice %arg7[%rem3A_56, %dma_start3A_61, %dma_start3A_62] : memref<3x4x128xi32, #tpu.memory_space<vmem>> -> memref<1x4x128xi32, #tpu.memory_space<vmem>>
    %dma_start3A_64 = tpu.memref_squeeze %dma_start3A_63 : memref<1x4x128xi32, #tpu.memory_space<vmem>> -> memref<4x128xi32, #tpu.memory_space<vmem>>
    %dma_start3A_65 = arith.constant 0 : i32
    %dma_start3A_66 = tpu.memref_slice %arg2[%mul3A_60, %dma_start3A_65] : memref<20992x128xi32, #tpu.memory_space<hbm>> -> memref<4x128xi32, #tpu.memory_space<hbm>>
    %dma_start3A_67 = arith.constant 0 : i32
    %dma_start3A_68 = arith.constant 0 : i32
    %dma_start3A_69 = tpu.memref_slice %arg7[%rem3A_56, %dma_start3A_67, %dma_start3A_68] : memref<3x4x128xi32, #tpu.memory_space<vmem>> -> memref<1x4x128xi32, #tpu.memory_space<vmem>>
    %dma_start3A_70 = tpu.memref_squeeze %dma_start3A_69 : memref<1x4x128xi32, #tpu.memory_space<vmem>> -> memref<4x128xi32, #tpu.memory_space<vmem>>
    %dma_start3A_71 = arith.constant 0 : i32
    %dma_start3A_72 = tpu.memref_slice %arg2[%mul3A_60, %dma_start3A_71] : memref<20992x128xi32, #tpu.memory_space<hbm>> -> memref<4x128xi32, #tpu.memory_space<hbm>>
    tpu.enqueue_dma source(%dma_start3A_72 : memref<4x128xi32, #tpu.memory_space<hbm>>) target(%dma_start3A_70 : memref<4x128xi32, #tpu.memory_space<vmem>>) target_semaphore(%arg19 : memref<!tpu.dma_semaphore, #tpu.memory_space<semaphore_mem>>)
    %dma_start3A_73 = arith.constant 0 : i32
    %dma_start3A_74 = arith.constant 0 : i32
    %dma_start3A_75 = tpu.memref_slice %arg8[%rem3A_56, %dma_start3A_73, %dma_start3A_74] : memref<3x4x128xi32, #tpu.memory_space<vmem>> -> memref<1x4x128xi32, #tpu.memory_space<vmem>>
    %dma_start3A_76 = tpu.memref_squeeze %dma_start3A_75 : memref<1x4x128xi32, #tpu.memory_space<vmem>> -> memref<4x128xi32, #tpu.memory_space<vmem>>
    %dma_start3A_77 = arith.constant 0 : i32
    %dma_start3A_78 = tpu.memref_slice %arg3[%mul3A_60, %dma_start3A_77] : memref<20992x128xi32, #tpu.memory_space<hbm>> -> memref<4x128xi32, #tpu.memory_space<hbm>>
    %dma_start3A_79 = arith.constant 0 : i32
    %dma_start3A_80 = arith.constant 0 : i32
    %dma_start3A_81 = tpu.memref_slice %arg8[%rem3A_56, %dma_start3A_79, %dma_start3A_80] : memref<3x4x128xi32, #tpu.memory_space<vmem>> -> memref<1x4x128xi32, #tpu.memory_space<vmem>>
    %dma_start3A_82 = tpu.memref_squeeze %dma_start3A_81 : memref<1x4x128xi32, #tpu.memory_space<vmem>> -> memref<4x128xi32, #tpu.memory_space<vmem>>
    %dma_start3A_83 = arith.constant 0 : i32
    %dma_start3A_84 = tpu.memref_slice %arg3[%mul3A_60, %dma_start3A_83] : memref<20992x128xi32, #tpu.memory_space<hbm>> -> memref<4x128xi32, #tpu.memory_space<hbm>>
    tpu.enqueue_dma source(%dma_start3A_84 : memref<4x128xi32, #tpu.memory_space<hbm>>) target(%dma_start3A_82 : memref<4x128xi32, #tpu.memory_space<vmem>>) target_semaphore(%arg19 : memref<!tpu.dma_semaphore, #tpu.memory_space<semaphore_mem>>)
    %mul3A_85 = arith.constant 128 : i32
    %mul3A_86 = arith.muli %mul3A_60, %mul3A_85 : i32
    %dma_start3A_87 = arith.constant 0 : i32
    %dma_start3A_88 = tpu.memref_slice %arg9[%rem3A_56, %dma_start3A_87] : memref<3x512xf32, #tpu.memory_space<vmem>> -> memref<1x512xf32, #tpu.memory_space<vmem>>
    %dma_start3A_89 = tpu.memref_squeeze %dma_start3A_88 : memref<1x512xf32, #tpu.memory_space<vmem>> -> memref<512xf32, #tpu.memory_space<vmem>>
    %dma_start3A_90 = tpu.memref_slice %arg4[%mul3A_86] : memref<2686976xf32, #tpu.memory_space<hbm>> -> memref<512xf32, #tpu.memory_space<hbm>>
    %dma_start3A_91 = arith.constant 0 : i32
    %dma_start3A_92 = tpu.memref_slice %arg9[%rem3A_56, %dma_start3A_91] : memref<3x512xf32, #tpu.memory_space<vmem>> -> memref<1x512xf32, #tpu.memory_space<vmem>>
    %dma_start3A_93 = tpu.memref_squeeze %dma_start3A_92 : memref<1x512xf32, #tpu.memory_space<vmem>> -> memref<512xf32, #tpu.memory_space<vmem>>
    %dma_start3A_94 = tpu.memref_slice %arg4[%mul3A_86] : memref<2686976xf32, #tpu.memory_space<hbm>> -> memref<512xf32, #tpu.memory_space<hbm>>
    tpu.enqueue_dma source(%dma_start3A_94 : memref<512xf32, #tpu.memory_space<hbm>>) target(%dma_start3A_93 : memref<512xf32, #tpu.memory_space<vmem>>) target_semaphore(%arg19 : memref<!tpu.dma_semaphore, #tpu.memory_space<semaphore_mem>>)
    %dma_wait3A = arith.constant 0 : i32
    %dma_wait3A_95 = arith.constant 0 : i32
    %dma_wait3A_96 = arith.constant 0 : i32
    %dma_wait3A_97 = tpu.memref_slice %arg7[%dma_wait3A, %dma_wait3A_95, %dma_wait3A_96] : memref<3x4x128xi32, #tpu.memory_space<vmem>> -> memref<1x4x128xi32, #tpu.memory_space<vmem>>
    %dma_wait3A_98 = tpu.memref_squeeze %dma_wait3A_97 : memref<1x4x128xi32, #tpu.memory_space<vmem>> -> memref<4x128xi32, #tpu.memory_space<vmem>>
    %dma_wait3A_99 = arith.constant 0 : i32
    %dma_wait3A_100 = arith.constant 0 : i32
    %dma_wait3A_101 = tpu.memref_slice %arg2[%dma_wait3A_99, %dma_wait3A_100] : memref<20992x128xi32, #tpu.memory_space<hbm>> -> memref<4x128xi32, #tpu.memory_space<hbm>>
    %dma_wait3A_102 = arith.constant 0 : i32
    %dma_wait3A_103 = arith.constant 0 : i32
    %dma_wait3A_104 = tpu.memref_slice %arg7[%dma_wait3A, %dma_wait3A_102, %dma_wait3A_103] : memref<3x4x128xi32, #tpu.memory_space<vmem>> -> memref<1x4x128xi32, #tpu.memory_space<vmem>>
    %dma_wait3A_105 = tpu.memref_squeeze %dma_wait3A_104 : memref<1x4x128xi32, #tpu.memory_space<vmem>> -> memref<4x128xi32, #tpu.memory_space<vmem>>
    %dma_wait3A_106 = arith.constant 0 : i32
    %dma_wait3A_107 = arith.constant 0 : i32
    %dma_wait3A_108 = tpu.memref_slice %arg2[%dma_wait3A_106, %dma_wait3A_107] : memref<20992x128xi32, #tpu.memory_space<hbm>> -> memref<4x128xi32, #tpu.memory_space<hbm>>
    tpu.wait_dma2 semaphore(%arg18 : memref<!tpu.dma_semaphore, #tpu.memory_space<semaphore_mem>>) src(%dma_wait3A_108 : memref<4x128xi32, #tpu.memory_space<hbm>>) dst(%dma_wait3A_105 : memref<4x128xi32, #tpu.memory_space<vmem>>)
    %dma_wait3A_109 = arith.constant 0 : i32
    %dma_wait3A_110 = arith.constant 0 : i32
    %dma_wait3A_111 = arith.constant 0 : i32
    %dma_wait3A_112 = tpu.memref_slice %arg8[%dma_wait3A_109, %dma_wait3A_110, %dma_wait3A_111] : memref<3x4x128xi32, #tpu.memory_space<vmem>> -> memref<1x4x128xi32, #tpu.memory_space<vmem>>
    %dma_wait3A_113 = tpu.memref_squeeze %dma_wait3A_112 : memref<1x4x128xi32, #tpu.memory_space<vmem>> -> memref<4x128xi32, #tpu.memory_space<vmem>>
    %dma_wait3A_114 = arith.constant 0 : i32
    %dma_wait3A_115 = arith.constant 0 : i32
    %dma_wait3A_116 = tpu.memref_slice %arg3[%dma_wait3A_114, %dma_wait3A_115] : memref<20992x128xi32, #tpu.memory_space<hbm>> -> memref<4x128xi32, #tpu.memory_space<hbm>>
    %dma_wait3A_117 = arith.constant 0 : i32
    %dma_wait3A_118 = arith.constant 0 : i32
    %dma_wait3A_119 = tpu.memref_slice %arg8[%dma_wait3A_109, %dma_wait3A_117, %dma_wait3A_118] : memref<3x4x128xi32, #tpu.memory_space<vmem>> -> memref<1x4x128xi32, #tpu.memory_space<vmem>>
    %dma_wait3A_120 = tpu.memref_squeeze %dma_wait3A_119 : memref<1x4x128xi32, #tpu.memory_space<vmem>> -> memref<4x128xi32, #tpu.memory_space<vmem>>
    %dma_wait3A_121 = arith.constant 0 : i32
    %dma_wait3A_122 = arith.constant 0 : i32
    %dma_wait3A_123 = tpu.memref_slice %arg3[%dma_wait3A_121, %dma_wait3A_122] : memref<20992x128xi32, #tpu.memory_space<hbm>> -> memref<4x128xi32, #tpu.memory_space<hbm>>
    tpu.wait_dma2 semaphore(%arg18 : memref<!tpu.dma_semaphore, #tpu.memory_space<semaphore_mem>>) src(%dma_wait3A_123 : memref<4x128xi32, #tpu.memory_space<hbm>>) dst(%dma_wait3A_120 : memref<4x128xi32, #tpu.memory_space<vmem>>)
    %dma_wait3A_124 = arith.constant 0 : i32
    %dma_wait3A_125 = arith.constant 0 : i32
    %dma_wait3A_126 = tpu.memref_slice %arg9[%dma_wait3A_124, %dma_wait3A_125] : memref<3x512xf32, #tpu.memory_space<vmem>> -> memref<1x512xf32, #tpu.memory_space<vmem>>
    %dma_wait3A_127 = tpu.memref_squeeze %dma_wait3A_126 : memref<1x512xf32, #tpu.memory_space<vmem>> -> memref<512xf32, #tpu.memory_space<vmem>>
    %dma_wait3A_128 = arith.constant 0 : i32
    %dma_wait3A_129 = tpu.memref_slice %arg4[%dma_wait3A_128] : memref<2686976xf32, #tpu.memory_space<hbm>> -> memref<512xf32, #tpu.memory_space<hbm>>
    %dma_wait3A_130 = arith.constant 0 : i32
    %dma_wait3A_131 = tpu.memref_slice %arg9[%dma_wait3A_124, %dma_wait3A_130] : memref<3x512xf32, #tpu.memory_space<vmem>> -> memref<1x512xf32, #tpu.memory_space<vmem>>
    %dma_wait3A_132 = tpu.memref_squeeze %dma_wait3A_131 : memref<1x512xf32, #tpu.memory_space<vmem>> -> memref<512xf32, #tpu.memory_space<vmem>>
    %dma_wait3A_133 = arith.constant 0 : i32
    %dma_wait3A_134 = tpu.memref_slice %arg4[%dma_wait3A_133] : memref<2686976xf32, #tpu.memory_space<hbm>> -> memref<512xf32, #tpu.memory_space<hbm>>
    tpu.wait_dma2 semaphore(%arg18 : memref<!tpu.dma_semaphore, #tpu.memory_space<semaphore_mem>>) src(%dma_wait3A_134 : memref<512xf32, #tpu.memory_space<hbm>>) dst(%dma_wait3A_132 : memref<512xf32, #tpu.memory_space<vmem>>)
    %rem3A_135 = arith.constant 0 : i32
    %rem3A_136 = arith.constant 3 : i32
    %rem3A_137 = arith.remsi %rem3A_135, %rem3A_136 : i32
    %scan3A_138 = arith.constant 0 : i32
    %scan3A_139 = arith.constant 4 : i32
    %scan3A_140 = arith.addi %scan3A_138, %scan3A_139 : i32
    %scan3A_141 = arith.constant 1 : i32
    scf.for %scan3A_162 = %scan3A_138 to %scan3A_140 step %scan3A_141  : i32 {
      %mul3A_163 = arith.constant 1 : i32
      %mul3A_164 = arith.muli %scan3A_162, %mul3A_163 : i32
      %add3A_165 = arith.constant 0 : i32
      %add3A_166 = arith.addi %add3A_165, %mul3A_164 : i32
      %mul3A_167 = arith.constant 128 : i32
      %mul3A_168 = arith.muli %add3A_166, %mul3A_167 : i32
      %dma_start3A_169 = arith.constant 0 : i32
      %dma_start3A_170 = tpu.memref_slice %arg10[%mul3A_168, %dma_start3A_169] : memref<512x64xf32, #tpu.memory_space<vmem>> -> memref<128x64xf32, #tpu.memory_space<vmem>>
      %dma_start3A_171 = arith.constant 0 : i32
      %dma_start3A_172 = arith.constant 0 : i32
      %dma_start3A_173 = tpu.memref_slice %arg7[%rem3A_137, %dma_start3A_171, %dma_start3A_172] : memref<3x4x128xi32, #tpu.memory_space<vmem>> -> memref<1x4x128xi32, #tpu.memory_space<vmem>>
      %dma_start3A_174 = tpu.memref_squeeze %dma_start3A_173 : memref<1x4x128xi32, #tpu.memory_space<vmem>> -> memref<4x128xi32, #tpu.memory_space<vmem>>
      %dma_start3A_175 = arith.constant 0 : i32
      %dma_start3A_176 = tpu.memref_slice %dma_start3A_174[%add3A_166, %dma_start3A_175] : memref<4x128xi32, #tpu.memory_space<vmem>> -> memref<1x128xi32, #tpu.memory_space<vmem>>
      %dma_start3A_177 = tpu.memref_squeeze %dma_start3A_176 : memref<1x128xi32, #tpu.memory_space<vmem>> -> memref<128xi32, #tpu.memory_space<vmem>>
      %dma_start3A_178 = arith.constant 0 : i32
      %dma_start3A_179 = arith.constant 0 : i32
      %dma_start3A_180 = tpu.memref_slice %arg5[%dma_start3A_178, %dma_start3A_179] : memref<16384x64xf32, #tpu.memory_space<hbm>> -> memref<16384x64xf32, #tpu.memory_space<hbm>>
      tpu.enqueue_indirect_dma source(%dma_start3A_180 : memref<16384x64xf32, #tpu.memory_space<hbm>>) target(%dma_start3A_170 : memref<128x64xf32, #tpu.memory_space<vmem>>) offsets(%dma_start3A_177 : memref<128xi32, #tpu.memory_space<vmem>>) semaphore(%arg14 : memref<!tpu.dma_semaphore, #tpu.memory_space<semaphore_mem>>)
    }
    %scan3A_142 = arith.constant 4 : i32
    %scan3A_143 = arith.constant 0 : i32
    %scan3A_144 = arith.constant 82 : i32
    %scan3A_145 = arith.addi %scan3A_143, %scan3A_144 : i32
    %scan3A_146 = arith.constant 1 : i32
    scf.for %scan3A_162 = %scan3A_143 to %scan3A_145 step %scan3A_146  : i32 {
      %mul3A_163 = arith.constant 1 : i32
      %mul3A_164 = arith.muli %scan3A_162, %mul3A_163 : i32
      %add3A_165 = arith.constant 0 : i32
      %add3A_166 = arith.addi %add3A_165, %mul3A_164 : i32
      %mul3A_167 = arith.constant 2 : i32
      %mul3A_168 = arith.muli %add3A_166, %mul3A_167 : i32
      %add3A_169 = arith.constant 0 : i32
      %add3A_170 = arith.addi %mul3A_168, %add3A_169 : i32
      %dma_wait3A_171 = arith.constant 0 : i32
      %dma_wait3A_172 = arith.constant 0 : i32
      %dma_wait3A_173 = tpu.memref_slice %arg5[%dma_wait3A_171, %dma_wait3A_172] : memref<16384x64xf32, #tpu.memory_space<hbm>> -> memref<512x64xf32, #tpu.memory_space<hbm>>
      %dma_wait3A_174 = arith.constant 0 : i32
      %dma_wait3A_175 = arith.constant 0 : i32
      %dma_wait3A_176 = tpu.memref_slice %arg5[%dma_wait3A_174, %dma_wait3A_175] : memref<16384x64xf32, #tpu.memory_space<hbm>> -> memref<512x64xf32, #tpu.memory_space<hbm>>
      tpu.wait_dma2 semaphore(%arg14 : memref<!tpu.dma_semaphore, #tpu.memory_space<semaphore_mem>>) src(%dma_wait3A_176 : memref<512x64xf32, #tpu.memory_space<hbm>>) dst(%arg10 : memref<512x64xf32, #tpu.memory_space<vmem>>)
      %rem3A_177 = arith.constant 3 : i32
      %rem3A_178 = arith.remsi %add3A_170, %rem3A_177 : i32
      %scan3A_179 = arith.constant 0 : i32
      %scan3A_180 = arith.constant 32 : i32
      %scan3A_181 = arith.addi %scan3A_179, %scan3A_180 : i32
      %scan3A_182 = arith.constant 1 : i32
      scf.for %scan3A_263 = %scan3A_179 to %scan3A_181 step %scan3A_182  : i32 {
        %mul3A_264 = arith.constant 1 : i32
        %mul3A_265 = arith.muli %scan3A_263, %mul3A_264 : i32
        %add3A_266 = arith.constant 0 : i32
        %add3A_267 = arith.addi %add3A_266, %mul3A_265 : i32
        %mul3A_268 = arith.constant 16 : i32
        %mul3A_269 = arith.muli %add3A_267, %mul3A_268 : i32
        %get3A = arith.index_cast %rem3A_178 : i32 to index
        %get3A_270 = arith.index_cast %mul3A_269 : i32 to index
        %get3A_271 = tpu.vector_load %arg9[%get3A, %get3A_270] {strides = array<i32>} : memref<3x512xf32, #tpu.memory_space<vmem>>, vector<1x16xf32>,
        %get3A_272 = vector.shape_cast %get3A_271 : vector<1x16xf32> to vector<16xf32>
        %slice3A = vector.extract_strided_slice %get3A_272 {offsets = [0], sizes = [1], strides = [1]} : vector<16xf32> to vector<1xf32>
        %squeeze3A = vector.extract %slice3A[0] : f32 from vector<1xf32>
        %mul3A_273 = arith.constant 16 : i32
        %mul3A_274 = arith.muli %add3A_267, %mul3A_273 : i32
        %add3A_275 = arith.constant 0 : i32
        %add3A_276 = arith.addi %mul3A_274, %add3A_275 : i32
        %get3A_277 = arith.index_cast %add3A_276 : i32 to index
        %get3A_278 = arith.constant 0 : index
        %get3A_279 = tpu.vector_load %arg10[%get3A_277, %get3A_278] {strides = array<i32>} : memref<512x64xf32, #tpu.memory_space<vmem>>, vector<1x16xf32>,
        %get3A_280 = vector.shape_cast %get3A_279 : vector<1x16xf32> to vector<16xf32>
        %mul3A_281 = vector.broadcast %squeeze3A : f32 to vector<16xf32>
        %mul3A_282 = arith.mulf %get3A_280, %mul3A_281 : vector<16xf32>
        %swap3A = arith.index_cast %add3A_276 : i32 to index
        %swap3A_283 = arith.constant 0 : index
        %swap3A_284 = tpu.vector_load %arg10[%swap3A, %swap3A_283] {strides = array<i32>} : memref<512x64xf32, #tpu.memory_space<vmem>>, vector<1x16xf32>,
        %swap3A_285 = vector.shape_cast %swap3A_284 : vector<1x16xf32> to vector<16xf32>
        %swap3A_286 = vector.shape_cast %mul3A_282 : vector<16xf32> to vector<1x16xf32>
        tpu.vector_store %arg10[%swap3A, %swap3A_283], %swap3A_286 {strides = array<i32>} : memref<512x64xf32, #tpu.memory_space<vmem>>, vector<1x16xf32>,
        %get3A_287 = arith.index_cast %add3A_276 : i32 to index
        %get3A_288 = arith.constant 16 : index
        %get3A_289 = tpu.vector_load %arg10[%get3A_287, %get3A_288] {strides = array<i32>} : memref<512x64xf32, #tpu.memory_space<vmem>>, vector<1x16xf32>,
        %get3A_290 = vector.shape_cast %get3A_289 : vector<1x16xf32> to vector<16xf32>
        %mul3A_291 = vector.broadcast %squeeze3A : f32 to vector<16xf32>
        %mul3A_292 = arith.mulf %get3A_290, %mul3A_291 : vector<16xf32>
        %swap3A_293 = arith.index_cast %add3A_276 : i32 to index
        %swap3A_294 = arith.constant 16 : index
        %swap3A_295 = tpu.vector_load %arg10[%swap3A_293, %swap3A_294] {strides = array<i32>} : memref<512x64xf32, #tpu.memory_space<vmem>>, vector<1x16xf32>,
        %swap3A_296 = vector.shape_cast %swap3A_295 : vector<1x16xf32> to vector<16xf32>
        %swap3A_297 = vector.shape_cast %mul3A_292 : vector<16xf32> to vector<1x16xf32>
        tpu.vector_store %arg10[%swap3A_293, %swap3A_294], %swap3A_297 {strides = array<i32>} : memref<512x64xf32, #tpu.memory_space<vmem>>, vector<1x16xf32>,
        %get3A_298 = arith.index_cast %add3A_276 : i32 to index
        %get3A_299 = arith.constant 32 : index
        %get3A_300 = tpu.vector_load %arg10[%get3A_298, %get3A_299] {strides = array<i32>} : memref<512x64xf32, #tpu.memory_space<vmem>>, vector<1x16xf32>,
        %get3A_301 = vector.shape_cast %get3A_300 : vector<1x16xf32> to vector<16xf32>
        %mul3A_302 = vector.broadcast %squeeze3A : f32 to vector<16xf32>
        %mul3A_303 = arith.mulf %get3A_301, %mul3A_302 : vector<16xf32>
        %swap3A_304 = arith.index_cast %add3A_276 : i32 to index
        %swap3A_305 = arith.constant 32 : index
        %swap3A_306 = tpu.vector_load %arg10[%swap3A_304, %swap3A_305] {strides = array<i32>} : memref<512x64xf32, #tpu.memory_space<vmem>>, vector<1x16xf32>,
        %swap3A_307 = vector.shape_cast %swap3A_306 : vector<1x16xf32> to vector<16xf32>
        %swap3A_308 = vector.shape_cast %mul3A_303 : vector<16xf32> to vector<1x16xf32>
        tpu.vector_store %arg10[%swap3A_304, %swap3A_305], %swap3A_308 {strides = array<i32>} : memref<512x64xf32, #tpu.memory_space<vmem>>, vector<1x16xf32>,
        %get3A_309 = arith.index_cast %add3A_276 : i32 to index
        %get3A_310 = arith.constant 48 : index
        %get3A_311 = tpu.vector_load %arg10[%get3A_309, %get3A_310] {strides = array<i32>} : memref<512x64xf32, #tpu.memory_space<vmem>>, vector<1x16xf32>,
        %get3A_312 = vector.shape_cast %get3A_311 : vector<1x16xf32> to vector<16xf32>
        %mul3A_313 = vector.broadcast %squeeze3A : f32 to vector<16xf32>
        %mul3A_314 = arith.mulf %get3A_312, %mul3A_313 : vector<16xf32>
        %swap3A_315 = arith.index_cast %add3A_276 : i32 to index
        %swap3A_316 = arith.constant 48 : index
        %swap3A_317 = tpu.vector_load %arg10[%swap3A_315, %swap3A_316] {strides = array<i32>} : memref<512x64xf32, #tpu.memory_space<vmem>>, vector<1x16xf32>,
        %swap3A_318 = vector.shape_cast %swap3A_317 : vector<1x16xf32> to vector<16xf32>
        %swap3A_319 = vector.shape_cast %mul3A_314 : vector<16xf32> to vector<1x16xf32>
        tpu.vector_store %arg10[%swap3A_315, %swap3A_316], %swap3A_319 {strides = array<i32>} : memref<512x64xf32, #tpu.memory_space<vmem>>, vector<1x16xf32>,
        %slice3A_320 = vector.extract_strided_slice %get3A_272 {offsets = [1], sizes = [1], strides = [1]} : vector<16xf32> to vector<1xf32>
        %squeeze3A_321 = vector.extract %slice3A_320[0] : f32 from vector<1xf32>
        %mul3A_322 = arith.constant 16 : i32
        %mul3A_323 = arith.muli %add3A_267, %mul3A_322 : i32
        %add3A_324 = arith.constant 1 : i32
        %add3A_325 = arith.addi %mul3A_323, %add3A_324 : i32
        %get3A_326 = arith.index_cast %add3A_325 : i32 to index
        %get3A_327 = arith.constant 0 : index
        %get3A_328 = tpu.vector_load %arg10[%get3A_326, %get3A_327] {strides = array<i32>} : memref<512x64xf32, #tpu.memory_space<vmem>>, vector<1x16xf32>,
        %get3A_329 = vector.shape_cast %get3A_328 : vector<1x16xf32> to vector<16xf32>
        %mul3A_330 = vector.broadcast %squeeze3A_321 : f32 to vector<16xf32>
        %mul3A_331 = arith.mulf %get3A_329, %mul3A_330 : vector<16xf32>
        %swap3A_332 = arith.index_cast %add3A_325 : i32 to index
        %swap3A_333 = arith.constant 0 : index
        %swap3A_334 = tpu.vector_load %arg10[%swap3A_332, %swap3A_333] {strides = array<i32>} : memref<512x64xf32, #tpu.memory_space<vmem>>, vector<1x16xf32>,
        %swap3A_335 = vector.shape_cast %swap3A_334 : vector<1x16xf32> to vector<16xf32>
        %swap3A_336 = vector.shape_cast %mul3A_331 : vector<16xf32> to vector<1x16xf32>
        tpu.vector_store %arg10[%swap3A_332, %swap3A_333], %swap3A_336 {strides = array<i32>} : memref<512x64xf32, #tpu.memory_space<vmem>>, vector<1x16xf32>,
        %get3A_337 = arith.index_cast %add3A_325 : i32 to index
        %get3A_338 = arith.constant 16 : index
        %get3A_339 = tpu.vector_load %arg10[%get3A_337, %get3A_338] {strides = array<i32>} : memref<512x64xf32, #tpu.memory_space<vmem>>, vector<1x16xf32>,
        %get3A_340 = vector.shape_cast %get3A_339 : vector<1x16xf32> to vector<16xf32>
        %mul3A_341 = vector.broadcast %squeeze3A_321 : f32 to vector<16xf32>
        %mul3A_342 = arith.mulf %get3A_340, %mul3A_341 : vector<16xf32>
        %swap3A_343 = arith.index_cast %add3A_325 : i32 to index
        %swap3A_344 = arith.constant 16 : index
        %swap3A_345 = tpu.vector_load %arg10[%swap3A_343, %swap3A_344] {strides = array<i32>} : memref<512x64xf32, #tpu.memory_space<vmem>>, vector<1x16xf32>,
        %swap3A_346 = vector.shape_cast %swap3A_345 : vector<1x16xf32> to vector<16xf32>
        %swap3A_347 = vector.shape_cast %mul3A_342 : vector<16xf32> to vector<1x16xf32>
        tpu.vector_store %arg10[%swap3A_343, %swap3A_344], %swap3A_347 {strides = array<i32>} : memref<512x64xf32, #tpu.memory_space<vmem>>, vector<1x16xf32>,
        %get3A_348 = arith.index_cast %add3A_325 : i32 to index
        %get3A_349 = arith.constant 32 : index
        %get3A_350 = tpu.vector_load %arg10[%get3A_348, %get3A_349] {strides = array<i32>} : memref<512x64xf32, #tpu.memory_space<vmem>>, vector<1x16xf32>,
        %get3A_351 = vector.shape_cast %get3A_350 : vector<1x16xf32> to vector<16xf32>
        %mul3A_352 = vector.broadcast %squeeze3A_321 : f32 to vector<16xf32>
        %mul3A_353 = arith.mulf %get3A_351, %mul3A_352 : vector<16xf32>
        %swap3A_354 = arith.index_cast %add3A_325 : i32 to index
        %swap3A_355 = arith.constant 32 : index
        %swap3A_356 = tpu.vector_load %arg10[%swap3A_354, %swap3A_355] {strides = array<i32>} : memref<512x64xf32, #tpu.memory_space<vmem>>, vector<1x16xf32>,
        %swap3A_357 = vector.shape_cast %swap3A_356 : vector<1x16xf32> to vector<16xf32>
        %swap3A_358 = vector.shape_cast %mul3A_353 : vector<16xf32> to vector<1x16xf32>
        tpu.vector_store %arg10[%swap3A_354, %swap3A_355], %swap3A_358 {strides = array<i32>} : memref<512x64xf32, #tpu.memory_space<vmem>>, vector<1x16xf32>,
        %get3A_359 = arith.index_cast %add3A_325 : i32 to index
        %get3A_360 = arith.constant 48 : index
        %get3A_361 = tpu.vector_load %arg10[%get3A_359, %get3A_360] {strides = array<i32>} : memref<512x64xf32, #tpu.memory_space<vmem>>, vector<1x16xf32>,
        %get3A_362 = vector.shape_cast %get3A_361 : vector<1x16xf32> to vector<16xf32>
        %mul3A_363 = vector.broadcast %squeeze3A_321 : f32 to vector<16xf32>
        %mul3A_364 = arith.mulf %get3A_362, %mul3A_363 : vector<16xf32>
        %swap3A_365 = arith.index_cast %add3A_325 : i32 to index
        %swap3A_366 = arith.constant 48 : index
        %swap3A_367 = tpu.vector_load %arg10[%swap3A_365, %swap3A_366] {strides = array<i32>} : memref<512x64xf32, #tpu.memory_space<vmem>>, vector<1x16xf32>,
        %swap3A_368 = vector.shape_cast %swap3A_367 : vector<1x16xf32> to vector<16xf32>
        %swap3A_369 = vector.shape_cast %mul3A_364 : vector<16xf32> to vector<1x16xf32>
        tpu.vector_store %arg10[%swap3A_365, %swap3A_366], %swap3A_369 {strides = array<i32>} : memref<512x64xf32, #tpu.memory_space<vmem>>, vector<1x16xf32>,
        %slice3A_370 = vector.extract_strided_slice %get3A_272 {offsets = [2], sizes = [1], strides = [1]} : vector<16xf32> to vector<1xf32>
        %squeeze3A_371 = vector.extract %slice3A_370[0] : f32 from vector<1xf32>
        %mul3A_372 = arith.constant 16 : i32
        %mul3A_373 = arith.muli %add3A_267, %mul3A_372 : i32
        %add3A_374 = arith.constant 2 : i32
        %add3A_375 = arith.addi %mul3A_373, %add3A_374 : i32
        %get3A_376 = arith.index_cast %add3A_375 : i32 to index
        %get3A_377 = arith.constant 0 : index
        %get3A_378 = tpu.vector_load %arg10[%get3A_376, %get3A_377] {strides = array<i32>} : memref<512x64xf32, #tpu.memory_space<vmem>>, vector<1x16xf32>,
        %get3A_379 = vector.shape_cast %get3A_378 : vector<1x16xf32> to vector<16xf32>
        %mul3A_380 = vector.broadcast %squeeze3A_371 : f32 to vector<16xf32>
        %mul3A_381 = arith.mulf %get3A_379, %mul3A_380 : vector<16xf32>
        %swap3A_382 = arith.index_cast %add3A_375 : i32 to index
        %swap3A_383 = arith.constant 0 : index
        %swap3A_384 = tpu.vector_load %arg10[%swap3A_382, %swap3A_383] {strides = array<i32>} : memref<512x64xf32, #tpu.memory_space<vmem>>, vector<1x16xf32>,
        %swap3A_385 = vector.shape_cast %swap3A_384 : vector<1x16xf32> to vector<16xf32>
        %swap3A_386 = vector.shape_cast %mul3A_381 : vector<16xf32> to vector<1x16xf32>
        tpu.vector_store %arg10[%swap3A_382, %swap3A_383], %swap3A_386 {strides = array<i32>} : memref<512x64xf32, #tpu.memory_space<vmem>>, vector<1x16xf32>,
        %get3A_387 = arith.index_cast %add3A_375 : i32 to index
        %get3A_388 = arith.constant 16 : index
        %get3A_389 = tpu.vector_load %arg10[%get3A_387, %get3A_388] {strides = array<i32>} : memref<512x64xf32, #tpu.memory_space<vmem>>, vector<1x16xf32>,
        %get3A_390 = vector.shape_cast %get3A_389 : vector<1x16xf32> to vector<16xf32>
        %mul3A_391 = vector.broadcast %squeeze3A_371 : f32 to vector<16xf32>
        %mul3A_392 = arith.mulf %get3A_390, %mul3A_391 : vector<16xf32>
        %swap3A_393 = arith.index_cast %add3A_375 : i32 to index
        %swap3A_394 = arith.constant 16 : index
        %swap3A_395 = tpu.vector_load %arg10[%swap3A_393, %swap3A_394] {strides = array<i32>} : memref<512x64xf32, #tpu.memory_space<vmem>>, vector<1x16xf32>,
        %swap3A_396 = vector.shape_cast %swap3A_395 : vector<1x16xf32> to vector<16xf32>
        %swap3A_397 = vector.shape_cast %mul3A_392 : vector<16xf32> to vector<1x16xf32>
        tpu.vector_store %arg10[%swap3A_393, %swap3A_394], %swap3A_397 {strides = array<i32>} : memref<512x64xf32, #tpu.memory_space<vmem>>, vector<1x16xf32>,
        %get3A_398 = arith.index_cast %add3A_375 : i32 to index
        %get3A_399 = arith.constant 32 : index
        %get3A_400 = tpu.vector_load %arg10[%get3A_398, %get3A_399] {strides = array<i32>} : memref<512x64xf32, #tpu.memory_space<vmem>>, vector<1x16xf32>,
        %get3A_401 = vector.shape_cast %get3A_400 : vector<1x16xf32> to vector<16xf32>
        %mul3A_402 = vector.broadcast %squeeze3A_371 : f32 to vector<16xf32>
        %mul3A_403 = arith.mulf %get3A_401, %mul3A_402 : vector<16xf32>
        %swap3A_404 = arith.index_cast %add3A_375 : i32 to index
        %swap3A_405 = arith.constant 32 : index
        %swap3A_406 = tpu.vector_load %arg10[%swap3A_404, %swap3A_405] {strides = array<i32>} : memref<512x64xf32, #tpu.memory_space<vmem>>, vector<1x16xf32>,
        %swap3A_407 = vector.shape_cast %swap3A_406 : vector<1x16xf32> to vector<16xf32>
        %swap3A_408 = vector.shape_cast %mul3A_403 : vector<16xf32> to vector<1x16xf32>
        tpu.vector_store %arg10[%swap3A_404, %swap3A_405], %swap3A_408 {strides = array<i32>} : memref<512x64xf32, #tpu.memory_space<vmem>>, vector<1x16xf32>,
        %get3A_409 = arith.index_cast %add3A_375 : i32 to index
        %get3A_410 = arith.constant 48 : index
        %get3A_411 = tpu.vector_load %arg10[%get3A_409, %get3A_410] {strides = array<i32>} : memref<512x64xf32, #tpu.memory_space<vmem>>, vector<1x16xf32>,
        %get3A_412 = vector.shape_cast %get3A_411 : vector<1x16xf32> to vector<16xf32>
        %mul3A_413 = vector.broadcast %squeeze3A_371 : f32 to vector<16xf32>
        %mul3A_414 = arith.mulf %get3A_412, %mul3A_413 : vector<16xf32>
        %swap3A_415 = arith.index_cast %add3A_375 : i32 to index
        %swap3A_416 = arith.constant 48 : index
        %swap3A_417 = tpu.vector_load %arg10[%swap3A_415, %swap3A_416] {strides = array<i32>} : memref<512x64xf32, #tpu.memory_space<vmem>>, vector<1x16xf32>,
        %swap3A_418 = vector.shape_cast %swap3A_417 : vector<1x16xf32> to vector<16xf32>
        %swap3A_419 = vector.shape_cast %mul3A_414 : vector<16xf32> to vector<1x16xf32>
        tpu.vector_store %arg10[%swap3A_415, %swap3A_416], %swap3A_419 {strides = array<i32>} : memref<512x64xf32, #tpu.memory_space<vmem>>, vector<1x16xf32>,
        %slice3A_420 = vector.extract_strided_slice %get3A_272 {offsets = [3], sizes = [1], strides = [1]} : vector<16xf32> to vector<1xf32>
        %squeeze3A_421 = vector.extract %slice3A_420[0] : f32 from vector<1xf32>
        %mul3A_422 = arith.constant 16 : i32
        %mul3A_423 = arith.muli %add3A_267, %mul3A_422 : i32
        %add3A_424 = arith.constant 3 : i32
        %add3A_425 = arith.addi %mul3A_423, %add3A_424 : i32
        %get3A_426 = arith.index_cast %add3A_425 : i32 to index
        %get3A_427 = arith.constant 0 : index
        %get3A_428 = tpu.vector_load %arg10[%get3A_426, %get3A_427] {strides = array<i32>} : memref<512x64xf32, #tpu.memory_space<vmem>>, vector<1x16xf32>,
        %get3A_429 = vector.shape_cast %get3A_428 : vector<1x16xf32> to vector<16xf32>
        %mul3A_430 = vector.broadcast %squeeze3A_421 : f32 to vector<16xf32>
        %mul3A_431 = arith.mulf %get3A_429, %mul3A_430 : vector<16xf32>
        %swap3A_432 = arith.index_cast %add3A_425 : i32 to index
        %swap3A_433 = arith.constant 0 : index
        %swap3A_434 = tpu.vector_load %arg10[%swap3A_432, %swap3A_433] {strides = array<i32>} : memref<512x64xf32, #tpu.memory_space<vmem>>, vector<1x16xf32>,
        %swap3A_435 = vector.shape_cast %swap3A_434 : vector<1x16xf32> to vector<16xf32>
        %swap3A_436 = vector.shape_cast %mul3A_431 : vector<16xf32> to vector<1x16xf32>
        tpu.vector_store %arg10[%swap3A_432, %swap3A_433], %swap3A_436 {strides = array<i32>} : memref<512x64xf32, #tpu.memory_space<vmem>>, vector<1x16xf32>,
        %get3A_437 = arith.index_cast %add3A_425 : i32 to index
        %get3A_438 = arith.constant 16 : index
        %get3A_439 = tpu.vector_load %arg10[%get3A_437, %get3A_438] {strides = array<i32>} : memref<512x64xf32, #tpu.memory_space<vmem>>, vector<1x16xf32>,
        %get3A_440 = vector.shape_cast %get3A_439 : vector<1x16xf32> to vector<16xf32>
        %mul3A_441 = vector.broadcast %squeeze3A_421 : f32 to vector<16xf32>
        %mul3A_442 = arith.mulf %get3A_440, %mul3A_441 : vector<16xf32>
        %swap3A_443 = arith.index_cast %add3A_425 : i32 to index
        %swap3A_444 = arith.constant 16 : index
        %swap3A_445 = tpu.vector_load %arg10[%swap3A_443, %swap3A_444] {strides = array<i32>} : memref<512x64xf32, #tpu.memory_space<vmem>>, vector<1x16xf32>,
        %swap3A_446 = vector.shape_cast %swap3A_445 : vector<1x16xf32> to vector<16xf32>
        %swap3A_447 = vector.shape_cast %mul3A_442 : vector<16xf32> to vector<1x16xf32>
        tpu.vector_store %arg10[%swap3A_443, %swap3A_444], %swap3A_447 {strides = array<i32>} : memref<512x64xf32, #tpu.memory_space<vmem>>, vector<1x16xf32>,
        %get3A_448 = arith.index_cast %add3A_425 : i32 to index
        %get3A_449 = arith.constant 32 : index
        %get3A_450 = tpu.vector_load %arg10[%get3A_448, %get3A_449] {strides = array<i32>} : memref<512x64xf32, #tpu.memory_space<vmem>>, vector<1x16xf32>,
        %get3A_451 = vector.shape_cast %get3A_450 : vector<1x16xf32> to vector<16xf32>
        %mul3A_452 = vector.broadcast %squeeze3A_421 : f32 to vector<16xf32>
        %mul3A_453 = arith.mulf %get3A_451, %mul3A_452 : vector<16xf32>
        %swap3A_454 = arith.index_cast %add3A_425 : i32 to index
        %swap3A_455 = arith.constant 32 : index
        %swap3A_456 = tpu.vector_load %arg10[%swap3A_454, %swap3A_455] {strides = array<i32>} : memref<512x64xf32, #tpu.memory_space<vmem>>, vector<1x16xf32>,
        %swap3A_457 = vector.shape_cast %swap3A_456 : vector<1x16xf32> to vector<16xf32>
        %swap3A_458 = vector.shape_cast %mul3A_453 : vector<16xf32> to vector<1x16xf32>
        tpu.vector_store %arg10[%swap3A_454, %swap3A_455], %swap3A_458 {strides = array<i32>} : memref<512x64xf32, #tpu.memory_space<vmem>>, vector<1x16xf32>,
        %get3A_459 = arith.index_cast %add3A_425 : i32 to index
        %get3A_460 = arith.constant 48 : index
        %get3A_461 = tpu.vector_load %arg10[%get3A_459, %get3A_460] {strides = array<i32>} : memref<512x64xf32, #tpu.memory_space<vmem>>, vector<1x16xf32>,
        %get3A_462 = vector.shape_cast %get3A_461 : vector<1x16xf32> to vector<16xf32>
        %mul3A_463 = vector.broadcast %squeeze3A_421 : f32 to vector<16xf32>
        %mul3A_464 = arith.mulf %get3A_462, %mul3A_463 : vector<16xf32>
        %swap3A_465 = arith.index_cast %add3A_425 : i32 to index
        %swap3A_466 = arith.constant 48 : index
        %swap3A_467 = tpu.vector_load %arg10[%swap3A_465, %swap3A_466] {strides = array<i32>} : memref<512x64xf32, #tpu.memory_space<vmem>>, vector<1x16xf32>,
        %swap3A_468 = vector.shape_cast %swap3A_467 : vector<1x16xf32> to vector<16xf32>
        %swap3A_469 = vector.shape_cast %mul3A_464 : vector<16xf32> to vector<1x16xf32>
        tpu.vector_store %arg10[%swap3A_465, %swap3A_466], %swap3A_469 {strides = array<i32>} : memref<512x64xf32, #tpu.memory_space<vmem>>, vector<1x16xf32>,
        %slice3A_470 = vector.extract_strided_slice %get3A_272 {offsets = [4], sizes = [1], strides = [1]} : vector<16xf32> to vector<1xf32>
        %squeeze3A_471 = vector.extract %slice3A_470[0] : f32 from vector<1xf32>
        %mul3A_472 = arith.constant 16 : i32
        %mul3A_473 = arith.muli %add3A_267, %mul3A_472 : i32
        %add3A_474 = arith.constant 4 : i32
        %add3A_475 = arith.addi %mul3A_473, %add3A_474 : i32
        %get3A_476 = arith.index_cast %add3A_475 : i32 to index
        %get3A_477 = arith.constant 0 : index
        %get3A_478 = tpu.vector_load %arg10[%get3A_476, %get3A_477] {strides = array<i32>} : memref<512x64xf32, #tpu.memory_space<vmem>>, vector<1x16xf32>,
        %get3A_479 = vector.shape_cast %get3A_478 : vector<1x16xf32> to vector<16xf32>
        %mul3A_480 = vector.broadcast %squeeze3A_471 : f32 to vector<16xf32>
        %mul3A_481 = arith.mulf %get3A_479, %mul3A_480 : vector<16xf32>
        %swap3A_482 = arith.index_cast %add3A_475 : i32 to index
        %swap3A_483 = arith.constant 0 : index
        %swap3A_484 = tpu.vector_load %arg10[%swap3A_482, %swap3A_483] {strides = array<i32>} : memref<512x64xf32, #tpu.memory_space<vmem>>, vector<1x16xf32>,
        %swap3A_485 = vector.shape_cast %swap3A_484 : vector<1x16xf32> to vector<16xf32>
        %swap3A_486 = vector.shape_cast %mul3A_481 : vector<16xf32> to vector<1x16xf32>
        tpu.vector_store %arg10[%swap3A_482, %swap3A_483], %swap3A_486 {strides = array<i32>} : memref<512x64xf32, #tpu.memory_space<vmem>>, vector<1x16xf32>,
        %get3A_487 = arith.index_cast %add3A_475 : i32 to index
        %get3A_488 = arith.constant 16 : index
        %get3A_489 = tpu.vector_load %arg10[%get3A_487, %get3A_488] {strides = array<i32>} : memref<512x64xf32, #tpu.memory_space<vmem>>, vector<1x16xf32>,
        %get3A_490 = vector.shape_cast %get3A_489 : vector<1x16xf32> to vector<16xf32>
        %mul3A_491 = vector.broadcast %squeeze3A_471 : f32 to vector<16xf32>
        %mul3A_492 = arith.mulf %get3A_490, %mul3A_491 : vector<16xf32>
        %swap3A_493 = arith.index_cast %add3A_475 : i32 to index
        %swap3A_494 = arith.constant 16 : index
        %swap3A_495 = tpu.vector_load %arg10[%swap3A_493, %swap3A_494] {strides = array<i32>} : memref<512x64xf32, #tpu.memory_space<vmem>>, vector<1x16xf32>,
        %swap3A_496 = vector.shape_cast %swap3A_495 : vector<1x16xf32> to vector<16xf32>
        %swap3A_497 = vector.shape_cast %mul3A_492 : vector<16xf32> to vector<1x16xf32>
        tpu.vector_store %arg10[%swap3A_493, %swap3A_494], %swap3A_497 {strides = array<i32>} : memref<512x64xf32, #tpu.memory_space<vmem>>, vector<1x16xf32>,
        %get3A_498 = arith.index_cast %add3A_475 : i32 to index
        %get3A_499 = arith.constant 32 : index
        %get3A_500 = tpu.vector_load %arg10[%get3A_498, %get3A_499] {strides = array<i32>} : memref<512x64xf32, #tpu.memory_space<vmem>>, vector<1x16xf32>,
        %get3A_501 = vector.shape_cast %get3A_500 : vector<1x16xf32> to vector<16xf32>
        %mul3A_502 = vector.broadcast %squeeze3A_471 : f32 to vector<16xf32>
        %mul3A_503 = arith.mulf %get3A_501, %mul3A_502 : vector<16xf32>
        %swap3A_504 = arith.index_cast %add3A_475 : i32 to index
        %swap3A_505 = arith.constant 32 : index
        %swap3A_506 = tpu.vector_load %arg10[%swap3A_504, %swap3A_505] {strides = array<i32>} : memref<512x64xf32, #tpu.memory_space<vmem>>, vector<1x16xf32>,
        %swap3A_507 = vector.shape_cast %swap3A_506 : vector<1x16xf32> to vector<16xf32>
        %swap3A_508 = vector.shape_cast %mul3A_503 : vector<16xf32> to vector<1x16xf32>
        tpu.vector_store %arg10[%swap3A_504, %swap3A_505], %swap3A_508 {strides = array<i32>} : memref<512x64xf32, #tpu.memory_space<vmem>>, vector<1x16xf32>,
        %get3A_509 = arith.index_cast %add3A_475 : i32 to index
        %get3A_510 = arith.constant 48 : index
        %get3A_511 = tpu.vector_load %arg10[%get3A_509, %get3A_510] {strides = array<i32>} : memref<512x64xf32, #tpu.memory_space<vmem>>, vector<1x16xf32>,
        %get3A_512 = vector.shape_cast %get3A_511 : vector<1x16xf32> to vector<16xf32>
        %mul3A_513 = vector.broadcast %squeeze3A_471 : f32 to vector<16xf32>
        %mul3A_514 = arith.mulf %get3A_512, %mul3A_513 : vector<16xf32>
        %swap3A_515 = arith.index_cast %add3A_475 : i32 to index
        %swap3A_516 = arith.constant 48 : index
        %swap3A_517 = tpu.vector_load %arg10[%swap3A_515, %swap3A_516] {strides = array<i32>} : memref<512x64xf32, #tpu.memory_space<vmem>>, vector<1x16xf32>,
        %swap3A_518 = vector.shape_cast %swap3A_517 : vector<1x16xf32> to vector<16xf32>
        %swap3A_519 = vector.shape_cast %mul3A_514 : vector<16xf32> to vector<1x16xf32>
        tpu.vector_store %arg10[%swap3A_515, %swap3A_516], %swap3A_519 {strides = array<i32>} : memref<512x64xf32, #tpu.memory_space<vmem>>, vector<1x16xf32>,
        %slice3A_520 = vector.extract_strided_slice %get3A_272 {offsets = [5], sizes = [1], strides = [1]} : vector<16xf32> to vector<1xf32>
        %squeeze3A_521 = vector.extract %slice3A_520[0] : f32 from vector<1xf32>
        %mul3A_522 = arith.constant 16 : i32
        %mul3A_523 = arith.muli %add3A_267, %mul3A_522 : i32
        %add3A_524 = arith.constant 5 : i32
        %add3A_525 = arith.addi %mul3A_523, %add3A_524 : i32
        %get3A_526 = arith.index_cast %add3A_525 : i32 to index
        %get3A_527 = arith.constant 0 : index
        %get3A_528 = tpu.vector_load %arg10[%get3A_526, %get3A_527] {strides = array<i32>} : memref<512x64xf32, #tpu.memory_space<vmem>>, vector<1x16xf32>,
        %get3A_529 = vector.shape_cast %get3A_528 : vector<1x16xf32> to vector<16xf32>
        %mul3A_530 = vector.broadcast %squeeze3A_521 : f32 to vector<16xf32>
        %mul3A_531 = arith.mulf %get3A_529, %mul3A_530 : vector<16xf32>
        %swap3A_532 = arith.index_cast %add3A_525 : i32 to index
        %swap3A_533 = arith.constant 0 : index
        %swap3A_534 = tpu.vector_load %arg10[%swap3A_532, %swap3A_533] {strides = array<i32>} : memref<512x64xf32, #tpu.memory_space<vmem>>, vector<1x16xf32>,
        %swap3A_535 = vector.shape_cast %swap3A_534 : vector<1x16xf32> to vector<16xf32>
        %swap3A_536 = vector.shape_cast %mul3A_531 : vector<16xf32> to vector<1x16xf32>
        tpu.vector_store %arg10[%swap3A_532, %swap3A_533], %swap3A_536 {strides = array<i32>} : memref<512x64xf32, #tpu.memory_space<vmem>>, vector<1x16xf32>,
        %get3A_537 = arith.index_cast %add3A_525 : i32 to index
        %get3A_538 = arith.constant 16 : index
        %get3A_539 = tpu.vector_load %arg10[%get3A_537, %get3A_538] {strides = array<i32>} : memref<512x64xf32, #tpu.memory_space<vmem>>, vector<1x16xf32>,
        %get3A_540 = vector.shape_cast %get3A_539 : vector<1x16xf32> to vector<16xf32>
        %mul3A_541 = vector.broadcast %squeeze3A_521 : f32 to vector<16xf32>
        %mul3A_542 = arith.mulf %get3A_540, %mul3A_541 : vector<16xf32>
        %swap3A_543 = arith.index_cast %add3A_525 : i32 to index
        %swap3A_544 = arith.constant 16 : index
        %swap3A_545 = tpu.vector_load %arg10[%swap3A_543, %swap3A_544] {strides = array<i32>} : memref<512x64xf32, #tpu.memory_space<vmem>>, vector<1x16xf32>,
        %swap3A_546 = vector.shape_cast %swap3A_545 : vector<1x16xf32> to vector<16xf32>
        %swap3A_547 = vector.shape_cast %mul3A_542 : vector<16xf32> to vector<1x16xf32>
        tpu.vector_store %arg10[%swap3A_543, %swap3A_544], %swap3A_547 {strides = array<i32>} : memref<512x64xf32, #tpu.memory_space<vmem>>, vector<1x16xf32>,
        %get3A_548 = arith.index_cast %add3A_525 : i32 to index
        %get3A_549 = arith.constant 32 : index
        %get3A_550 = tpu.vector_load %arg10[%get3A_548, %get3A_549] {strides = array<i32>} : memref<512x64xf32, #tpu.memory_space<vmem>>, vector<1x16xf32>,
        %get3A_551 = vector.shape_cast %get3A_550 : vector<1x16xf32> to vector<16xf32>
        %mul3A_552 = vector.broadcast %squeeze3A_521 : f32 to vector<16xf32>
        %mul3A_553 = arith.mulf %get3A_551, %mul3A_552 : vector<16xf32>
        %swap3A_554 = arith.index_cast %add3A_525 : i32 to index
        %swap3A_555 = arith.constant 32 : index
        %swap3A_556 = tpu.vector_load %arg10[%swap3A_554, %swap3A_555] {strides = array<i32>} : memref<512x64xf32, #tpu.memory_space<vmem>>, vector<1x16xf32>,
        %swap3A_557 = vector.shape_cast %swap3A_556 : vector<1x16xf32> to vector<16xf32>
        %swap3A_558 = vector.shape_cast %mul3A_553 : vector<16xf32> to vector<1x16xf32>
        tpu.vector_store %arg10[%swap3A_554, %swap3A_555], %swap3A_558 {strides = array<i32>} : memref<512x64xf32, #tpu.memory_space<vmem>>, vector<1x16xf32>,
        %get3A_559 = arith.index_cast %add3A_525 : i32 to index
        %get3A_560 = arith.constant 48 : index
        %get3A_561 = tpu.vector_load %arg10[%get3A_559, %get3A_560] {strides = array<i32>} : memref<512x64xf32, #tpu.memory_space<vmem>>, vector<1x16xf32>,
        %get3A_562 = vector.shape_cast %get3A_561 : vector<1x16xf32> to vector<16xf32>
        %mul3A_563 = vector.broadcast %squeeze3A_521 : f32 to vector<16xf32>
        %mul3A_564 = arith.mulf %get3A_562, %mul3A_563 : vector<16xf32>
        %swap3A_565 = arith.index_cast %add3A_525 : i32 to index
        %swap3A_566 = arith.constant 48 : index
        %swap3A_567 = tpu.vector_load %arg10[%swap3A_565, %swap3A_566] {strides = array<i32>} : memref<512x64xf32, #tpu.memory_space<vmem>>, vector<1x16xf32>,
        %swap3A_568 = vector.shape_cast %swap3A_567 : vector<1x16xf32> to vector<16xf32>
        %swap3A_569 = vector.shape_cast %mul3A_564 : vector<16xf32> to vector<1x16xf32>
        tpu.vector_store %arg10[%swap3A_565, %swap3A_566], %swap3A_569 {strides = array<i32>} : memref<512x64xf32, #tpu.memory_space<vmem>>, vector<1x16xf32>,
        %slice3A_570 = vector.extract_strided_slice %get3A_272 {offsets = [6], sizes = [1], strides = [1]} : vector<16xf32> to vector<1xf32>
        %squeeze3A_571 = vector.extract %slice3A_570[0] : f32 from vector<1xf32>
        %mul3A_572 = arith.constant 16 : i32
        %mul3A_573 = arith.muli %add3A_267, %mul3A_572 : i32
        %add3A_574 = arith.constant 6 : i32
        %add3A_575 = arith.addi %mul3A_573, %add3A_574 : i32
        %get3A_576 = arith.index_cast %add3A_575 : i32 to index
        %get3A_577 = arith.constant 0 : index
        %get3A_578 = tpu.vector_load %arg10[%get3A_576, %get3A_577] {strides = array<i32>} : memref<512x64xf32, #tpu.memory_space<vmem>>, vector<1x16xf32>,
        %get3A_579 = vector.shape_cast %get3A_578 : vector<1x16xf32> to vector<16xf32>
        %mul3A_580 = vector.broadcast %squeeze3A_571 : f32 to vector<16xf32>
        %mul3A_581 = arith.mulf %get3A_579, %mul3A_580 : vector<16xf32>
        %swap3A_582 = arith.index_cast %add3A_575 : i32 to index
        %swap3A_583 = arith.constant 0 : index
        %swap3A_584 = tpu.vector_load %arg10[%swap3A_582, %swap3A_583] {strides = array<i32>} : memref<512x64xf32, #tpu.memory_space<vmem>>, vector<1x16xf32>,
        %swap3A_585 = vector.shape_cast %swap3A_584 : vector<1x16xf32> to vector<16xf32>
        %swap3A_586 = vector.shape_cast %mul3A_581 : vector<16xf32> to vector<1x16xf32>
        tpu.vector_store %arg10[%swap3A_582, %swap3A_583], %swap3A_586 {strides = array<i32>} : memref<512x64xf32, #tpu.memory_space<vmem>>, vector<1x16xf32>,
        %get3A_587 = arith.index_cast %add3A_575 : i32 to index
        %get3A_588 = arith.constant 16 : index
        %get3A_589 = tpu.vector_load %arg10[%get3A_587, %get3A_588] {strides = array<i32>} : memref<512x64xf32, #tpu.memory_space<vmem>>, vector<1x16xf32>,
        %get3A_590 = vector.shape_cast %get3A_589 : vector<1x16xf32> to vector<16xf32>
        %mul3A_591 = vector.broadcast %squeeze3A_571 : f32 to vector<16xf32>
        %mul3A_592 = arith.mulf %get3A_590, %mul3A_591 : vector<16xf32>
        %swap3A_593 = arith.index_cast %add3A_575 : i32 to index
        %swap3A_594 = arith.constant 16 : index
        %swap3A_595 = tpu.vector_load %arg10[%swap3A_593, %swap3A_594] {strides = array<i32>} : memref<512x64xf32, #tpu.memory_space<vmem>>, vector<1x16xf32>,
        %swap3A_596 = vector.shape_cast %swap3A_595 : vector<1x16xf32> to vector<16xf32>
        %swap3A_597 = vector.shape_cast %mul3A_592 : vector<16xf32> to vector<1x16xf32>
        tpu.vector_store %arg10[%swap3A_593, %swap3A_594], %swap3A_597 {strides = array<i32>} : memref<512x64xf32, #tpu.memory_space<vmem>>, vector<1x16xf32>,
        %get3A_598 = arith.index_cast %add3A_575 : i32 to index
        %get3A_599 = arith.constant 32 : index
        %get3A_600 = tpu.vector_load %arg10[%get3A_598, %get3A_599] {strides = array<i32>} : memref<512x64xf32, #tpu.memory_space<vmem>>, vector<1x16xf32>,
        %get3A_601 = vector.shape_cast %get3A_600 : vector<1x16xf32> to vector<16xf32>
        %mul3A_602 = vector.broadcast %squeeze3A_571 : f32 to vector<16xf32>
        %mul3A_603 = arith.mulf %get3A_601, %mul3A_602 : vector<16xf32>
        %swap3A_604 = arith.index_cast %add3A_575 : i32 to index
        %swap3A_605 = arith.constant 32 : index
        %swap3A_606 = tpu.vector_load %arg10[%swap3A_604, %swap3A_605] {strides = array<i32>} : memref<512x64xf32, #tpu.memory_space<vmem>>, vector<1x16xf32>,
        %swap3A_607 = vector.shape_cast %swap3A_606 : vector<1x16xf32> to vector<16xf32>
        %swap3A_608 = vector.shape_cast %mul3A_603 : vector<16xf32> to vector<1x16xf32>
        tpu.vector_store %arg10[%swap3A_604, %swap3A_605], %swap3A_608 {strides = array<i32>} : memref<512x64xf32, #tpu.memory_space<vmem>>, vector<1x16xf32>,
        %get3A_609 = arith.index_cast %add3A_575 : i32 to index
        %get3A_610 = arith.constant 48 : index
        %get3A_611 = tpu.vector_load %arg10[%get3A_609, %get3A_610] {strides = array<i32>} : memref<512x64xf32, #tpu.memory_space<vmem>>, vector<1x16xf32>,
        %get3A_612 = vector.shape_cast %get3A_611 : vector<1x16xf32> to vector<16xf32>
        %mul3A_613 = vector.broadcast %squeeze3A_571 : f32 to vector<16xf32>
        %mul3A_614 = arith.mulf %get3A_612, %mul3A_613 : vector<16xf32>
        %swap3A_615 = arith.index_cast %add3A_575 : i32 to index
        %swap3A_616 = arith.constant 48 : index
        %swap3A_617 = tpu.vector_load %arg10[%swap3A_615, %swap3A_616] {strides = array<i32>} : memref<512x64xf32, #tpu.memory_space<vmem>>, vector<1x16xf32>,
        %swap3A_618 = vector.shape_cast %swap3A_617 : vector<1x16xf32> to vector<16xf32>
        %swap3A_619 = vector.shape_cast %mul3A_614 : vector<16xf32> to vector<1x16xf32>
        tpu.vector_store %arg10[%swap3A_615, %swap3A_616], %swap3A_619 {strides = array<i32>} : memref<512x64xf32, #tpu.memory_space<vmem>>, vector<1x16xf32>,
        %slice3A_620 = vector.extract_strided_slice %get3A_272 {offsets = [7], sizes = [1], strides = [1]} : vector<16xf32> to vector<1xf32>
        %squeeze3A_621 = vector.extract %slice3A_620[0] : f32 from vector<1xf32>
        %mul3A_622 = arith.constant 16 : i32
        %mul3A_623 = arith.muli %add3A_267, %mul3A_622 : i32
        %add3A_624 = arith.constant 7 : i32
        %add3A_625 = arith.addi %mul3A_623, %add3A_624 : i32
        %get3A_626 = arith.index_cast %add3A_625 : i32 to index
        %get3A_627 = arith.constant 0 : index
        %get3A_628 = tpu.vector_load %arg10[%get3A_626, %get3A_627] {strides = array<i32>} : memref<512x64xf32, #tpu.memory_space<vmem>>, vector<1x16xf32>,
        %get3A_629 = vector.shape_cast %get3A_628 : vector<1x16xf32> to vector<16xf32>
        %mul3A_630 = vector.broadcast %squeeze3A_621 : f32 to vector<16xf32>
        %mul3A_631 = arith.mulf %get3A_629, %mul3A_630 : vector<16xf32>
        %swap3A_632 = arith.index_cast %add3A_625 : i32 to index
        %swap3A_633 = arith.constant 0 : index
        %swap3A_634 = tpu.vector_load %arg10[%swap3A_632, %swap3A_633] {strides = array<i32>} : memref<512x64xf32, #tpu.memory_space<vmem>>, vector<1x16xf32>,
        %swap3A_635 = vector.shape_cast %swap3A_634 : vector<1x16xf32> to vector<16xf32>
        %swap3A_636 = vector.shape_cast %mul3A_631 : vector<16xf32> to vector<1x16xf32>
        tpu.vector_store %arg10[%swap3A_632, %swap3A_633], %swap3A_636 {strides = array<i32>} : memref<512x64xf32, #tpu.memory_space<vmem>>, vector<1x16xf32>,
        %get3A_637 = arith.index_cast %add3A_625 : i32 to index
        %get3A_638 = arith.constant 16 : index
        %get3A_639 = tpu.vector_load %arg10[%get3A_637, %get3A_638] {strides = array<i32>} : memref<512x64xf32, #tpu.memory_space<vmem>>, vector<1x16xf32>,
        %get3A_640 = vector.shape_cast %get3A_639 : vector<1x16xf32> to vector<16xf32>
        %mul3A_641 = vector.broadcast %squeeze3A_621 : f32 to vector<16xf32>
        %mul3A_642 = arith.mulf %get3A_640, %mul3A_641 : vector<16xf32>
        %swap3A_643 = arith.index_cast %add3A_625 : i32 to index
        %swap3A_644 = arith.constant 16 : index
        %swap3A_645 = tpu.vector_load %arg10[%swap3A_643, %swap3A_644] {strides = array<i32>} : memref<512x64xf32, #tpu.memory_space<vmem>>, vector<1x16xf32>,
        %swap3A_646 = vector.shape_cast %swap3A_645 : vector<1x16xf32> to vector<16xf32>
        %swap3A_647 = vector.shape_cast %mul3A_642 : vector<16xf32> to vector<1x16xf32>
        tpu.vector_store %arg10[%swap3A_643, %swap3A_644], %swap3A_647 {strides = array<i32>} : memref<512x64xf32, #tpu.memory_space<vmem>>, vector<1x16xf32>,
        %get3A_648 = arith.index_cast %add3A_625 : i32 to index
        %get3A_649 = arith.constant 32 : index
        %get3A_650 = tpu.vector_load %arg10[%get3A_648, %get3A_649] {strides = array<i32>} : memref<512x64xf32, #tpu.memory_space<vmem>>, vector<1x16xf32>,
        %get3A_651 = vector.shape_cast %get3A_650 : vector<1x16xf32> to vector<16xf32>
        %mul3A_652 = vector.broadcast %squeeze3A_621 : f32 to vector<16xf32>
        %mul3A_653 = arith.mulf %get3A_651, %mul3A_652 : vector<16xf32>
        %swap3A_654 = arith.index_cast %add3A_625 : i32 to index
        %swap3A_655 = arith.constant 32 : index
        %swap3A_656 = tpu.vector_load %arg10[%swap3A_654, %swap3A_655] {strides = array<i32>} : memref<512x64xf32, #tpu.memory_space<vmem>>, vector<1x16xf32>,
        %swap3A_657 = vector.shape_cast %swap3A_656 : vector<1x16xf32> to vector<16xf32>
        %swap3A_658 = vector.shape_cast %mul3A_653 : vector<16xf32> to vector<1x16xf32>
        tpu.vector_store %arg10[%swap3A_654, %swap3A_655], %swap3A_658 {strides = array<i32>} : memref<512x64xf32, #tpu.memory_space<vmem>>, vector<1x16xf32>,
        %get3A_659 = arith.index_cast %add3A_625 : i32 to index
        %get3A_660 = arith.constant 48 : index
        %get3A_661 = tpu.vector_load %arg10[%get3A_659, %get3A_660] {strides = array<i32>} : memref<512x64xf32, #tpu.memory_space<vmem>>, vector<1x16xf32>,
        %get3A_662 = vector.shape_cast %get3A_661 : vector<1x16xf32> to vector<16xf32>
        %mul3A_663 = vector.broadcast %squeeze3A_621 : f32 to vector<16xf32>
        %mul3A_664 = arith.mulf %get3A_662, %mul3A_663 : vector<16xf32>
        %swap3A_665 = arith.index_cast %add3A_625 : i32 to index
        %swap3A_666 = arith.constant 48 : index
        %swap3A_667 = tpu.vector_load %arg10[%swap3A_665, %swap3A_666] {strides = array<i32>} : memref<512x64xf32, #tpu.memory_space<vmem>>, vector<1x16xf32>,
        %swap3A_668 = vector.shape_cast %swap3A_667 : vector<1x16xf32> to vector<16xf32>
        %swap3A_669 = vector.shape_cast %mul3A_664 : vector<16xf32> to vector<1x16xf32>
        tpu.vector_store %arg10[%swap3A_665, %swap3A_666], %swap3A_669 {strides = array<i32>} : memref<512x64xf32, #tpu.memory_space<vmem>>, vector<1x16xf32>,
        %slice3A_670 = vector.extract_strided_slice %get3A_272 {offsets = [8], sizes = [1], strides = [1]} : vector<16xf32> to vector<1xf32>
        %squeeze3A_671 = vector.extract %slice3A_670[0] : f32 from vector<1xf32>
        %mul3A_672 = arith.constant 16 : i32
        %mul3A_673 = arith.muli %add3A_267, %mul3A_672 : i32
        %add3A_674 = arith.constant 8 : i32
        %add3A_675 = arith.addi %mul3A_673, %add3A_674 : i32
        %get3A_676 = arith.index_cast %add3A_675 : i32 to index
        %get3A_677 = arith.constant 0 : index
        %get3A_678 = tpu.vector_load %arg10[%get3A_676, %get3A_677] {strides = array<i32>} : memref<512x64xf32, #tpu.memory_space<vmem>>, vector<1x16xf32>,
        %get3A_679 = vector.shape_cast %get3A_678 : vector<1x16xf32> to vector<16xf32>
        %mul3A_680 = vector.broadcast %squeeze3A_671 : f32 to vector<16xf32>
        %mul3A_681 = arith.mulf %get3A_679, %mul3A_680 : vector<16xf32>
        %swap3A_682 = arith.index_cast %add3A_675 : i32 to index
        %swap3A_683 = arith.constant 0 : index
        %swap3A_684 = tpu.vector_load %arg10[%swap3A_682, %swap3A_683] {strides = array<i32>} : memref<512x64xf32, #tpu.memory_space<vmem>>, vector<1x16xf32>,
        %swap3A_685 = vector.shape_cast %swap3A_684 : vector<1x16xf32> to vector<16xf32>
        %swap3A_686 = vector.shape_cast %mul3A_681 : vector<16xf32> to vector<1x16xf32>
        tpu.vector_store %arg10[%swap3A_682, %swap3A_683], %swap3A_686 {strides = array<i32>} : memref<512x64xf32, #tpu.memory_space<vmem>>, vector<1x16xf32>,
        %get3A_687 = arith.index_cast %add3A_675 : i32 to index
        %get3A_688 = arith.constant 16 : index
        %get3A_689 = tpu.vector_load %arg10[%get3A_687, %get3A_688] {strides = array<i32>} : memref<512x64xf32, #tpu.memory_space<vmem>>, vector<1x16xf32>,
        %get3A_690 = vector.shape_cast %get3A_689 : vector<1x16xf32> to vector<16xf32>
        %mul3A_691 = vector.broadcast %squeeze3A_671 : f32 to vector<16xf32>
        %mul3A_692 = arith.mulf %get3A_690, %mul3A_691 : vector<16xf32>
        %swap3A_693 = arith.index_cast %add3A_675 : i32 to index
        %swap3A_694 = arith.constant 16 : index
        %swap3A_695 = tpu.vector_load %arg10[%swap3A_693, %swap3A_694] {strides = array<i32>} : memref<512x64xf32, #tpu.memory_space<vmem>>, vector<1x16xf32>,
        %swap3A_696 = vector.shape_cast %swap3A_695 : vector<1x16xf32> to vector<16xf32>
        %swap3A_697 = vector.shape_cast %mul3A_692 : vector<16xf32> to vector<1x16xf32>
        tpu.vector_store %arg10[%swap3A_693, %swap3A_694], %swap3A_697 {strides = array<i32>} : memref<512x64xf32, #tpu.memory_space<vmem>>, vector<1x16xf32>,
        %get3A_698 = arith.index_cast %add3A_675 : i32 to index
        %get3A_699 = arith.constant 32 : index
        %get3A_700 = tpu.vector_load %arg10[%get3A_698, %get3A_699] {strides = array<i32>} : memref<512x64xf32, #tpu.memory_space<vmem>>, vector<1x16xf32>,
        %get3A_701 = vector.shape_cast %get3A_700 : vector<1x16xf32> to vector<16xf32>
        %mul3A_702 = vector.broadcast %squeeze3A_671 : f32 to vector<16xf32>
        %mul3A_703 = arith.mulf %get3A_701, %mul3A_702 : vector<16xf32>
        %swap3A_704 = arith.index_cast %add3A_675 : i32 to index
        %swap3A_705 = arith.constant 32 : index
        %swap3A_706 = tpu.vector_load %arg10[%swap3A_704, %swap3A_705] {strides = array<i32>} : memref<512x64xf32, #tpu.memory_space<vmem>>, vector<1x16xf32>,
        %swap3A_707 = vector.shape_cast %swap3A_706 : vector<1x16xf32> to vector<16xf32>
        %swap3A_708 = vector.shape_cast %mul3A_703 : vector<16xf32> to vector<1x16xf32>
        tpu.vector_store %arg10[%swap3A_704, %swap3A_705], %swap3A_708 {strides = array<i32>} : memref<512x64xf32, #tpu.memory_space<vmem>>, vector<1x16xf32>,
        %get3A_709 = arith.index_cast %add3A_675 : i32 to index
        %get3A_710 = arith.constant 48 : index
        %get3A_711 = tpu.vector_load %arg10[%get3A_709, %get3A_710] {strides = array<i32>} : memref<512x64xf32, #tpu.memory_space<vmem>>, vector<1x16xf32>,
        %get3A_712 = vector.shape_cast %get3A_711 : vector<1x16xf32> to vector<16xf32>
        %mul3A_713 = vector.broadcast %squeeze3A_671 : f32 to vector<16xf32>
        %mul3A_714 = arith.mulf %get3A_712, %mul3A_713 : vector<16xf32>
        %swap3A_715 = arith.index_cast %add3A_675 : i32 to index
        %swap3A_716 = arith.constant 48 : index
        %swap3A_717 = tpu.vector_load %arg10[%swap3A_715, %swap3A_716] {strides = array<i32>} : memref<512x64xf32, #tpu.memory_space<vmem>>, vector<1x16xf32>,
        %swap3A_718 = vector.shape_cast %swap3A_717 : vector<1x16xf32> to vector<16xf32>
        %swap3A_719 = vector.shape_cast %mul3A_714 : vector<16xf32> to vector<1x16xf32>
        tpu.vector_store %arg10[%swap3A_715, %swap3A_716], %swap3A_719 {strides = array<i32>} : memref<512x64xf32, #tpu.memory_space<vmem>>, vector<1x16xf32>,
        %slice3A_720 = vector.extract_strided_slice %get3A_272 {offsets = [9], sizes = [1], strides = [1]} : vector<16xf32> to vector<1xf32>
        %squeeze3A_721 = vector.extract %slice3A_720[0] : f32 from vector<1xf32>
        %mul3A_722 = arith.constant 16 : i32
        %mul3A_723 = arith.muli %add3A_267, %mul3A_722 : i32
        %add3A_724 = arith.constant 9 : i32
        %add3A_725 = arith.addi %mul3A_723, %add3A_724 : i32
        %get3A_726 = arith.index_cast %add3A_725 : i32 to index
        %get3A_727 = arith.constant 0 : index
        %get3A_728 = tpu.vector_load %arg10[%get3A_726, %get3A_727] {strides = array<i32>} : memref<512x64xf32, #tpu.memory_space<vmem>>, vector<1x16xf32>,
        %get3A_729 = vector.shape_cast %get3A_728 : vector<1x16xf32> to vector<16xf32>
        %mul3A_730 = vector.broadcast %squeeze3A_721 : f32 to vector<16xf32>
        %mul3A_731 = arith.mulf %get3A_729, %mul3A_730 : vector<16xf32>
        %swap3A_732 = arith.index_cast %add3A_725 : i32 to index
        %swap3A_733 = arith.constant 0 : index
        %swap3A_734 = tpu.vector_load %arg10[%swap3A_732, %swap3A_733] {strides = array<i32>} : memref<512x64xf32, #tpu.memory_space<vmem>>, vector<1x16xf32>,
        %swap3A_735 = vector.shape_cast %swap3A_734 : vector<1x16xf32> to vector<16xf32>
        %swap3A_736 = vector.shape_cast %mul3A_731 : vector<16xf32> to vector<1x16xf32>
        tpu.vector_store %arg10[%swap3A_732, %swap3A_733], %swap3A_736 {strides = array<i32>} : memref<512x64xf32, #tpu.memory_space<vmem>>, vector<1x16xf32>,
        %get3A_737 = arith.index_cast %add3A_725 : i32 to index
        %get3A_738 = arith.constant 16 : index
        %get3A_739 = tpu.vector_load %arg10[%get3A_737, %get3A_738] {strides = array<i32>} : memref<512x64xf32, #tpu.memory_space<vmem>>, vector<1x16xf32>,
        %get3A_740 = vector.shape_cast %get3A_739 : vector<1x16xf32> to vector<16xf32>
        %mul3A_741 = vector.broadcast %squeeze3A_721 : f32 to vector<16xf32>
        %mul3A_742 = arith.mulf %get3A_740, %mul3A_741 : vector<16xf32>
        %swap3A_743 = arith.index_cast %add3A_725 : i32 to index
        %swap3A_744 = arith.constant 16 : index
        %swap3A_745 = tpu.vector_load %arg10[%swap3A_743, %swap3A_744] {strides = array<i32>} : memref<512x64xf32, #tpu.memory_space<vmem>>, vector<1x16xf32>,
        %swap3A_746 = vector.shape_cast %swap3A_745 : vector<1x16xf32> to vector<16xf32>
        %swap3A_747 = vector.shape_cast %mul3A_742 : vector<16xf32> to vector<1x16xf32>
        tpu.vector_store %arg10[%swap3A_743, %swap3A_744], %swap3A_747 {strides = array<i32>} : memref<512x64xf32, #tpu.memory_space<vmem>>, vector<1x16xf32>,
        %get3A_748 = arith.index_cast %add3A_725 : i32 to index
        %get3A_749 = arith.constant 32 : index
        %get3A_750 = tpu.vector_load %arg10[%get3A_748, %get3A_749] {strides = array<i32>} : memref<512x64xf32, #tpu.memory_space<vmem>>, vector<1x16xf32>,
        %get3A_751 = vector.shape_cast %get3A_750 : vector<1x16xf32> to vector<16xf32>
        %mul3A_752 = vector.broadcast %squeeze3A_721 : f32 to vector<16xf32>
        %mul3A_753 = arith.mulf %get3A_751, %mul3A_752 : vector<16xf32>
        %swap3A_754 = arith.index_cast %add3A_725 : i32 to index
        %swap3A_755 = arith.constant 32 : index
        %swap3A_756 = tpu.vector_load %arg10[%swap3A_754, %swap3A_755] {strides = array<i32>} : memref<512x64xf32, #tpu.memory_space<vmem>>, vector<1x16xf32>,
        %swap3A_757 = vector.shape_cast %swap3A_756 : vector<1x16xf32> to vector<16xf32>
        %swap3A_758 = vector.shape_cast %mul3A_753 : vector<16xf32> to vector<1x16xf32>
        tpu.vector_store %arg10[%swap3A_754, %swap3A_755], %swap3A_758 {strides = array<i32>} : memref<512x64xf32, #tpu.memory_space<vmem>>, vector<1x16xf32>,
        %get3A_759 = arith.index_cast %add3A_725 : i32 to index
        %get3A_760 = arith.constant 48 : index
        %get3A_761 = tpu.vector_load %arg10[%get3A_759, %get3A_760] {strides = array<i32>} : memref<512x64xf32, #tpu.memory_space<vmem>>, vector<1x16xf32>,
        %get3A_762 = vector.shape_cast %get3A_761 : vector<1x16xf32> to vector<16xf32>
        %mul3A_763 = vector.broadcast %squeeze3A_721 : f32 to vector<16xf32>
        %mul3A_764 = arith.mulf %get3A_762, %mul3A_763 : vector<16xf32>
        %swap3A_765 = arith.index_cast %add3A_725 : i32 to index
        %swap3A_766 = arith.constant 48 : index
        %swap3A_767 = tpu.vector_load %arg10[%swap3A_765, %swap3A_766] {strides = array<i32>} : memref<512x64xf32, #tpu.memory_space<vmem>>, vector<1x16xf32>,
        %swap3A_768 = vector.shape_cast %swap3A_767 : vector<1x16xf32> to vector<16xf32>
        %swap3A_769 = vector.shape_cast %mul3A_764 : vector<16xf32> to vector<1x16xf32>
        tpu.vector_store %arg10[%swap3A_765, %swap3A_766], %swap3A_769 {strides = array<i32>} : memref<512x64xf32, #tpu.memory_space<vmem>>, vector<1x16xf32>,
        %slice3A_770 = vector.extract_strided_slice %get3A_272 {offsets = [10], sizes = [1], strides = [1]} : vector<16xf32> to vector<1xf32>
        %squeeze3A_771 = vector.extract %slice3A_770[0] : f32 from vector<1xf32>
        %mul3A_772 = arith.constant 16 : i32
        %mul3A_773 = arith.muli %add3A_267, %mul3A_772 : i32
        %add3A_774 = arith.constant 10 : i32
        %add3A_775 = arith.addi %mul3A_773, %add3A_774 : i32
        %get3A_776 = arith.index_cast %add3A_775 : i32 to index
        %get3A_777 = arith.constant 0 : index
        %get3A_778 = tpu.vector_load %arg10[%get3A_776, %get3A_777] {strides = array<i32>} : memref<512x64xf32, #tpu.memory_space<vmem>>, vector<1x16xf32>,
        %get3A_779 = vector.shape_cast %get3A_778 : vector<1x16xf32> to vector<16xf32>
        %mul3A_780 = vector.broadcast %squeeze3A_771 : f32 to vector<16xf32>
        %mul3A_781 = arith.mulf %get3A_779, %mul3A_780 : vector<16xf32>
        %swap3A_782 = arith.index_cast %add3A_775 : i32 to index
        %swap3A_783 = arith.constant 0 : index
        %swap3A_784 = tpu.vector_load %arg10[%swap3A_782, %swap3A_783] {strides = array<i32>} : memref<512x64xf32, #tpu.memory_space<vmem>>, vector<1x16xf32>,
        %swap3A_785 = vector.shape_cast %swap3A_784 : vector<1x16xf32> to vector<16xf32>
        %swap3A_786 = vector.shape_cast %mul3A_781 : vector<16xf32> to vector<1x16xf32>
        tpu.vector_store %arg10[%swap3A_782, %swap3A_783], %swap3A_786 {strides = array<i32>} : memref<512x64xf32, #tpu.memory_space<vmem>>, vector<1x16xf32>,
        %get3A_787 = arith.index_cast %add3A_775 : i32 to index
        %get3A_788 = arith.constant 16 : index
        %get3A_789 = tpu.vector_load %arg10[%get3A_787, %get3A_788] {strides = array<i32>} : memref<512x64xf32, #tpu.memory_space<vmem>>, vector<1x16xf32>,
        %get3A_790 = vector.shape_cast %get3A_789 : vector<1x16xf32> to vector<16xf32>
        %mul3A_791 = vector.broadcast %squeeze3A_771 : f32 to vector<16xf32>
        %mul3A_792 = arith.mulf %get3A_790, %mul3A_791 : vector<16xf32>
        %swap3A_793 = arith.index_cast %add3A_775 : i32 to index
        %swap3A_794 = arith.constant 16 : index
        %swap3A_795 = tpu.vector_load %arg10[%swap3A_793, %swap3A_794] {strides = array<i32>} : memref<512x64xf32, #tpu.memory_space<vmem>>, vector<1x16xf32>,
        %swap3A_796 = vector.shape_cast %swap3A_795 : vector<1x16xf32> to vector<16xf32>
        %swap3A_797 = vector.shape_cast %mul3A_792 : vector<16xf32> to vector<1x16xf32>
        tpu.vector_store %arg10[%swap3A_793, %swap3A_794], %swap3A_797 {strides = array<i32>} : memref<512x64xf32, #tpu.memory_space<vmem>>, vector<1x16xf32>,
        %get3A_798 = arith.index_cast %add3A_775 : i32 to index
        %get3A_799 = arith.constant 32 : index
        %get3A_800 = tpu.vector_load %arg10[%get3A_798, %get3A_799] {strides = array<i32>} : memref<512x64xf32, #tpu.memory_space<vmem>>, vector<1x16xf32>,
        %get3A_801 = vector.shape_cast %get3A_800 : vector<1x16xf32> to vector<16xf32>
        %mul3A_802 = vector.broadcast %squeeze3A_771 : f32 to vector<16xf32>
        %mul3A_803 = arith.mulf %get3A_801, %mul3A_802 : vector<16xf32>
        %swap3A_804 = arith.index_cast %add3A_775 : i32 to index
        %swap3A_805 = arith.constant 32 : index
        %swap3A_806 = tpu.vector_load %arg10[%swap3A_804, %swap3A_805] {strides = array<i32>} : memref<512x64xf32, #tpu.memory_space<vmem>>, vector<1x16xf32>,
        %swap3A_807 = vector.shape_cast %swap3A_806 : vector<1x16xf32> to vector<16xf32>
        %swap3A_808 = vector.shape_cast %mul3A_803 : vector<16xf32> to vector<1x16xf32>
        tpu.vector_store %arg10[%swap3A_804, %swap3A_805], %swap3A_808 {strides = array<i32>} : memref<512x64xf32, #tpu.memory_space<vmem>>, vector<1x16xf32>,
        %get3A_809 = arith.index_cast %add3A_775 : i32 to index
        %get3A_810 = arith.constant 48 : index
        %get3A_811 = tpu.vector_load %arg10[%get3A_809, %get3A_810] {strides = array<i32>} : memref<512x64xf32, #tpu.memory_space<vmem>>, vector<1x16xf32>,
        %get3A_812 = vector.shape_cast %get3A_811 : vector<1x16xf32> to vector<16xf32>
        %mul3A_813 = vector.broadcast %squeeze3A_771 : f32 to vector<16xf32>
        %mul3A_814 = arith.mulf %get3A_812, %mul3A_813 : vector<16xf32>
        %swap3A_815 = arith.index_cast %add3A_775 : i32 to index
        %swap3A_816 = arith.constant 48 : index
        %swap3A_817 = tpu.vector_load %arg10[%swap3A_815, %swap3A_816] {strides = array<i32>} : memref<512x64xf32, #tpu.memory_space<vmem>>, vector<1x16xf32>,
        %swap3A_818 = vector.shape_cast %swap3A_817 : vector<1x16xf32> to vector<16xf32>
        %swap3A_819 = vector.shape_cast %mul3A_814 : vector<16xf32> to vector<1x16xf32>
        tpu.vector_store %arg10[%swap3A_815, %swap3A_816], %swap3A_819 {strides = array<i32>} : memref<512x64xf32, #tpu.memory_space<vmem>>, vector<1x16xf32>,
        %slice3A_820 = vector.extract_strided_slice %get3A_272 {offsets = [11], sizes = [1], strides = [1]} : vector<16xf32> to vector<1xf32>
        %squeeze3A_821 = vector.extract %slice3A_820[0] : f32 from vector<1xf32>
        %mul3A_822 = arith.constant 16 : i32
        %mul3A_823 = arith.muli %add3A_267, %mul3A_822 : i32
        %add3A_824 = arith.constant 11 : i32
        %add3A_825 = arith.addi %mul3A_823, %add3A_824 : i32
        %get3A_826 = arith.index_cast %add3A_825 : i32 to index
        %get3A_827 = arith.constant 0 : index
        %get3A_828 = tpu.vector_load %arg10[%get3A_826, %get3A_827] {strides = array<i32>} : memref<512x64xf32, #tpu.memory_space<vmem>>, vector<1x16xf32>,
        %get3A_829 = vector.shape_cast %get3A_828 : vector<1x16xf32> to vector<16xf32>
        %mul3A_830 = vector.broadcast %squeeze3A_821 : f32 to vector<16xf32>
        %mul3A_831 = arith.mulf %get3A_829, %mul3A_830 : vector<16xf32>
        %swap3A_832 = arith.index_cast %add3A_825 : i32 to index
        %swap3A_833 = arith.constant 0 : index
        %swap3A_834 = tpu.vector_load %arg10[%swap3A_832, %swap3A_833] {strides = array<i32>} : memref<512x64xf32, #tpu.memory_space<vmem>>, vector<1x16xf32>,
        %swap3A_835 = vector.shape_cast %swap3A_834 : vector<1x16xf32> to vector<16xf32>
        %swap3A_836 = vector.shape_cast %mul3A_831 : vector<16xf32> to vector<1x16xf32>
        tpu.vector_store %arg10[%swap3A_832, %swap3A_833], %swap3A_836 {strides = array<i32>} : memref<512x64xf32, #tpu.memory_space<vmem>>, vector<1x16xf32>,
        %get3A_837 = arith.index_cast %add3A_825 : i32 to index
        %get3A_838 = arith.constant 16 : index
        %get3A_839 = tpu.vector_load %arg10[%get3A_837, %get3A_838] {strides = array<i32>} : memref<512x64xf32, #tpu.memory_space<vmem>>, vector<1x16xf32>,
        %get3A_840 = vector.shape_cast %get3A_839 : vector<1x16xf32> to vector<16xf32>
        %mul3A_841 = vector.broadcast %squeeze3A_821 : f32 to vector<16xf32>
        %mul3A_842 = arith.mulf %get3A_840, %mul3A_841 : vector<16xf32>
        %swap3A_843 = arith.index_cast %add3A_825 : i32 to index
        %swap3A_844 = arith.constant 16 : index
        %swap3A_845 = tpu.vector_load %arg10[%swap3A_843, %swap3A_844] {strides = array<i32>} : memref<512x64xf32, #tpu.memory_space<vmem>>, vector<1x16xf32>,
        %swap3A_846 = vector.shape_cast %swap3A_845 : vector<1x16xf32> to vector<16xf32>
        %swap3A_847 = vector.shape_cast %mul3A_842 : vector<16xf32> to vector<1x16xf32>
        tpu.vector_store %arg10[%swap3A_843, %swap3A_844], %swap3A_847 {strides = array<i32>} : memref<512x64xf32, #tpu.memory_space<vmem>>, vector<1x16xf32>,
        %get3A_848 = arith.index_cast %add3A_825 : i32 to index
        %get3A_849 = arith.constant 32 : index
        %get3A_850 = tpu.vector_load %arg10[%get3A_848, %get3A_849] {strides = array<i32>} : memref<512x64xf32, #tpu.memory_space<vmem>>, vector<1x16xf32>,
        %get3A_851 = vector.shape_cast %get3A_850 : vector<1x16xf32> to vector<16xf32>
        %mul3A_852 = vector.broadcast %squeeze3A_821 : f32 to vector<16xf32>
        %mul3A_853 = arith.mulf %get3A_851, %mul3A_852 : vector<16xf32>
        %swap3A_854 = arith.index_cast %add3A_825 : i32 to index
        %swap3A_855 = arith.constant 32 : index
        %swap3A_856 = tpu.vector_load %arg10[%swap3A_854, %swap3A_855] {strides = array<i32>} : memref<512x64xf32, #tpu.memory_space<vmem>>, vector<1x16xf32>,
        %swap3A_857 = vector.shape_cast %swap3A_856 : vector<1x16xf32> to vector<16xf32>
        %swap3A_858 = vector.shape_cast %mul3A_853 : vector<16xf32> to vector<1x16xf32>
        tpu.vector_store %arg10[%swap3A_854, %swap3A_855], %swap3A_858 {strides = array<i32>} : memref<512x64xf32, #tpu.memory_space<vmem>>, vector<1x16xf32>,
        %get3A_859 = arith.index_cast %add3A_825 : i32 to index
        %get3A_860 = arith.constant 48 : index
        %get3A_861 = tpu.vector_load %arg10[%get3A_859, %get3A_860] {strides = array<i32>} : memref<512x64xf32, #tpu.memory_space<vmem>>, vector<1x16xf32>,
        %get3A_862 = vector.shape_cast %get3A_861 : vector<1x16xf32> to vector<16xf32>
        %mul3A_863 = vector.broadcast %squeeze3A_821 : f32 to vector<16xf32>
        %mul3A_864 = arith.mulf %get3A_862, %mul3A_863 : vector<16xf32>
        %swap3A_865 = arith.index_cast %add3A_825 : i32 to index
        %swap3A_866 = arith.constant 48 : index
        %swap3A_867 = tpu.vector_load %arg10[%swap3A_865, %swap3A_866] {strides = array<i32>} : memref<512x64xf32, #tpu.memory_space<vmem>>, vector<1x16xf32>,
        %swap3A_868 = vector.shape_cast %swap3A_867 : vector<1x16xf32> to vector<16xf32>
        %swap3A_869 = vector.shape_cast %mul3A_864 : vector<16xf32> to vector<1x16xf32>
        tpu.vector_store %arg10[%swap3A_865, %swap3A_866], %swap3A_869 {strides = array<i32>} : memref<512x64xf32, #tpu.memory_space<vmem>>, vector<1x16xf32>,
        %slice3A_870 = vector.extract_strided_slice %get3A_272 {offsets = [12], sizes = [1], strides = [1]} : vector<16xf32> to vector<1xf32>
        %squeeze3A_871 = vector.extract %slice3A_870[0] : f32 from vector<1xf32>
        %mul3A_872 = arith.constant 16 : i32
        %mul3A_873 = arith.muli %add3A_267, %mul3A_872 : i32
        %add3A_874 = arith.constant 12 : i32
        %add3A_875 = arith.addi %mul3A_873, %add3A_874 : i32
        %get3A_876 = arith.index_cast %add3A_875 : i32 to index
        %get3A_877 = arith.constant 0 : index
        %get3A_878 = tpu.vector_load %arg10[%get3A_876, %get3A_877] {strides = array<i32>} : memref<512x64xf32, #tpu.memory_space<vmem>>, vector<1x16xf32>,
        %get3A_879 = vector.shape_cast %get3A_878 : vector<1x16xf32> to vector<16xf32>
        %mul3A_880 = vector.broadcast %squeeze3A_871 : f32 to vector<16xf32>
        %mul3A_881 = arith.mulf %get3A_879, %mul3A_880 : vector<16xf32>
        %swap3A_882 = arith.index_cast %add3A_875 : i32 to index
        %swap3A_883 = arith.constant 0 : index
        %swap3A_884 = tpu.vector_load %arg10[%swap3A_882, %swap3A_883] {strides = array<i32>} : memref<512x64xf32, #tpu.memory_space<vmem>>, vector<1x16xf32>,
        %swap3A_885 = vector.shape_cast %swap3A_884 : vector<1x16xf32> to vector<16xf32>
        %swap3A_886 = vector.shape_cast %mul3A_881 : vector<16xf32> to vector<1x16xf32>
        tpu.vector_store %arg10[%swap3A_882, %swap3A_883], %swap3A_886 {strides = array<i32>} : memref<512x64xf32, #tpu.memory_space<vmem>>, vector<1x16xf32>,
        %get3A_887 = arith.index_cast %add3A_875 : i32 to index
        %get3A_888 = arith.constant 16 : index
        %get3A_889 = tpu.vector_load %arg10[%get3A_887, %get3A_888] {strides = array<i32>} : memref<512x64xf32, #tpu.memory_space<vmem>>, vector<1x16xf32>,
        %get3A_890 = vector.shape_cast %get3A_889 : vector<1x16xf32> to vector<16xf32>
        %mul3A_891 = vector.broadcast %squeeze3A_871 : f32 to vector<16xf32>
        %mul3A_892 = arith.mulf %get3A_890, %mul3A_891 : vector<16xf32>
        %swap3A_893 = arith.index_cast %add3A_875 : i32 to index
        %swap3A_894 = arith.constant 16 : index
        %swap3A_895 = tpu.vector_load %arg10[%swap3A_893, %swap3A_894] {strides = array<i32>} : memref<512x64xf32, #tpu.memory_space<vmem>>, vector<1x16xf32>,
        %swap3A_896 = vector.shape_cast %swap3A_895 : vector<1x16xf32> to vector<16xf32>
        %swap3A_897 = vector.shape_cast %mul3A_892 : vector<16xf32> to vector<1x16xf32>
        tpu.vector_store %arg10[%swap3A_893, %swap3A_894], %swap3A_897 {strides = array<i32>} : memref<512x64xf32, #tpu.memory_space<vmem>>, vector<1x16xf32>,
        %get3A_898 = arith.index_cast %add3A_875 : i32 to index
        %get3A_899 = arith.constant 32 : index
        %get3A_900 = tpu.vector_load %arg10[%get3A_898, %get3A_899] {strides = array<i32>} : memref<512x64xf32, #tpu.memory_space<vmem>>, vector<1x16xf32>,
        %get3A_901 = vector.shape_cast %get3A_900 : vector<1x16xf32> to vector<16xf32>
        %mul3A_902 = vector.broadcast %squeeze3A_871 : f32 to vector<16xf32>
        %mul3A_903 = arith.mulf %get3A_901, %mul3A_902 : vector<16xf32>
        %swap3A_904 = arith.index_cast %add3A_875 : i32 to index
        %swap3A_905 = arith.constant 32 : index
        %swap3A_906 = tpu.vector_load %arg10[%swap3A_904, %swap3A_905] {strides = array<i32>} : memref<512x64xf32, #tpu.memory_space<vmem>>, vector<1x16xf32>,
        %swap3A_907 = vector.shape_cast %swap3A_906 : vector<1x16xf32> to vector<16xf32>
        %swap3A_908 = vector.shape_cast %mul3A_903 : vector<16xf32> to vector<1x16xf32>
        tpu.vector_store %arg10[%swap3A_904, %swap3A_905], %swap3A_908 {strides = array<i32>} : memref<512x64xf32, #tpu.memory_space<vmem>>, vector<1x16xf32>,
        %get3A_909 = arith.index_cast %add3A_875 : i32 to index
        %get3A_910 = arith.constant 48 : index
        %get3A_911 = tpu.vector_load %arg10[%get3A_909, %get3A_910] {strides = array<i32>} : memref<512x64xf32, #tpu.memory_space<vmem>>, vector<1x16xf32>,
        %get3A_912 = vector.shape_cast %get3A_911 : vector<1x16xf32> to vector<16xf32>
        %mul3A_913 = vector.broadcast %squeeze3A_871 : f32 to vector<16xf32>
        %mul3A_914 = arith.mulf %get3A_912, %mul3A_913 : vector<16xf32>
        %swap3A_915 = arith.index_cast %add3A_875 : i32 to index
        %swap3A_916 = arith.constant 48 : index
        %swap3A_917 = tpu.vector_load %arg10[%swap3A_915, %swap3A_916] {strides = array<i32>} : memref<512x64xf32, #tpu.memory_space<vmem>>, vector<1x16xf32>,
        %swap3A_918 = vector.shape_cast %swap3A_917 : vector<1x16xf32> to vector<16xf32>
        %swap3A_919 = vector.shape_cast %mul3A_914 : vector<16xf32> to vector<1x16xf32>
        tpu.vector_store %arg10[%swap3A_915, %swap3A_916], %swap3A_919 {strides = array<i32>} : memref<512x64xf32, #tpu.memory_space<vmem>>, vector<1x16xf32>,
        %slice3A_920 = vector.extract_strided_slice %get3A_272 {offsets = [13], sizes = [1], strides = [1]} : vector<16xf32> to vector<1xf32>
        %squeeze3A_921 = vector.extract %slice3A_920[0] : f32 from vector<1xf32>
        %mul3A_922 = arith.constant 16 : i32
        %mul3A_923 = arith.muli %add3A_267, %mul3A_922 : i32
        %add3A_924 = arith.constant 13 : i32
        %add3A_925 = arith.addi %mul3A_923, %add3A_924 : i32
        %get3A_926 = arith.index_cast %add3A_925 : i32 to index
        %get3A_927 = arith.constant 0 : index
        %get3A_928 = tpu.vector_load %arg10[%get3A_926, %get3A_927] {strides = array<i32>} : memref<512x64xf32, #tpu.memory_space<vmem>>, vector<1x16xf32>,
        %get3A_929 = vector.shape_cast %get3A_928 : vector<1x16xf32> to vector<16xf32>
        %mul3A_930 = vector.broadcast %squeeze3A_921 : f32 to vector<16xf32>
        %mul3A_931 = arith.mulf %get3A_929, %mul3A_930 : vector<16xf32>
        %swap3A_932 = arith.index_cast %add3A_925 : i32 to index
        %swap3A_933 = arith.constant 0 : index
        %swap3A_934 = tpu.vector_load %arg10[%swap3A_932, %swap3A_933] {strides = array<i32>} : memref<512x64xf32, #tpu.memory_space<vmem>>, vector<1x16xf32>,
        %swap3A_935 = vector.shape_cast %swap3A_934 : vector<1x16xf32> to vector<16xf32>
        %swap3A_936 = vector.shape_cast %mul3A_931 : vector<16xf32> to vector<1x16xf32>
        tpu.vector_store %arg10[%swap3A_932, %swap3A_933], %swap3A_936 {strides = array<i32>} : memref<512x64xf32, #tpu.memory_space<vmem>>, vector<1x16xf32>,
        %get3A_937 = arith.index_cast %add3A_925 : i32 to index
        %get3A_938 = arith.constant 16 : index
        %get3A_939 = tpu.vector_load %arg10[%get3A_937, %get3A_938] {strides = array<i32>} : memref<512x64xf32, #tpu.memory_space<vmem>>, vector<1x16xf32>,
        %get3A_940 = vector.shape_cast %get3A_939 : vector<1x16xf32> to vector<16xf32>
        %mul3A_941 = vector.broadcast %squeeze3A_921 : f32 to vector<16xf32>
        %mul3A_942 = arith.mulf %get3A_940, %mul3A_941 : vector<16xf32>
        %swap3A_943 = arith.index_cast %add3A_925 : i32 to index
        %swap3A_944 = arith.constant 16 : index
        %swap3A_945 = tpu.vector_load %arg10[%swap3A_943, %swap3A_944] {strides = array<i32>} : memref<512x64xf32, #tpu.memory_space<vmem>>, vector<1x16xf32>,
        %swap3A_946 = vector.shape_cast %swap3A_945 : vector<1x16xf32> to vector<16xf32>
        %swap3A_947 = vector.shape_cast %mul3A_942 : vector<16xf32> to vector<1x16xf32>
        tpu.vector_store %arg10[%swap3A_943, %swap3A_944], %swap3A_947 {strides = array<i32>} : memref<512x64xf32, #tpu.memory_space<vmem>>, vector<1x16xf32>,
        %get3A_948 = arith.index_cast %add3A_925 : i32 to index
        %get3A_949 = arith.constant 32 : index
        %get3A_950 = tpu.vector_load %arg10[%get3A_948, %get3A_949] {strides = array<i32>} : memref<512x64xf32, #tpu.memory_space<vmem>>, vector<1x16xf32>,
        %get3A_951 = vector.shape_cast %get3A_950 : vector<1x16xf32> to vector<16xf32>
        %mul3A_952 = vector.broadcast %squeeze3A_921 : f32 to vector<16xf32>
        %mul3A_953 = arith.mulf %get3A_951, %mul3A_952 : vector<16xf32>
        %swap3A_954 = arith.index_cast %add3A_925 : i32 to index
        %swap3A_955 = arith.constant 32 : index
        %swap3A_956 = tpu.vector_load %arg10[%swap3A_954, %swap3A_955] {strides = array<i32>} : memref<512x64xf32, #tpu.memory_space<vmem>>, vector<1x16xf32>,
        %swap3A_957 = vector.shape_cast %swap3A_956 : vector<1x16xf32> to vector<16xf32>
        %swap3A_958 = vector.shape_cast %mul3A_953 : vector<16xf32> to vector<1x16xf32>
        tpu.vector_store %arg10[%swap3A_954, %swap3A_955], %swap3A_958 {strides = array<i32>} : memref<512x64xf32, #tpu.memory_space<vmem>>, vector<1x16xf32>,
        %get3A_959 = arith.index_cast %add3A_925 : i32 to index
        %get3A_960 = arith.constant 48 : index
        %get3A_961 = tpu.vector_load %arg10[%get3A_959, %get3A_960] {strides = array<i32>} : memref<512x64xf32, #tpu.memory_space<vmem>>, vector<1x16xf32>,
        %get3A_962 = vector.shape_cast %get3A_961 : vector<1x16xf32> to vector<16xf32>
        %mul3A_963 = vector.broadcast %squeeze3A_921 : f32 to vector<16xf32>
        %mul3A_964 = arith.mulf %get3A_962, %mul3A_963 : vector<16xf32>
        %swap3A_965 = arith.index_cast %add3A_925 : i32 to index
        %swap3A_966 = arith.constant 48 : index
        %swap3A_967 = tpu.vector_load %arg10[%swap3A_965, %swap3A_966] {strides = array<i32>} : memref<512x64xf32, #tpu.memory_space<vmem>>, vector<1x16xf32>,
        %swap3A_968 = vector.shape_cast %swap3A_967 : vector<1x16xf32> to vector<16xf32>
        %swap3A_969 = vector.shape_cast %mul3A_964 : vector<16xf32> to vector<1x16xf32>
        tpu.vector_store %arg10[%swap3A_965, %swap3A_966], %swap3A_969 {strides = array<i32>} : memref<512x64xf32, #tpu.memory_space<vmem>>, vector<1x16xf32>,
        %slice3A_970 = vector.extract_strided_slice %get3A_272 {offsets = [14], sizes = [1], strides = [1]} : vector<16xf32> to vector<1xf32>
        %squeeze3A_971 = vector.extract %slice3A_970[0] : f32 from vector<1xf32>
        %mul3A_972 = arith.constant 16 : i32
        %mul3A_973 = arith.muli %add3A_267, %mul3A_972 : i32
        %add3A_974 = arith.constant 14 : i32
        %add3A_975 = arith.addi %mul3A_973, %add3A_974 : i32
        %get3A_976 = arith.index_cast %add3A_975 : i32 to index
        %get3A_977 = arith.constant 0 : index
        %get3A_978 = tpu.vector_load %arg10[%get3A_976, %get3A_977] {strides = array<i32>} : memref<512x64xf32, #tpu.memory_space<vmem>>, vector<1x16xf32>,
        %get3A_979 = vector.shape_cast %get3A_978 : vector<1x16xf32> to vector<16xf32>
        %mul3A_980 = vector.broadcast %squeeze3A_971 : f32 to vector<16xf32>
        %mul3A_981 = arith.mulf %get3A_979, %mul3A_980 : vector<16xf32>
        %swap3A_982 = arith.index_cast %add3A_975 : i32 to index
        %swap3A_983 = arith.constant 0 : index
        %swap3A_984 = tpu.vector_load %arg10[%swap3A_982, %swap3A_983] {strides = array<i32>} : memref<512x64xf32, #tpu.memory_space<vmem>>, vector<1x16xf32>,
        %swap3A_985 = vector.shape_cast %swap3A_984 : vector<1x16xf32> to vector<16xf32>
        %swap3A_986 = vector.shape_cast %mul3A_981 : vector<16xf32> to vector<1x16xf32>
        tpu.vector_store %arg10[%swap3A_982, %swap3A_983], %swap3A_986 {strides = array<i32>} : memref<512x64xf32, #tpu.memory_space<vmem>>, vector<1x16xf32>,
        %get3A_987 = arith.index_cast %add3A_975 : i32 to index
        %get3A_988 = arith.constant 16 : index
        %get3A_989 = tpu.vector_load %arg10[%get3A_987, %get3A_988] {strides = array<i32>} : memref<512x64xf32, #tpu.memory_space<vmem>>, vector<1x16xf32>,
        %get3A_990 = vector.shape_cast %get3A_989 : vector<1x16xf32> to vector<16xf32>
        %mul3A_991 = vector.broadcast %squeeze3A_971 : f32 to vector<16xf32>
        %mul3A_992 = arith.mulf %get3A_990, %mul3A_991 : vector<16xf32>
        %swap3A_993 = arith.index_cast %add3A_975 : i32 to index
        %swap3A_994 = arith.constant 16 : index
        %swap3A_995 = tpu.vector_load %arg10[%swap3A_993, %swap3A_994] {strides = array<i32>} : memref<512x64xf32, #tpu.memory_space<vmem>>, vector<1x16xf32>,
        %swap3A_996 = vector.shape_cast %swap3A_995 : vector<1x16xf32> to vector<16xf32>
        %swap3A_997 = vector.shape_cast %mul3A_992 : vector<16xf32> to vector<1x16xf32>
        tpu.vector_store %arg10[%swap3A_993, %swap3A_994], %swap3A_997 {strides = array<i32>} : memref<512x64xf32, #tpu.memory_space<vmem>>, vector<1x16xf32>,
        %get3A_998 = arith.index_cast %add3A_975 : i32 to index
        %get3A_999 = arith.constant 32 : index
        %get3A_1000 = tpu.vector_load %arg10[%get3A_998, %get3A_999] {strides = array<i32>} : memref<512x64xf32, #tpu.memory_space<vmem>>, vector<1x16xf32>,
        %get3A_1001 = vector.shape_cast %get3A_1000 : vector<1x16xf32> to vector<16xf32>
        %mul3A_1002 = vector.broadcast %squeeze3A_971 : f32 to vector<16xf32>
        %mul3A_1003 = arith.mulf %get3A_1001, %mul3A_1002 : vector<16xf32>
        %swap3A_1004 = arith.index_cast %add3A_975 : i32 to index
        %swap3A_1005 = arith.constant 32 : index
        %swap3A_1006 = tpu.vector_load %arg10[%swap3A_1004, %swap3A_1005] {strides = array<i32>} : memref<512x64xf32, #tpu.memory_space<vmem>>, vector<1x16xf32>,
        %swap3A_1007 = vector.shape_cast %swap3A_1006 : vector<1x16xf32> to vector<16xf32>
        %swap3A_1008 = vector.shape_cast %mul3A_1003 : vector<16xf32> to vector<1x16xf32>
        tpu.vector_store %arg10[%swap3A_1004, %swap3A_1005], %swap3A_1008 {strides = array<i32>} : memref<512x64xf32, #tpu.memory_space<vmem>>, vector<1x16xf32>,
        %get3A_1009 = arith.index_cast %add3A_975 : i32 to index
        %get3A_1010 = arith.constant 48 : index
        %get3A_1011 = tpu.vector_load %arg10[%get3A_1009, %get3A_1010] {strides = array<i32>} : memref<512x64xf32, #tpu.memory_space<vmem>>, vector<1x16xf32>,
        %get3A_1012 = vector.shape_cast %get3A_1011 : vector<1x16xf32> to vector<16xf32>
        %mul3A_1013 = vector.broadcast %squeeze3A_971 : f32 to vector<16xf32>
        %mul3A_1014 = arith.mulf %get3A_1012, %mul3A_1013 : vector<16xf32>
        %swap3A_1015 = arith.index_cast %add3A_975 : i32 to index
        %swap3A_1016 = arith.constant 48 : index
        %swap3A_1017 = tpu.vector_load %arg10[%swap3A_1015, %swap3A_1016] {strides = array<i32>} : memref<512x64xf32, #tpu.memory_space<vmem>>, vector<1x16xf32>,
        %swap3A_1018 = vector.shape_cast %swap3A_1017 : vector<1x16xf32> to vector<16xf32>
        %swap3A_1019 = vector.shape_cast %mul3A_1014 : vector<16xf32> to vector<1x16xf32>
        tpu.vector_store %arg10[%swap3A_1015, %swap3A_1016], %swap3A_1019 {strides = array<i32>} : memref<512x64xf32, #tpu.memory_space<vmem>>, vector<1x16xf32>,
        %slice3A_1020 = vector.extract_strided_slice %get3A_272 {offsets = [15], sizes = [1], strides = [1]} : vector<16xf32> to vector<1xf32>
        %squeeze3A_1021 = vector.extract %slice3A_1020[0] : f32 from vector<1xf32>
        %mul3A_1022 = arith.constant 16 : i32
        %mul3A_1023 = arith.muli %add3A_267, %mul3A_1022 : i32
        %add3A_1024 = arith.constant 15 : i32
        %add3A_1025 = arith.addi %mul3A_1023, %add3A_1024 : i32
        %get3A_1026 = arith.index_cast %add3A_1025 : i32 to index
        %get3A_1027 = arith.constant 0 : index
        %get3A_1028 = tpu.vector_load %arg10[%get3A_1026, %get3A_1027] {strides = array<i32>} : memref<512x64xf32, #tpu.memory_space<vmem>>, vector<1x16xf32>,
        %get3A_1029 = vector.shape_cast %get3A_1028 : vector<1x16xf32> to vector<16xf32>
        %mul3A_1030 = vector.broadcast %squeeze3A_1021 : f32 to vector<16xf32>
        %mul3A_1031 = arith.mulf %get3A_1029, %mul3A_1030 : vector<16xf32>
        %swap3A_1032 = arith.index_cast %add3A_1025 : i32 to index
        %swap3A_1033 = arith.constant 0 : index
        %swap3A_1034 = tpu.vector_load %arg10[%swap3A_1032, %swap3A_1033] {strides = array<i32>} : memref<512x64xf32, #tpu.memory_space<vmem>>, vector<1x16xf32>,
        %swap3A_1035 = vector.shape_cast %swap3A_1034 : vector<1x16xf32> to vector<16xf32>
        %swap3A_1036 = vector.shape_cast %mul3A_1031 : vector<16xf32> to vector<1x16xf32>
        tpu.vector_store %arg10[%swap3A_1032, %swap3A_1033], %swap3A_1036 {strides = array<i32>} : memref<512x64xf32, #tpu.memory_space<vmem>>, vector<1x16xf32>,
        %get3A_1037 = arith.index_cast %add3A_1025 : i32 to index
        %get3A_1038 = arith.constant 16 : index
        %get3A_1039 = tpu.vector_load %arg10[%get3A_1037, %get3A_1038] {strides = array<i32>} : memref<512x64xf32, #tpu.memory_space<vmem>>, vector<1x16xf32>,
        %get3A_1040 = vector.shape_cast %get3A_1039 : vector<1x16xf32> to vector<16xf32>
        %mul3A_1041 = vector.broadcast %squeeze3A_1021 : f32 to vector<16xf32>
        %mul3A_1042 = arith.mulf %get3A_1040, %mul3A_1041 : vector<16xf32>
        %swap3A_1043 = arith.index_cast %add3A_1025 : i32 to index
        %swap3A_1044 = arith.constant 16 : index
        %swap3A_1045 = tpu.vector_load %arg10[%swap3A_1043, %swap3A_1044] {strides = array<i32>} : memref<512x64xf32, #tpu.memory_space<vmem>>, vector<1x16xf32>,
        %swap3A_1046 = vector.shape_cast %swap3A_1045 : vector<1x16xf32> to vector<16xf32>
        %swap3A_1047 = vector.shape_cast %mul3A_1042 : vector<16xf32> to vector<1x16xf32>
        tpu.vector_store %arg10[%swap3A_1043, %swap3A_1044], %swap3A_1047 {strides = array<i32>} : memref<512x64xf32, #tpu.memory_space<vmem>>, vector<1x16xf32>,
        %get3A_1048 = arith.index_cast %add3A_1025 : i32 to index
        %get3A_1049 = arith.constant 32 : index
        %get3A_1050 = tpu.vector_load %arg10[%get3A_1048, %get3A_1049] {strides = array<i32>} : memref<512x64xf32, #tpu.memory_space<vmem>>, vector<1x16xf32>,
        %get3A_1051 = vector.shape_cast %get3A_1050 : vector<1x16xf32> to vector<16xf32>
        %mul3A_1052 = vector.broadcast %squeeze3A_1021 : f32 to vector<16xf32>
        %mul3A_1053 = arith.mulf %get3A_1051, %mul3A_1052 : vector<16xf32>
        %swap3A_1054 = arith.index_cast %add3A_1025 : i32 to index
        %swap3A_1055 = arith.constant 32 : index
        %swap3A_1056 = tpu.vector_load %arg10[%swap3A_1054, %swap3A_1055] {strides = array<i32>} : memref<512x64xf32, #tpu.memory_space<vmem>>, vector<1x16xf32>,
        %swap3A_1057 = vector.shape_cast %swap3A_1056 : vector<1x16xf32> to vector<16xf32>
        %swap3A_1058 = vector.shape_cast %mul3A_1053 : vector<16xf32> to vector<1x16xf32>
        tpu.vector_store %arg10[%swap3A_1054, %swap3A_1055], %swap3A_1058 {strides = array<i32>} : memref<512x64xf32, #tpu.memory_space<vmem>>, vector<1x16xf32>,
        %get3A_1059 = arith.index_cast %add3A_1025 : i32 to index
        %get3A_1060 = arith.constant 48 : index
        %get3A_1061 = tpu.vector_load %arg10[%get3A_1059, %get3A_1060] {strides = array<i32>} : memref<512x64xf32, #tpu.memory_space<vmem>>, vector<1x16xf32>,
        %get3A_1062 = vector.shape_cast %get3A_1061 : vector<1x16xf32> to vector<16xf32>
        %mul3A_1063 = vector.broadcast %squeeze3A_1021 : f32 to vector<16xf32>
        %mul3A_1064 = arith.mulf %get3A_1062, %mul3A_1063 : vector<16xf32>
        %swap3A_1065 = arith.index_cast %add3A_1025 : i32 to index
        %swap3A_1066 = arith.constant 48 : index
        %swap3A_1067 = tpu.vector_load %arg10[%swap3A_1065, %swap3A_1066] {strides = array<i32>} : memref<512x64xf32, #tpu.memory_space<vmem>>, vector<1x16xf32>,
        %swap3A_1068 = vector.shape_cast %swap3A_1067 : vector<1x16xf32> to vector<16xf32>
        %swap3A_1069 = vector.shape_cast %mul3A_1064 : vector<16xf32> to vector<1x16xf32>
        tpu.vector_store %arg10[%swap3A_1065, %swap3A_1066], %swap3A_1069 {strides = array<i32>} : memref<512x64xf32, #tpu.memory_space<vmem>>, vector<1x16xf32>,
      }
      %scan3A_183 = arith.constant 32 : i32
      %rem3A_184 = arith.constant 3 : i32
      %rem3A_185 = arith.remsi %add3A_170, %rem3A_184 : i32
      %scan3A_186 = arith.constant 0 : i32
      %scan3A_187 = arith.constant 4 : i32
      %scan3A_188 = arith.addi %scan3A_186, %scan3A_187 : i32
      %scan3A_189 = arith.constant 1 : i32
      scf.for %scan3A_263 = %scan3A_186 to %scan3A_188 step %scan3A_189  : i32 {
        %mul3A_264 = arith.constant 1 : i32
        %mul3A_265 = arith.muli %scan3A_263, %mul3A_264 : i32
        %add3A_266 = arith.constant 0 : i32
        %add3A_267 = arith.addi %add3A_266, %mul3A_265 : i32
        %mul3A_268 = arith.constant 128 : i32
        %mul3A_269 = arith.muli %add3A_267, %mul3A_268 : i32
        %dma_start3A_270 = arith.constant 0 : i32
        %dma_start3A_271 = tpu.memref_slice %arg12[%mul3A_269, %dma_start3A_270] : memref<512x32xf32, #tpu.memory_space<vmem>> -> memref<128x32xf32, #tpu.memory_space<vmem>>
        %dma_start3A_272 = arith.constant 0 : i32
        %dma_start3A_273 = arith.constant 0 : i32
        %dma_start3A_274 = tpu.memref_slice %arg8[%rem3A_185, %dma_start3A_272, %dma_start3A_273] : memref<3x4x128xi32, #tpu.memory_space<vmem>> -> memref<1x4x128xi32, #tpu.memory_space<vmem>>
        %dma_start3A_275 = tpu.memref_squeeze %dma_start3A_274 : memref<1x4x128xi32, #tpu.memory_space<vmem>> -> memref<4x128xi32, #tpu.memory_space<vmem>>
        %dma_start3A_276 = arith.constant 0 : i32
        %dma_start3A_277 = tpu.memref_slice %dma_start3A_275[%add3A_267, %dma_start3A_276] : memref<4x128xi32, #tpu.memory_space<vmem>> -> memref<1x128xi32, #tpu.memory_space<vmem>>
        %dma_start3A_278 = tpu.memref_squeeze %dma_start3A_277 : memref<1x128xi32, #tpu.memory_space<vmem>> -> memref<128xi32, #tpu.memory_space<vmem>>
        %dma_start3A_279 = arith.constant 0 : i32
        %dma_start3A_280 = arith.constant 0 : i32
        %dma_start3A_281 = tpu.memref_slice %arg13[%dma_start3A_279, %dma_start3A_280] : memref<16384x32xf32, #tpu.memory_space<vmem_shared>> -> memref<16384x32xf32, #tpu.memory_space<vmem_shared>>
        tpu.enqueue_indirect_dma source(%dma_start3A_271 : memref<128x32xf32, #tpu.memory_space<vmem>>) target(%dma_start3A_281 : memref<16384x32xf32, #tpu.memory_space<vmem_shared>>) offsets(%dma_start3A_278 : memref<128xi32, #tpu.memory_space<vmem>>) semaphore(%arg16 : memref<!tpu.dma_semaphore, #tpu.memory_space<semaphore_mem>>) {add = true}
      }
      %scan3A_190 = arith.constant 4 : i32
      %add3A_191 = arith.constant 1 : i32
      %add3A_192 = arith.addi %add3A_170, %add3A_191 : i32
      %lt3A = arith.constant 164 : i32
      %lt3A_193 = arith.cmpi slt, %add3A_192, %lt3A : i32
      %convert_element_type3A = arith.extui %lt3A_193 : i1 to i32
      %cond3A = arith.constant 0 : i32
      %cond3A_194 = arith.cmpi ne, %convert_element_type3A, %cond3A : i32
      scf.if %cond3A_194 {
        %dma_wait3A_263 = arith.constant 0 : i32
        %dma_wait3A_264 = arith.constant 0 : i32
        %dma_wait3A_265 = arith.constant 0 : i32
        %dma_wait3A_266 = tpu.memref_slice %arg7[%dma_wait3A_263, %dma_wait3A_264, %dma_wait3A_265] : memref<3x4x128xi32, #tpu.memory_space<vmem>> -> memref<1x4x128xi32, #tpu.memory_space<vmem>>
        %dma_wait3A_267 = tpu.memref_squeeze %dma_wait3A_266 : memref<1x4x128xi32, #tpu.memory_space<vmem>> -> memref<4x128xi32, #tpu.memory_space<vmem>>
        %dma_wait3A_268 = arith.constant 0 : i32
        %dma_wait3A_269 = arith.constant 0 : i32
        %dma_wait3A_270 = tpu.memref_slice %arg2[%dma_wait3A_268, %dma_wait3A_269] : memref<20992x128xi32, #tpu.memory_space<hbm>> -> memref<4x128xi32, #tpu.memory_space<hbm>>
        %dma_wait3A_271 = arith.constant 0 : i32
        %dma_wait3A_272 = arith.constant 0 : i32
        %dma_wait3A_273 = tpu.memref_slice %arg7[%dma_wait3A_263, %dma_wait3A_271, %dma_wait3A_272] : memref<3x4x128xi32, #tpu.memory_space<vmem>> -> memref<1x4x128xi32, #tpu.memory_space<vmem>>
        %dma_wait3A_274 = tpu.memref_squeeze %dma_wait3A_273 : memref<1x4x128xi32, #tpu.memory_space<vmem>> -> memref<4x128xi32, #tpu.memory_space<vmem>>
        %dma_wait3A_275 = arith.constant 0 : i32
        %dma_wait3A_276 = arith.constant 0 : i32
        %dma_wait3A_277 = tpu.memref_slice %arg2[%dma_wait3A_275, %dma_wait3A_276] : memref<20992x128xi32, #tpu.memory_space<hbm>> -> memref<4x128xi32, #tpu.memory_space<hbm>>
        tpu.wait_dma2 semaphore(%arg19 : memref<!tpu.dma_semaphore, #tpu.memory_space<semaphore_mem>>) src(%dma_wait3A_277 : memref<4x128xi32, #tpu.memory_space<hbm>>) dst(%dma_wait3A_274 : memref<4x128xi32, #tpu.memory_space<vmem>>)
        %dma_wait3A_278 = arith.constant 0 : i32
        %dma_wait3A_279 = arith.constant 0 : i32
        %dma_wait3A_280 = arith.constant 0 : i32
        %dma_wait3A_281 = tpu.memref_slice %arg8[%dma_wait3A_278, %dma_wait3A_279, %dma_wait3A_280] : memref<3x4x128xi32, #tpu.memory_space<vmem>> -> memref<1x4x128xi32, #tpu.memory_space<vmem>>
        %dma_wait3A_282 = tpu.memref_squeeze %dma_wait3A_281 : memref<1x4x128xi32, #tpu.memory_space<vmem>> -> memref<4x128xi32, #tpu.memory_space<vmem>>
        %dma_wait3A_283 = arith.constant 0 : i32
        %dma_wait3A_284 = arith.constant 0 : i32
        %dma_wait3A_285 = tpu.memref_slice %arg3[%dma_wait3A_283, %dma_wait3A_284] : memref<20992x128xi32, #tpu.memory_space<hbm>> -> memref<4x128xi32, #tpu.memory_space<hbm>>
        %dma_wait3A_286 = arith.constant 0 : i32
        %dma_wait3A_287 = arith.constant 0 : i32
        %dma_wait3A_288 = tpu.memref_slice %arg8[%dma_wait3A_278, %dma_wait3A_286, %dma_wait3A_287] : memref<3x4x128xi32, #tpu.memory_space<vmem>> -> memref<1x4x128xi32, #tpu.memory_space<vmem>>
        %dma_wait3A_289 = tpu.memref_squeeze %dma_wait3A_288 : memref<1x4x128xi32, #tpu.memory_space<vmem>> -> memref<4x128xi32, #tpu.memory_space<vmem>>
        %dma_wait3A_290 = arith.constant 0 : i32
        %dma_wait3A_291 = arith.constant 0 : i32
        %dma_wait3A_292 = tpu.memref_slice %arg3[%dma_wait3A_290, %dma_wait3A_291] : memref<20992x128xi32, #tpu.memory_space<hbm>> -> memref<4x128xi32, #tpu.memory_space<hbm>>
        tpu.wait_dma2 semaphore(%arg19 : memref<!tpu.dma_semaphore, #tpu.memory_space<semaphore_mem>>) src(%dma_wait3A_292 : memref<4x128xi32, #tpu.memory_space<hbm>>) dst(%dma_wait3A_289 : memref<4x128xi32, #tpu.memory_space<vmem>>)
        %dma_wait3A_293 = arith.constant 0 : i32
        %dma_wait3A_294 = arith.constant 0 : i32
        %dma_wait3A_295 = tpu.memref_slice %arg9[%dma_wait3A_293, %dma_wait3A_294] : memref<3x512xf32, #tpu.memory_space<vmem>> -> memref<1x512xf32, #tpu.memory_space<vmem>>
        %dma_wait3A_296 = tpu.memref_squeeze %dma_wait3A_295 : memref<1x512xf32, #tpu.memory_space<vmem>> -> memref<512xf32, #tpu.memory_space<vmem>>
        %dma_wait3A_297 = arith.constant 0 : i32
        %dma_wait3A_298 = tpu.memref_slice %arg4[%dma_wait3A_297] : memref<2686976xf32, #tpu.memory_space<hbm>> -> memref<512xf32, #tpu.memory_space<hbm>>
        %dma_wait3A_299 = arith.constant 0 : i32
        %dma_wait3A_300 = tpu.memref_slice %arg9[%dma_wait3A_293, %dma_wait3A_299] : memref<3x512xf32, #tpu.memory_space<vmem>> -> memref<1x512xf32, #tpu.memory_space<vmem>>
        %dma_wait3A_301 = tpu.memref_squeeze %dma_wait3A_300 : memref<1x512xf32, #tpu.memory_space<vmem>> -> memref<512xf32, #tpu.memory_space<vmem>>
        %dma_wait3A_302 = arith.constant 0 : i32
        %dma_wait3A_303 = tpu.memref_slice %arg4[%dma_wait3A_302] : memref<2686976xf32, #tpu.memory_space<hbm>> -> memref<512xf32, #tpu.memory_space<hbm>>
        tpu.wait_dma2 semaphore(%arg19 : memref<!tpu.dma_semaphore, #tpu.memory_space<semaphore_mem>>) src(%dma_wait3A_303 : memref<512xf32, #tpu.memory_space<hbm>>) dst(%dma_wait3A_301 : memref<512xf32, #tpu.memory_space<vmem>>)
      } else {
      }
      %ge3A = arith.constant 1 : i32
      %ge3A_195 = arith.cmpi sge, %add3A_170, %ge3A : i32
      %convert_element_type3A_196 = arith.extui %ge3A_195 : i1 to i32
      %cond3A_197 = arith.constant 0 : i32
      %cond3A_198 = arith.cmpi ne, %convert_element_type3A_196, %cond3A_197 : i32
      scf.if %cond3A_198 {
        %dma_wait3A_263 = arith.constant 0 : i32
        %dma_wait3A_264 = arith.constant 0 : i32
        %dma_wait3A_265 = tpu.memref_slice %arg13[%dma_wait3A_263, %dma_wait3A_264] : memref<16384x32xf32, #tpu.memory_space<vmem_shared>> -> memref<512x32xf32, #tpu.memory_space<vmem_shared>>
        %dma_wait3A_266 = arith.constant 0 : i32
        %dma_wait3A_267 = arith.constant 0 : i32
        %dma_wait3A_268 = tpu.memref_slice %arg13[%dma_wait3A_266, %dma_wait3A_267] : memref<16384x32xf32, #tpu.memory_space<vmem_shared>> -> memref<512x32xf32, #tpu.memory_space<vmem_shared>>
        tpu.wait_dma2 semaphore(%arg17 : memref<!tpu.dma_semaphore, #tpu.memory_space<semaphore_mem>>) src(%arg12 : memref<512x32xf32, #tpu.memory_space<vmem>>) dst(%dma_wait3A_268 : memref<512x32xf32, #tpu.memory_space<vmem_shared>>)
      } else {
      }
      %add3A_199 = arith.constant 1 : i32
      %add3A_200 = arith.addi %add3A_170, %add3A_199 : i32
      %lt3A_201 = arith.constant 164 : i32
      %lt3A_202 = arith.cmpi slt, %add3A_200, %lt3A_201 : i32
      %convert_element_type3A_203 = arith.extui %lt3A_202 : i1 to i32
      %cond3A_204 = arith.constant 0 : i32
      %cond3A_205 = arith.cmpi ne, %convert_element_type3A_203, %cond3A_204 : i32
      scf.if %cond3A_205 {
        %add3A_263 = arith.constant 1 : i32
        %add3A_264 = arith.addi %add3A_170, %add3A_263 : i32
        %rem3A_265 = arith.constant 3 : i32
        %rem3A_266 = arith.remsi %add3A_264, %rem3A_265 : i32
        %scan3A_267 = arith.constant 0 : i32
        %scan3A_268 = arith.constant 4 : i32
        %scan3A_269 = arith.addi %scan3A_267, %scan3A_268 : i32
        %scan3A_270 = arith.constant 1 : i32
        scf.for %scan3A_272 = %scan3A_267 to %scan3A_269 step %scan3A_270  : i32 {
          %mul3A_273 = arith.constant 1 : i32
          %mul3A_274 = arith.muli %scan3A_272, %mul3A_273 : i32
          %add3A_275 = arith.constant 0 : i32
          %add3A_276 = arith.addi %add3A_275, %mul3A_274 : i32
          %mul3A_277 = arith.constant 128 : i32
          %mul3A_278 = arith.muli %add3A_276, %mul3A_277 : i32
          %dma_start3A_279 = arith.constant 0 : i32
          %dma_start3A_280 = tpu.memref_slice %arg11[%mul3A_278, %dma_start3A_279] : memref<512x64xf32, #tpu.memory_space<vmem>> -> memref<128x64xf32, #tpu.memory_space<vmem>>
          %dma_start3A_281 = arith.constant 0 : i32
          %dma_start3A_282 = arith.constant 0 : i32
          %dma_start3A_283 = tpu.memref_slice %arg7[%rem3A_266, %dma_start3A_281, %dma_start3A_282] : memref<3x4x128xi32, #tpu.memory_space<vmem>> -> memref<1x4x128xi32, #tpu.memory_space<vmem>>
          %dma_start3A_284 = tpu.memref_squeeze %dma_start3A_283 : memref<1x4x128xi32, #tpu.memory_space<vmem>> -> memref<4x128xi32, #tpu.memory_space<vmem>>
          %dma_start3A_285 = arith.constant 0 : i32
          %dma_start3A_286 = tpu.memref_slice %dma_start3A_284[%add3A_276, %dma_start3A_285] : memref<4x128xi32, #tpu.memory_space<vmem>> -> memref<1x128xi32, #tpu.memory_space<vmem>>
          %dma_start3A_287 = tpu.memref_squeeze %dma_start3A_286 : memref<1x128xi32, #tpu.memory_space<vmem>> -> memref<128xi32, #tpu.memory_space<vmem>>
          %dma_start3A_288 = arith.constant 0 : i32
          %dma_start3A_289 = arith.constant 0 : i32
          %dma_start3A_290 = tpu.memref_slice %arg5[%dma_start3A_288, %dma_start3A_289] : memref<16384x64xf32, #tpu.memory_space<hbm>> -> memref<16384x64xf32, #tpu.memory_space<hbm>>
          tpu.enqueue_indirect_dma source(%dma_start3A_290 : memref<16384x64xf32, #tpu.memory_space<hbm>>) target(%dma_start3A_280 : memref<128x64xf32, #tpu.memory_space<vmem>>) offsets(%dma_start3A_287 : memref<128xi32, #tpu.memory_space<vmem>>) semaphore(%arg15 : memref<!tpu.dma_semaphore, #tpu.memory_space<semaphore_mem>>)
        }
        %scan3A_271 = arith.constant 4 : i32
      } else {
      }
      %add3A_206 = arith.constant 2 : i32
      %add3A_207 = arith.addi %add3A_170, %add3A_206 : i32
      %lt3A_208 = arith.constant 164 : i32
      %lt3A_209 = arith.cmpi slt, %add3A_207, %lt3A_208 : i32
      %convert_element_type3A_210 = arith.extui %lt3A_209 : i1 to i32
      %cond3A_211 = arith.constant 0 : i32
      %cond3A_212 = arith.cmpi ne, %convert_element_type3A_210, %cond3A_211 : i32
      scf.if %cond3A_212 {
        %add3A_263 = arith.constant 2 : i32
        %add3A_264 = arith.addi %add3A_170, %add3A_263 : i32
        %rem3A_265 = arith.constant 3 : i32
        %rem3A_266 = arith.remsi %add3A_264, %rem3A_265 : i32
        %add3A_267 = arith.addi %mul3A_2, %add3A_264 : i32
        %mul3A_268 = arith.constant 4 : i32
        %mul3A_269 = arith.muli %add3A_267, %mul3A_268 : i32
        %dma_start3A_270 = arith.constant 0 : i32
        %dma_start3A_271 = arith.constant 0 : i32
        %dma_start3A_272 = tpu.memref_slice %arg7[%rem3A_266, %dma_start3A_270, %dma_start3A_271] : memref<3x4x128xi32, #tpu.memory_space<vmem>> -> memref<1x4x128xi32, #tpu.memory_space<vmem>>
        %dma_start3A_273 = tpu.memref_squeeze %dma_start3A_272 : memref<1x4x128xi32, #tpu.memory_space<vmem>> -> memref<4x128xi32, #tpu.memory_space<vmem>>
        %dma_start3A_274 = arith.constant 0 : i32
        %dma_start3A_275 = tpu.memref_slice %arg2[%mul3A_269, %dma_start3A_274] : memref<20992x128xi32, #tpu.memory_space<hbm>> -> memref<4x128xi32, #tpu.memory_space<hbm>>
        %dma_start3A_276 = arith.constant 0 : i32
        %dma_start3A_277 = arith.constant 0 : i32
        %dma_start3A_278 = tpu.memref_slice %arg7[%rem3A_266, %dma_start3A_276, %dma_start3A_277] : memref<3x4x128xi32, #tpu.memory_space<vmem>> -> memref<1x4x128xi32, #tpu.memory_space<vmem>>
        %dma_start3A_279 = tpu.memref_squeeze %dma_start3A_278 : memref<1x4x128xi32, #tpu.memory_space<vmem>> -> memref<4x128xi32, #tpu.memory_space<vmem>>
        %dma_start3A_280 = arith.constant 0 : i32
        %dma_start3A_281 = tpu.memref_slice %arg2[%mul3A_269, %dma_start3A_280] : memref<20992x128xi32, #tpu.memory_space<hbm>> -> memref<4x128xi32, #tpu.memory_space<hbm>>
        tpu.enqueue_dma source(%dma_start3A_281 : memref<4x128xi32, #tpu.memory_space<hbm>>) target(%dma_start3A_279 : memref<4x128xi32, #tpu.memory_space<vmem>>) target_semaphore(%arg18 : memref<!tpu.dma_semaphore, #tpu.memory_space<semaphore_mem>>)
        %dma_start3A_282 = arith.constant 0 : i32
        %dma_start3A_283 = arith.constant 0 : i32
        %dma_start3A_284 = tpu.memref_slice %arg8[%rem3A_266, %dma_start3A_282, %dma_start3A_283] : memref<3x4x128xi32, #tpu.memory_space<vmem>> -> memref<1x4x128xi32, #tpu.memory_space<vmem>>
        %dma_start3A_285 = tpu.memref_squeeze %dma_start3A_284 : memref<1x4x128xi32, #tpu.memory_space<vmem>> -> memref<4x128xi32, #tpu.memory_space<vmem>>
        %dma_start3A_286 = arith.constant 0 : i32
        %dma_start3A_287 = tpu.memref_slice %arg3[%mul3A_269, %dma_start3A_286] : memref<20992x128xi32, #tpu.memory_space<hbm>> -> memref<4x128xi32, #tpu.memory_space<hbm>>
        %dma_start3A_288 = arith.constant 0 : i32
        %dma_start3A_289 = arith.constant 0 : i32
        %dma_start3A_290 = tpu.memref_slice %arg8[%rem3A_266, %dma_start3A_288, %dma_start3A_289] : memref<3x4x128xi32, #tpu.memory_space<vmem>> -> memref<1x4x128xi32, #tpu.memory_space<vmem>>
        %dma_start3A_291 = tpu.memref_squeeze %dma_start3A_290 : memref<1x4x128xi32, #tpu.memory_space<vmem>> -> memref<4x128xi32, #tpu.memory_space<vmem>>
        %dma_start3A_292 = arith.constant 0 : i32
        %dma_start3A_293 = tpu.memref_slice %arg3[%mul3A_269, %dma_start3A_292] : memref<20992x128xi32, #tpu.memory_space<hbm>> -> memref<4x128xi32, #tpu.memory_space<hbm>>
        tpu.enqueue_dma source(%dma_start3A_293 : memref<4x128xi32, #tpu.memory_space<hbm>>) target(%dma_start3A_291 : memref<4x128xi32, #tpu.memory_space<vmem>>) target_semaphore(%arg18 : memref<!tpu.dma_semaphore, #tpu.memory_space<semaphore_mem>>)
        %mul3A_294 = arith.constant 128 : i32
        %mul3A_295 = arith.muli %mul3A_269, %mul3A_294 : i32
        %dma_start3A_296 = arith.constant 0 : i32
        %dma_start3A_297 = tpu.memref_slice %arg9[%rem3A_266, %dma_start3A_296] : memref<3x512xf32, #tpu.memory_space<vmem>> -> memref<1x512xf32, #tpu.memory_space<vmem>>
        %dma_start3A_298 = tpu.memref_squeeze %dma_start3A_297 : memref<1x512xf32, #tpu.memory_space<vmem>> -> memref<512xf32, #tpu.memory_space<vmem>>
        %dma_start3A_299 = tpu.memref_slice %arg4[%mul3A_295] : memref<2686976xf32, #tpu.memory_space<hbm>> -> memref<512xf32, #tpu.memory_space<hbm>>
        %dma_start3A_300 = arith.constant 0 : i32
        %dma_start3A_301 = tpu.memref_slice %arg9[%rem3A_266, %dma_start3A_300] : memref<3x512xf32, #tpu.memory_space<vmem>> -> memref<1x512xf32, #tpu.memory_space<vmem>>
        %dma_start3A_302 = tpu.memref_squeeze %dma_start3A_301 : memref<1x512xf32, #tpu.memory_space<vmem>> -> memref<512xf32, #tpu.memory_space<vmem>>
        %dma_start3A_303 = tpu.memref_slice %arg4[%mul3A_295] : memref<2686976xf32, #tpu.memory_space<hbm>> -> memref<512xf32, #tpu.memory_space<hbm>>
        tpu.enqueue_dma source(%dma_start3A_303 : memref<512xf32, #tpu.memory_space<hbm>>) target(%dma_start3A_302 : memref<512xf32, #tpu.memory_space<vmem>>) target_semaphore(%arg18 : memref<!tpu.dma_semaphore, #tpu.memory_space<semaphore_mem>>)
      } else {
      }
      %mul3A_213 = arith.constant 2 : i32
      %mul3A_214 = arith.muli %add3A_166, %mul3A_213 : i32
      %add3A_215 = arith.constant 1 : i32
      %add3A_216 = arith.addi %mul3A_214, %add3A_215 : i32
      %dma_wait3A_217 = arith.constant 0 : i32
      %dma_wait3A_218 = arith.constant 0 : i32
      %dma_wait3A_219 = tpu.memref_slice %arg5[%dma_wait3A_217, %dma_wait3A_218] : memref<16384x64xf32, #tpu.memory_space<hbm>> -> memref<512x64xf32, #tpu.memory_space<hbm>>
      %dma_wait3A_220 = arith.constant 0 : i32
      %dma_wait3A_221 = arith.constant 0 : i32
      %dma_wait3A_222 = tpu.memref_slice %arg5[%dma_wait3A_220, %dma_wait3A_221] : memref<16384x64xf32, #tpu.memory_space<hbm>> -> memref<512x64xf32, #tpu.memory_space<hbm>>
      tpu.wait_dma2 semaphore(%arg15 : memref<!tpu.dma_semaphore, #tpu.memory_space<semaphore_mem>>) src(%dma_wait3A_222 : memref<512x64xf32, #tpu.memory_space<hbm>>) dst(%arg11 : memref<512x64xf32, #tpu.memory_space<vmem>>)
      %rem3A_223 = arith.constant 3 : i32
      %rem3A_224 = arith.remsi %add3A_216, %rem3A_223 : i32
      %scan3A_225 = arith.constant 0 : i32
      %scan3A_226 = arith.constant 32 : i32
      %scan3A_227 = arith.addi %scan3A_225, %scan3A_226 : i32
      %scan3A_228 = arith.constant 1 : i32
      scf.for %scan3A_263 = %scan3A_225 to %scan3A_227 step %scan3A_228  : i32 {
        %mul3A_264 = arith.constant 1 : i32
        %mul3A_265 = arith.muli %scan3A_263, %mul3A_264 : i32
        %add3A_266 = arith.constant 0 : i32
        %add3A_267 = arith.addi %add3A_266, %mul3A_265 : i32
        %mul3A_268 = arith.constant 16 : i32
        %mul3A_269 = arith.muli %add3A_267, %mul3A_268 : i32
        %get3A = arith.index_cast %rem3A_224 : i32 to index
        %get3A_270 = arith.index_cast %mul3A_269 : i32 to index
        %get3A_271 = tpu.vector_load %arg9[%get3A, %get3A_270] {strides = array<i32>} : memref<3x512xf32, #tpu.memory_space<vmem>>, vector<1x16xf32>,
        %get3A_272 = vector.shape_cast %get3A_271 : vector<1x16xf32> to vector<16xf32>
        %slice3A = vector.extract_strided_slice %get3A_272 {offsets = [0], sizes = [1], strides = [1]} : vector<16xf32> to vector<1xf32>
        %squeeze3A = vector.extract %slice3A[0] : f32 from vector<1xf32>
        %mul3A_273 = arith.constant 16 : i32
        %mul3A_274 = arith.muli %add3A_267, %mul3A_273 : i32
        %add3A_275 = arith.constant 0 : i32
        %add3A_276 = arith.addi %mul3A_274, %add3A_275 : i32
        %get3A_277 = arith.index_cast %add3A_276 : i32 to index
        %get3A_278 = arith.constant 0 : index
        %get3A_279 = tpu.vector_load %arg11[%get3A_277, %get3A_278] {strides = array<i32>} : memref<512x64xf32, #tpu.memory_space<vmem>>, vector<1x16xf32>,
        %get3A_280 = vector.shape_cast %get3A_279 : vector<1x16xf32> to vector<16xf32>
        %mul3A_281 = vector.broadcast %squeeze3A : f32 to vector<16xf32>
        %mul3A_282 = arith.mulf %get3A_280, %mul3A_281 : vector<16xf32>
        %swap3A = arith.index_cast %add3A_276 : i32 to index
        %swap3A_283 = arith.constant 0 : index
        %swap3A_284 = tpu.vector_load %arg11[%swap3A, %swap3A_283] {strides = array<i32>} : memref<512x64xf32, #tpu.memory_space<vmem>>, vector<1x16xf32>,
        %swap3A_285 = vector.shape_cast %swap3A_284 : vector<1x16xf32> to vector<16xf32>
        %swap3A_286 = vector.shape_cast %mul3A_282 : vector<16xf32> to vector<1x16xf32>
        tpu.vector_store %arg11[%swap3A, %swap3A_283], %swap3A_286 {strides = array<i32>} : memref<512x64xf32, #tpu.memory_space<vmem>>, vector<1x16xf32>,
        %get3A_287 = arith.index_cast %add3A_276 : i32 to index
        %get3A_288 = arith.constant 16 : index
        %get3A_289 = tpu.vector_load %arg11[%get3A_287, %get3A_288] {strides = array<i32>} : memref<512x64xf32, #tpu.memory_space<vmem>>, vector<1x16xf32>,
        %get3A_290 = vector.shape_cast %get3A_289 : vector<1x16xf32> to vector<16xf32>
        %mul3A_291 = vector.broadcast %squeeze3A : f32 to vector<16xf32>
        %mul3A_292 = arith.mulf %get3A_290, %mul3A_291 : vector<16xf32>
        %swap3A_293 = arith.index_cast %add3A_276 : i32 to index
        %swap3A_294 = arith.constant 16 : index
        %swap3A_295 = tpu.vector_load %arg11[%swap3A_293, %swap3A_294] {strides = array<i32>} : memref<512x64xf32, #tpu.memory_space<vmem>>, vector<1x16xf32>,
        %swap3A_296 = vector.shape_cast %swap3A_295 : vector<1x16xf32> to vector<16xf32>
        %swap3A_297 = vector.shape_cast %mul3A_292 : vector<16xf32> to vector<1x16xf32>
        tpu.vector_store %arg11[%swap3A_293, %swap3A_294], %swap3A_297 {strides = array<i32>} : memref<512x64xf32, #tpu.memory_space<vmem>>, vector<1x16xf32>,
        %get3A_298 = arith.index_cast %add3A_276 : i32 to index
        %get3A_299 = arith.constant 32 : index
        %get3A_300 = tpu.vector_load %arg11[%get3A_298, %get3A_299] {strides = array<i32>} : memref<512x64xf32, #tpu.memory_space<vmem>>, vector<1x16xf32>,
        %get3A_301 = vector.shape_cast %get3A_300 : vector<1x16xf32> to vector<16xf32>
        %mul3A_302 = vector.broadcast %squeeze3A : f32 to vector<16xf32>
        %mul3A_303 = arith.mulf %get3A_301, %mul3A_302 : vector<16xf32>
        %swap3A_304 = arith.index_cast %add3A_276 : i32 to index
        %swap3A_305 = arith.constant 32 : index
        %swap3A_306 = tpu.vector_load %arg11[%swap3A_304, %swap3A_305] {strides = array<i32>} : memref<512x64xf32, #tpu.memory_space<vmem>>, vector<1x16xf32>,
        %swap3A_307 = vector.shape_cast %swap3A_306 : vector<1x16xf32> to vector<16xf32>
        %swap3A_308 = vector.shape_cast %mul3A_303 : vector<16xf32> to vector<1x16xf32>
        tpu.vector_store %arg11[%swap3A_304, %swap3A_305], %swap3A_308 {strides = array<i32>} : memref<512x64xf32, #tpu.memory_space<vmem>>, vector<1x16xf32>,
        %get3A_309 = arith.index_cast %add3A_276 : i32 to index
        %get3A_310 = arith.constant 48 : index
        %get3A_311 = tpu.vector_load %arg11[%get3A_309, %get3A_310] {strides = array<i32>} : memref<512x64xf32, #tpu.memory_space<vmem>>, vector<1x16xf32>,
        %get3A_312 = vector.shape_cast %get3A_311 : vector<1x16xf32> to vector<16xf32>
        %mul3A_313 = vector.broadcast %squeeze3A : f32 to vector<16xf32>
        %mul3A_314 = arith.mulf %get3A_312, %mul3A_313 : vector<16xf32>
        %swap3A_315 = arith.index_cast %add3A_276 : i32 to index
        %swap3A_316 = arith.constant 48 : index
        %swap3A_317 = tpu.vector_load %arg11[%swap3A_315, %swap3A_316] {strides = array<i32>} : memref<512x64xf32, #tpu.memory_space<vmem>>, vector<1x16xf32>,
        %swap3A_318 = vector.shape_cast %swap3A_317 : vector<1x16xf32> to vector<16xf32>
        %swap3A_319 = vector.shape_cast %mul3A_314 : vector<16xf32> to vector<1x16xf32>
        tpu.vector_store %arg11[%swap3A_315, %swap3A_316], %swap3A_319 {strides = array<i32>} : memref<512x64xf32, #tpu.memory_space<vmem>>, vector<1x16xf32>,
        %slice3A_320 = vector.extract_strided_slice %get3A_272 {offsets = [1], sizes = [1], strides = [1]} : vector<16xf32> to vector<1xf32>
        %squeeze3A_321 = vector.extract %slice3A_320[0] : f32 from vector<1xf32>
        %mul3A_322 = arith.constant 16 : i32
        %mul3A_323 = arith.muli %add3A_267, %mul3A_322 : i32
        %add3A_324 = arith.constant 1 : i32
        %add3A_325 = arith.addi %mul3A_323, %add3A_324 : i32
        %get3A_326 = arith.index_cast %add3A_325 : i32 to index
        %get3A_327 = arith.constant 0 : index
        %get3A_328 = tpu.vector_load %arg11[%get3A_326, %get3A_327] {strides = array<i32>} : memref<512x64xf32, #tpu.memory_space<vmem>>, vector<1x16xf32>,
        %get3A_329 = vector.shape_cast %get3A_328 : vector<1x16xf32> to vector<16xf32>
        %mul3A_330 = vector.broadcast %squeeze3A_321 : f32 to vector<16xf32>
        %mul3A_331 = arith.mulf %get3A_329, %mul3A_330 : vector<16xf32>
        %swap3A_332 = arith.index_cast %add3A_325 : i32 to index
        %swap3A_333 = arith.constant 0 : index
        %swap3A_334 = tpu.vector_load %arg11[%swap3A_332, %swap3A_333] {strides = array<i32>} : memref<512x64xf32, #tpu.memory_space<vmem>>, vector<1x16xf32>,
        %swap3A_335 = vector.shape_cast %swap3A_334 : vector<1x16xf32> to vector<16xf32>
        %swap3A_336 = vector.shape_cast %mul3A_331 : vector<16xf32> to vector<1x16xf32>
        tpu.vector_store %arg11[%swap3A_332, %swap3A_333], %swap3A_336 {strides = array<i32>} : memref<512x64xf32, #tpu.memory_space<vmem>>, vector<1x16xf32>,
        %get3A_337 = arith.index_cast %add3A_325 : i32 to index
        %get3A_338 = arith.constant 16 : index
        %get3A_339 = tpu.vector_load %arg11[%get3A_337, %get3A_338] {strides = array<i32>} : memref<512x64xf32, #tpu.memory_space<vmem>>, vector<1x16xf32>,
        %get3A_340 = vector.shape_cast %get3A_339 : vector<1x16xf32> to vector<16xf32>
        %mul3A_341 = vector.broadcast %squeeze3A_321 : f32 to vector<16xf32>
        %mul3A_342 = arith.mulf %get3A_340, %mul3A_341 : vector<16xf32>
        %swap3A_343 = arith.index_cast %add3A_325 : i32 to index
        %swap3A_344 = arith.constant 16 : index
        %swap3A_345 = tpu.vector_load %arg11[%swap3A_343, %swap3A_344] {strides = array<i32>} : memref<512x64xf32, #tpu.memory_space<vmem>>, vector<1x16xf32>,
        %swap3A_346 = vector.shape_cast %swap3A_345 : vector<1x16xf32> to vector<16xf32>
        %swap3A_347 = vector.shape_cast %mul3A_342 : vector<16xf32> to vector<1x16xf32>
        tpu.vector_store %arg11[%swap3A_343, %swap3A_344], %swap3A_347 {strides = array<i32>} : memref<512x64xf32, #tpu.memory_space<vmem>>, vector<1x16xf32>,
        %get3A_348 = arith.index_cast %add3A_325 : i32 to index
        %get3A_349 = arith.constant 32 : index
        %get3A_350 = tpu.vector_load %arg11[%get3A_348, %get3A_349] {strides = array<i32>} : memref<512x64xf32, #tpu.memory_space<vmem>>, vector<1x16xf32>,
        %get3A_351 = vector.shape_cast %get3A_350 : vector<1x16xf32> to vector<16xf32>
        %mul3A_352 = vector.broadcast %squeeze3A_321 : f32 to vector<16xf32>
        %mul3A_353 = arith.mulf %get3A_351, %mul3A_352 : vector<16xf32>
        %swap3A_354 = arith.index_cast %add3A_325 : i32 to index
        %swap3A_355 = arith.constant 32 : index
        %swap3A_356 = tpu.vector_load %arg11[%swap3A_354, %swap3A_355] {strides = array<i32>} : memref<512x64xf32, #tpu.memory_space<vmem>>, vector<1x16xf32>,
        %swap3A_357 = vector.shape_cast %swap3A_356 : vector<1x16xf32> to vector<16xf32>
        %swap3A_358 = vector.shape_cast %mul3A_353 : vector<16xf32> to vector<1x16xf32>
        tpu.vector_store %arg11[%swap3A_354, %swap3A_355], %swap3A_358 {strides = array<i32>} : memref<512x64xf32, #tpu.memory_space<vmem>>, vector<1x16xf32>,
        %get3A_359 = arith.index_cast %add3A_325 : i32 to index
        %get3A_360 = arith.constant 48 : index
        %get3A_361 = tpu.vector_load %arg11[%get3A_359, %get3A_360] {strides = array<i32>} : memref<512x64xf32, #tpu.memory_space<vmem>>, vector<1x16xf32>,
        %get3A_362 = vector.shape_cast %get3A_361 : vector<1x16xf32> to vector<16xf32>
        %mul3A_363 = vector.broadcast %squeeze3A_321 : f32 to vector<16xf32>
        %mul3A_364 = arith.mulf %get3A_362, %mul3A_363 : vector<16xf32>
        %swap3A_365 = arith.index_cast %add3A_325 : i32 to index
        %swap3A_366 = arith.constant 48 : index
        %swap3A_367 = tpu.vector_load %arg11[%swap3A_365, %swap3A_366] {strides = array<i32>} : memref<512x64xf32, #tpu.memory_space<vmem>>, vector<1x16xf32>,
        %swap3A_368 = vector.shape_cast %swap3A_367 : vector<1x16xf32> to vector<16xf32>
        %swap3A_369 = vector.shape_cast %mul3A_364 : vector<16xf32> to vector<1x16xf32>
        tpu.vector_store %arg11[%swap3A_365, %swap3A_366], %swap3A_369 {strides = array<i32>} : memref<512x64xf32, #tpu.memory_space<vmem>>, vector<1x16xf32>,
        %slice3A_370 = vector.extract_strided_slice %get3A_272 {offsets = [2], sizes = [1], strides = [1]} : vector<16xf32> to vector<1xf32>
        %squeeze3A_371 = vector.extract %slice3A_370[0] : f32 from vector<1xf32>
        %mul3A_372 = arith.constant 16 : i32
        %mul3A_373 = arith.muli %add3A_267, %mul3A_372 : i32
        %add3A_374 = arith.constant 2 : i32
        %add3A_375 = arith.addi %mul3A_373, %add3A_374 : i32
        %get3A_376 = arith.index_cast %add3A_375 : i32 to index
        %get3A_377 = arith.constant 0 : index
        %get3A_378 = tpu.vector_load %arg11[%get3A_376, %get3A_377] {strides = array<i32>} : memref<512x64xf32, #tpu.memory_space<vmem>>, vector<1x16xf32>,
        %get3A_379 = vector.shape_cast %get3A_378 : vector<1x16xf32> to vector<16xf32>
        %mul3A_380 = vector.broadcast %squeeze3A_371 : f32 to vector<16xf32>
        %mul3A_381 = arith.mulf %get3A_379, %mul3A_380 : vector<16xf32>
        %swap3A_382 = arith.index_cast %add3A_375 : i32 to index
        %swap3A_383 = arith.constant 0 : index
        %swap3A_384 = tpu.vector_load %arg11[%swap3A_382, %swap3A_383] {strides = array<i32>} : memref<512x64xf32, #tpu.memory_space<vmem>>, vector<1x16xf32>,
        %swap3A_385 = vector.shape_cast %swap3A_384 : vector<1x16xf32> to vector<16xf32>
        %swap3A_386 = vector.shape_cast %mul3A_381 : vector<16xf32> to vector<1x16xf32>
        tpu.vector_store %arg11[%swap3A_382, %swap3A_383], %swap3A_386 {strides = array<i32>} : memref<512x64xf32, #tpu.memory_space<vmem>>, vector<1x16xf32>,
        %get3A_387 = arith.index_cast %add3A_375 : i32 to index
        %get3A_388 = arith.constant 16 : index
        %get3A_389 = tpu.vector_load %arg11[%get3A_387, %get3A_388] {strides = array<i32>} : memref<512x64xf32, #tpu.memory_space<vmem>>, vector<1x16xf32>,
        %get3A_390 = vector.shape_cast %get3A_389 : vector<1x16xf32> to vector<16xf32>
        %mul3A_391 = vector.broadcast %squeeze3A_371 : f32 to vector<16xf32>
        %mul3A_392 = arith.mulf %get3A_390, %mul3A_391 : vector<16xf32>
        %swap3A_393 = arith.index_cast %add3A_375 : i32 to index
        %swap3A_394 = arith.constant 16 : index
        %swap3A_395 = tpu.vector_load %arg11[%swap3A_393, %swap3A_394] {strides = array<i32>} : memref<512x64xf32, #tpu.memory_space<vmem>>, vector<1x16xf32>,
        %swap3A_396 = vector.shape_cast %swap3A_395 : vector<1x16xf32> to vector<16xf32>
        %swap3A_397 = vector.shape_cast %mul3A_392 : vector<16xf32> to vector<1x16xf32>
        tpu.vector_store %arg11[%swap3A_393, %swap3A_394], %swap3A_397 {strides = array<i32>} : memref<512x64xf32, #tpu.memory_space<vmem>>, vector<1x16xf32>,
        %get3A_398 = arith.index_cast %add3A_375 : i32 to index
        %get3A_399 = arith.constant 32 : index
        %get3A_400 = tpu.vector_load %arg11[%get3A_398, %get3A_399] {strides = array<i32>} : memref<512x64xf32, #tpu.memory_space<vmem>>, vector<1x16xf32>,
        %get3A_401 = vector.shape_cast %get3A_400 : vector<1x16xf32> to vector<16xf32>
        %mul3A_402 = vector.broadcast %squeeze3A_371 : f32 to vector<16xf32>
        %mul3A_403 = arith.mulf %get3A_401, %mul3A_402 : vector<16xf32>
        %swap3A_404 = arith.index_cast %add3A_375 : i32 to index
        %swap3A_405 = arith.constant 32 : index
        %swap3A_406 = tpu.vector_load %arg11[%swap3A_404, %swap3A_405] {strides = array<i32>} : memref<512x64xf32, #tpu.memory_space<vmem>>, vector<1x16xf32>,
        %swap3A_407 = vector.shape_cast %swap3A_406 : vector<1x16xf32> to vector<16xf32>
        %swap3A_408 = vector.shape_cast %mul3A_403 : vector<16xf32> to vector<1x16xf32>
        tpu.vector_store %arg11[%swap3A_404, %swap3A_405], %swap3A_408 {strides = array<i32>} : memref<512x64xf32, #tpu.memory_space<vmem>>, vector<1x16xf32>,
        %get3A_409 = arith.index_cast %add3A_375 : i32 to index
        %get3A_410 = arith.constant 48 : index
        %get3A_411 = tpu.vector_load %arg11[%get3A_409, %get3A_410] {strides = array<i32>} : memref<512x64xf32, #tpu.memory_space<vmem>>, vector<1x16xf32>,
        %get3A_412 = vector.shape_cast %get3A_411 : vector<1x16xf32> to vector<16xf32>
        %mul3A_413 = vector.broadcast %squeeze3A_371 : f32 to vector<16xf32>
        %mul3A_414 = arith.mulf %get3A_412, %mul3A_413 : vector<16xf32>
        %swap3A_415 = arith.index_cast %add3A_375 : i32 to index
        %swap3A_416 = arith.constant 48 : index
        %swap3A_417 = tpu.vector_load %arg11[%swap3A_415, %swap3A_416] {strides = array<i32>} : memref<512x64xf32, #tpu.memory_space<vmem>>, vector<1x16xf32>,
        %swap3A_418 = vector.shape_cast %swap3A_417 : vector<1x16xf32> to vector<16xf32>
        %swap3A_419 = vector.shape_cast %mul3A_414 : vector<16xf32> to vector<1x16xf32>
        tpu.vector_store %arg11[%swap3A_415, %swap3A_416], %swap3A_419 {strides = array<i32>} : memref<512x64xf32, #tpu.memory_space<vmem>>, vector<1x16xf32>,
        %slice3A_420 = vector.extract_strided_slice %get3A_272 {offsets = [3], sizes = [1], strides = [1]} : vector<16xf32> to vector<1xf32>
        %squeeze3A_421 = vector.extract %slice3A_420[0] : f32 from vector<1xf32>
        %mul3A_422 = arith.constant 16 : i32
        %mul3A_423 = arith.muli %add3A_267, %mul3A_422 : i32
        %add3A_424 = arith.constant 3 : i32
        %add3A_425 = arith.addi %mul3A_423, %add3A_424 : i32
        %get3A_426 = arith.index_cast %add3A_425 : i32 to index
        %get3A_427 = arith.constant 0 : index
        %get3A_428 = tpu.vector_load %arg11[%get3A_426, %get3A_427] {strides = array<i32>} : memref<512x64xf32, #tpu.memory_space<vmem>>, vector<1x16xf32>,
        %get3A_429 = vector.shape_cast %get3A_428 : vector<1x16xf32> to vector<16xf32>
        %mul3A_430 = vector.broadcast %squeeze3A_421 : f32 to vector<16xf32>
        %mul3A_431 = arith.mulf %get3A_429, %mul3A_430 : vector<16xf32>
        %swap3A_432 = arith.index_cast %add3A_425 : i32 to index
        %swap3A_433 = arith.constant 0 : index
        %swap3A_434 = tpu.vector_load %arg11[%swap3A_432, %swap3A_433] {strides = array<i32>} : memref<512x64xf32, #tpu.memory_space<vmem>>, vector<1x16xf32>,
        %swap3A_435 = vector.shape_cast %swap3A_434 : vector<1x16xf32> to vector<16xf32>
        %swap3A_436 = vector.shape_cast %mul3A_431 : vector<16xf32> to vector<1x16xf32>
        tpu.vector_store %arg11[%swap3A_432, %swap3A_433], %swap3A_436 {strides = array<i32>} : memref<512x64xf32, #tpu.memory_space<vmem>>, vector<1x16xf32>,
        %get3A_437 = arith.index_cast %add3A_425 : i32 to index
        %get3A_438 = arith.constant 16 : index
        %get3A_439 = tpu.vector_load %arg11[%get3A_437, %get3A_438] {strides = array<i32>} : memref<512x64xf32, #tpu.memory_space<vmem>>, vector<1x16xf32>,
        %get3A_440 = vector.shape_cast %get3A_439 : vector<1x16xf32> to vector<16xf32>
        %mul3A_441 = vector.broadcast %squeeze3A_421 : f32 to vector<16xf32>
        %mul3A_442 = arith.mulf %get3A_440, %mul3A_441 : vector<16xf32>
        %swap3A_443 = arith.index_cast %add3A_425 : i32 to index
        %swap3A_444 = arith.constant 16 : index
        %swap3A_445 = tpu.vector_load %arg11[%swap3A_443, %swap3A_444] {strides = array<i32>} : memref<512x64xf32, #tpu.memory_space<vmem>>, vector<1x16xf32>,
        %swap3A_446 = vector.shape_cast %swap3A_445 : vector<1x16xf32> to vector<16xf32>
        %swap3A_447 = vector.shape_cast %mul3A_442 : vector<16xf32> to vector<1x16xf32>
        tpu.vector_store %arg11[%swap3A_443, %swap3A_444], %swap3A_447 {strides = array<i32>} : memref<512x64xf32, #tpu.memory_space<vmem>>, vector<1x16xf32>,
        %get3A_448 = arith.index_cast %add3A_425 : i32 to index
        %get3A_449 = arith.constant 32 : index
        %get3A_450 = tpu.vector_load %arg11[%get3A_448, %get3A_449] {strides = array<i32>} : memref<512x64xf32, #tpu.memory_space<vmem>>, vector<1x16xf32>,
        %get3A_451 = vector.shape_cast %get3A_450 : vector<1x16xf32> to vector<16xf32>
        %mul3A_452 = vector.broadcast %squeeze3A_421 : f32 to vector<16xf32>
        %mul3A_453 = arith.mulf %get3A_451, %mul3A_452 : vector<16xf32>
        %swap3A_454 = arith.index_cast %add3A_425 : i32 to index
        %swap3A_455 = arith.constant 32 : index
        %swap3A_456 = tpu.vector_load %arg11[%swap3A_454, %swap3A_455] {strides = array<i32>} : memref<512x64xf32, #tpu.memory_space<vmem>>, vector<1x16xf32>,
        %swap3A_457 = vector.shape_cast %swap3A_456 : vector<1x16xf32> to vector<16xf32>
        %swap3A_458 = vector.shape_cast %mul3A_453 : vector<16xf32> to vector<1x16xf32>
        tpu.vector_store %arg11[%swap3A_454, %swap3A_455], %swap3A_458 {strides = array<i32>} : memref<512x64xf32, #tpu.memory_space<vmem>>, vector<1x16xf32>,
        %get3A_459 = arith.index_cast %add3A_425 : i32 to index
        %get3A_460 = arith.constant 48 : index
        %get3A_461 = tpu.vector_load %arg11[%get3A_459, %get3A_460] {strides = array<i32>} : memref<512x64xf32, #tpu.memory_space<vmem>>, vector<1x16xf32>,
        %get3A_462 = vector.shape_cast %get3A_461 : vector<1x16xf32> to vector<16xf32>
        %mul3A_463 = vector.broadcast %squeeze3A_421 : f32 to vector<16xf32>
        %mul3A_464 = arith.mulf %get3A_462, %mul3A_463 : vector<16xf32>
        %swap3A_465 = arith.index_cast %add3A_425 : i32 to index
        %swap3A_466 = arith.constant 48 : index
        %swap3A_467 = tpu.vector_load %arg11[%swap3A_465, %swap3A_466] {strides = array<i32>} : memref<512x64xf32, #tpu.memory_space<vmem>>, vector<1x16xf32>,
        %swap3A_468 = vector.shape_cast %swap3A_467 : vector<1x16xf32> to vector<16xf32>
        %swap3A_469 = vector.shape_cast %mul3A_464 : vector<16xf32> to vector<1x16xf32>
        tpu.vector_store %arg11[%swap3A_465, %swap3A_466], %swap3A_469 {strides = array<i32>} : memref<512x64xf32, #tpu.memory_space<vmem>>, vector<1x16xf32>,
        %slice3A_470 = vector.extract_strided_slice %get3A_272 {offsets = [4], sizes = [1], strides = [1]} : vector<16xf32> to vector<1xf32>
        %squeeze3A_471 = vector.extract %slice3A_470[0] : f32 from vector<1xf32>
        %mul3A_472 = arith.constant 16 : i32
        %mul3A_473 = arith.muli %add3A_267, %mul3A_472 : i32
        %add3A_474 = arith.constant 4 : i32
        %add3A_475 = arith.addi %mul3A_473, %add3A_474 : i32
        %get3A_476 = arith.index_cast %add3A_475 : i32 to index
        %get3A_477 = arith.constant 0 : index
        %get3A_478 = tpu.vector_load %arg11[%get3A_476, %get3A_477] {strides = array<i32>} : memref<512x64xf32, #tpu.memory_space<vmem>>, vector<1x16xf32>,
        %get3A_479 = vector.shape_cast %get3A_478 : vector<1x16xf32> to vector<16xf32>
        %mul3A_480 = vector.broadcast %squeeze3A_471 : f32 to vector<16xf32>
        %mul3A_481 = arith.mulf %get3A_479, %mul3A_480 : vector<16xf32>
        %swap3A_482 = arith.index_cast %add3A_475 : i32 to index
        %swap3A_483 = arith.constant 0 : index
        %swap3A_484 = tpu.vector_load %arg11[%swap3A_482, %swap3A_483] {strides = array<i32>} : memref<512x64xf32, #tpu.memory_space<vmem>>, vector<1x16xf32>,
        %swap3A_485 = vector.shape_cast %swap3A_484 : vector<1x16xf32> to vector<16xf32>
        %swap3A_486 = vector.shape_cast %mul3A_481 : vector<16xf32> to vector<1x16xf32>
        tpu.vector_store %arg11[%swap3A_482, %swap3A_483], %swap3A_486 {strides = array<i32>} : memref<512x64xf32, #tpu.memory_space<vmem>>, vector<1x16xf32>,
        %get3A_487 = arith.index_cast %add3A_475 : i32 to index
        %get3A_488 = arith.constant 16 : index
        %get3A_489 = tpu.vector_load %arg11[%get3A_487, %get3A_488] {strides = array<i32>} : memref<512x64xf32, #tpu.memory_space<vmem>>, vector<1x16xf32>,
        %get3A_490 = vector.shape_cast %get3A_489 : vector<1x16xf32> to vector<16xf32>
        %mul3A_491 = vector.broadcast %squeeze3A_471 : f32 to vector<16xf32>
        %mul3A_492 = arith.mulf %get3A_490, %mul3A_491 : vector<16xf32>
        %swap3A_493 = arith.index_cast %add3A_475 : i32 to index
        %swap3A_494 = arith.constant 16 : index
        %swap3A_495 = tpu.vector_load %arg11[%swap3A_493, %swap3A_494] {strides = array<i32>} : memref<512x64xf32, #tpu.memory_space<vmem>>, vector<1x16xf32>,
        %swap3A_496 = vector.shape_cast %swap3A_495 : vector<1x16xf32> to vector<16xf32>
        %swap3A_497 = vector.shape_cast %mul3A_492 : vector<16xf32> to vector<1x16xf32>
        tpu.vector_store %arg11[%swap3A_493, %swap3A_494], %swap3A_497 {strides = array<i32>} : memref<512x64xf32, #tpu.memory_space<vmem>>, vector<1x16xf32>,
        %get3A_498 = arith.index_cast %add3A_475 : i32 to index
        %get3A_499 = arith.constant 32 : index
        %get3A_500 = tpu.vector_load %arg11[%get3A_498, %get3A_499] {strides = array<i32>} : memref<512x64xf32, #tpu.memory_space<vmem>>, vector<1x16xf32>,
        %get3A_501 = vector.shape_cast %get3A_500 : vector<1x16xf32> to vector<16xf32>
        %mul3A_502 = vector.broadcast %squeeze3A_471 : f32 to vector<16xf32>
        %mul3A_503 = arith.mulf %get3A_501, %mul3A_502 : vector<16xf32>
        %swap3A_504 = arith.index_cast %add3A_475 : i32 to index
        %swap3A_505 = arith.constant 32 : index
        %swap3A_506 = tpu.vector_load %arg11[%swap3A_504, %swap3A_505] {strides = array<i32>} : memref<512x64xf32, #tpu.memory_space<vmem>>, vector<1x16xf32>,
        %swap3A_507 = vector.shape_cast %swap3A_506 : vector<1x16xf32> to vector<16xf32>
        %swap3A_508 = vector.shape_cast %mul3A_503 : vector<16xf32> to vector<1x16xf32>
        tpu.vector_store %arg11[%swap3A_504, %swap3A_505], %swap3A_508 {strides = array<i32>} : memref<512x64xf32, #tpu.memory_space<vmem>>, vector<1x16xf32>,
        %get3A_509 = arith.index_cast %add3A_475 : i32 to index
        %get3A_510 = arith.constant 48 : index
        %get3A_511 = tpu.vector_load %arg11[%get3A_509, %get3A_510] {strides = array<i32>} : memref<512x64xf32, #tpu.memory_space<vmem>>, vector<1x16xf32>,
        %get3A_512 = vector.shape_cast %get3A_511 : vector<1x16xf32> to vector<16xf32>
        %mul3A_513 = vector.broadcast %squeeze3A_471 : f32 to vector<16xf32>
        %mul3A_514 = arith.mulf %get3A_512, %mul3A_513 : vector<16xf32>
        %swap3A_515 = arith.index_cast %add3A_475 : i32 to index
        %swap3A_516 = arith.constant 48 : index
        %swap3A_517 = tpu.vector_load %arg11[%swap3A_515, %swap3A_516] {strides = array<i32>} : memref<512x64xf32, #tpu.memory_space<vmem>>, vector<1x16xf32>,
        %swap3A_518 = vector.shape_cast %swap3A_517 : vector<1x16xf32> to vector<16xf32>
        %swap3A_519 = vector.shape_cast %mul3A_514 : vector<16xf32> to vector<1x16xf32>
        tpu.vector_store %arg11[%swap3A_515, %swap3A_516], %swap3A_519 {strides = array<i32>} : memref<512x64xf32, #tpu.memory_space<vmem>>, vector<1x16xf32>,
        %slice3A_520 = vector.extract_strided_slice %get3A_272 {offsets = [5], sizes = [1], strides = [1]} : vector<16xf32> to vector<1xf32>
        %squeeze3A_521 = vector.extract %slice3A_520[0] : f32 from vector<1xf32>
        %mul3A_522 = arith.constant 16 : i32
        %mul3A_523 = arith.muli %add3A_267, %mul3A_522 : i32
        %add3A_524 = arith.constant 5 : i32
        %add3A_525 = arith.addi %mul3A_523, %add3A_524 : i32
        %get3A_526 = arith.index_cast %add3A_525 : i32 to index
        %get3A_527 = arith.constant 0 : index
        %get3A_528 = tpu.vector_load %arg11[%get3A_526, %get3A_527] {strides = array<i32>} : memref<512x64xf32, #tpu.memory_space<vmem>>, vector<1x16xf32>,
        %get3A_529 = vector.shape_cast %get3A_528 : vector<1x16xf32> to vector<16xf32>
        %mul3A_530 = vector.broadcast %squeeze3A_521 : f32 to vector<16xf32>
        %mul3A_531 = arith.mulf %get3A_529, %mul3A_530 : vector<16xf32>
        %swap3A_532 = arith.index_cast %add3A_525 : i32 to index
        %swap3A_533 = arith.constant 0 : index
        %swap3A_534 = tpu.vector_load %arg11[%swap3A_532, %swap3A_533] {strides = array<i32>} : memref<512x64xf32, #tpu.memory_space<vmem>>, vector<1x16xf32>,
        %swap3A_535 = vector.shape_cast %swap3A_534 : vector<1x16xf32> to vector<16xf32>
        %swap3A_536 = vector.shape_cast %mul3A_531 : vector<16xf32> to vector<1x16xf32>
        tpu.vector_store %arg11[%swap3A_532, %swap3A_533], %swap3A_536 {strides = array<i32>} : memref<512x64xf32, #tpu.memory_space<vmem>>, vector<1x16xf32>,
        %get3A_537 = arith.index_cast %add3A_525 : i32 to index
        %get3A_538 = arith.constant 16 : index
        %get3A_539 = tpu.vector_load %arg11[%get3A_537, %get3A_538] {strides = array<i32>} : memref<512x64xf32, #tpu.memory_space<vmem>>, vector<1x16xf32>,
        %get3A_540 = vector.shape_cast %get3A_539 : vector<1x16xf32> to vector<16xf32>
        %mul3A_541 = vector.broadcast %squeeze3A_521 : f32 to vector<16xf32>
        %mul3A_542 = arith.mulf %get3A_540, %mul3A_541 : vector<16xf32>
        %swap3A_543 = arith.index_cast %add3A_525 : i32 to index
        %swap3A_544 = arith.constant 16 : index
        %swap3A_545 = tpu.vector_load %arg11[%swap3A_543, %swap3A_544] {strides = array<i32>} : memref<512x64xf32, #tpu.memory_space<vmem>>, vector<1x16xf32>,
        %swap3A_546 = vector.shape_cast %swap3A_545 : vector<1x16xf32> to vector<16xf32>
        %swap3A_547 = vector.shape_cast %mul3A_542 : vector<16xf32> to vector<1x16xf32>
        tpu.vector_store %arg11[%swap3A_543, %swap3A_544], %swap3A_547 {strides = array<i32>} : memref<512x64xf32, #tpu.memory_space<vmem>>, vector<1x16xf32>,
        %get3A_548 = arith.index_cast %add3A_525 : i32 to index
        %get3A_549 = arith.constant 32 : index
        %get3A_550 = tpu.vector_load %arg11[%get3A_548, %get3A_549] {strides = array<i32>} : memref<512x64xf32, #tpu.memory_space<vmem>>, vector<1x16xf32>,
        %get3A_551 = vector.shape_cast %get3A_550 : vector<1x16xf32> to vector<16xf32>
        %mul3A_552 = vector.broadcast %squeeze3A_521 : f32 to vector<16xf32>
        %mul3A_553 = arith.mulf %get3A_551, %mul3A_552 : vector<16xf32>
        %swap3A_554 = arith.index_cast %add3A_525 : i32 to index
        %swap3A_555 = arith.constant 32 : index
        %swap3A_556 = tpu.vector_load %arg11[%swap3A_554, %swap3A_555] {strides = array<i32>} : memref<512x64xf32, #tpu.memory_space<vmem>>, vector<1x16xf32>,
        %swap3A_557 = vector.shape_cast %swap3A_556 : vector<1x16xf32> to vector<16xf32>
        %swap3A_558 = vector.shape_cast %mul3A_553 : vector<16xf32> to vector<1x16xf32>
        tpu.vector_store %arg11[%swap3A_554, %swap3A_555], %swap3A_558 {strides = array<i32>} : memref<512x64xf32, #tpu.memory_space<vmem>>, vector<1x16xf32>,
        %get3A_559 = arith.index_cast %add3A_525 : i32 to index
        %get3A_560 = arith.constant 48 : index
        %get3A_561 = tpu.vector_load %arg11[%get3A_559, %get3A_560] {strides = array<i32>} : memref<512x64xf32, #tpu.memory_space<vmem>>, vector<1x16xf32>,
        %get3A_562 = vector.shape_cast %get3A_561 : vector<1x16xf32> to vector<16xf32>
        %mul3A_563 = vector.broadcast %squeeze3A_521 : f32 to vector<16xf32>
        %mul3A_564 = arith.mulf %get3A_562, %mul3A_563 : vector<16xf32>
        %swap3A_565 = arith.index_cast %add3A_525 : i32 to index
        %swap3A_566 = arith.constant 48 : index
        %swap3A_567 = tpu.vector_load %arg11[%swap3A_565, %swap3A_566] {strides = array<i32>} : memref<512x64xf32, #tpu.memory_space<vmem>>, vector<1x16xf32>,
        %swap3A_568 = vector.shape_cast %swap3A_567 : vector<1x16xf32> to vector<16xf32>
        %swap3A_569 = vector.shape_cast %mul3A_564 : vector<16xf32> to vector<1x16xf32>
        tpu.vector_store %arg11[%swap3A_565, %swap3A_566], %swap3A_569 {strides = array<i32>} : memref<512x64xf32, #tpu.memory_space<vmem>>, vector<1x16xf32>,
        %slice3A_570 = vector.extract_strided_slice %get3A_272 {offsets = [6], sizes = [1], strides = [1]} : vector<16xf32> to vector<1xf32>
        %squeeze3A_571 = vector.extract %slice3A_570[0] : f32 from vector<1xf32>
        %mul3A_572 = arith.constant 16 : i32
        %mul3A_573 = arith.muli %add3A_267, %mul3A_572 : i32
        %add3A_574 = arith.constant 6 : i32
        %add3A_575 = arith.addi %mul3A_573, %add3A_574 : i32
        %get3A_576 = arith.index_cast %add3A_575 : i32 to index
        %get3A_577 = arith.constant 0 : index
        %get3A_578 = tpu.vector_load %arg11[%get3A_576, %get3A_577] {strides = array<i32>} : memref<512x64xf32, #tpu.memory_space<vmem>>, vector<1x16xf32>,
        %get3A_579 = vector.shape_cast %get3A_578 : vector<1x16xf32> to vector<16xf32>
        %mul3A_580 = vector.broadcast %squeeze3A_571 : f32 to vector<16xf32>
        %mul3A_581 = arith.mulf %get3A_579, %mul3A_580 : vector<16xf32>
        %swap3A_582 = arith.index_cast %add3A_575 : i32 to index
        %swap3A_583 = arith.constant 0 : index
        %swap3A_584 = tpu.vector_load %arg11[%swap3A_582, %swap3A_583] {strides = array<i32>} : memref<512x64xf32, #tpu.memory_space<vmem>>, vector<1x16xf32>,
        %swap3A_585 = vector.shape_cast %swap3A_584 : vector<1x16xf32> to vector<16xf32>
        %swap3A_586 = vector.shape_cast %mul3A_581 : vector<16xf32> to vector<1x16xf32>
        tpu.vector_store %arg11[%swap3A_582, %swap3A_583], %swap3A_586 {strides = array<i32>} : memref<512x64xf32, #tpu.memory_space<vmem>>, vector<1x16xf32>,
        %get3A_587 = arith.index_cast %add3A_575 : i32 to index
        %get3A_588 = arith.constant 16 : index
        %get3A_589 = tpu.vector_load %arg11[%get3A_587, %get3A_588] {strides = array<i32>} : memref<512x64xf32, #tpu.memory_space<vmem>>, vector<1x16xf32>,
        %get3A_590 = vector.shape_cast %get3A_589 : vector<1x16xf32> to vector<16xf32>
        %mul3A_591 = vector.broadcast %squeeze3A_571 : f32 to vector<16xf32>
        %mul3A_592 = arith.mulf %get3A_590, %mul3A_591 : vector<16xf32>
        %swap3A_593 = arith.index_cast %add3A_575 : i32 to index
        %swap3A_594 = arith.constant 16 : index
        %swap3A_595 = tpu.vector_load %arg11[%swap3A_593, %swap3A_594] {strides = array<i32>} : memref<512x64xf32, #tpu.memory_space<vmem>>, vector<1x16xf32>,
        %swap3A_596 = vector.shape_cast %swap3A_595 : vector<1x16xf32> to vector<16xf32>
        %swap3A_597 = vector.shape_cast %mul3A_592 : vector<16xf32> to vector<1x16xf32>
        tpu.vector_store %arg11[%swap3A_593, %swap3A_594], %swap3A_597 {strides = array<i32>} : memref<512x64xf32, #tpu.memory_space<vmem>>, vector<1x16xf32>,
        %get3A_598 = arith.index_cast %add3A_575 : i32 to index
        %get3A_599 = arith.constant 32 : index
        %get3A_600 = tpu.vector_load %arg11[%get3A_598, %get3A_599] {strides = array<i32>} : memref<512x64xf32, #tpu.memory_space<vmem>>, vector<1x16xf32>,
        %get3A_601 = vector.shape_cast %get3A_600 : vector<1x16xf32> to vector<16xf32>
        %mul3A_602 = vector.broadcast %squeeze3A_571 : f32 to vector<16xf32>
        %mul3A_603 = arith.mulf %get3A_601, %mul3A_602 : vector<16xf32>
        %swap3A_604 = arith.index_cast %add3A_575 : i32 to index
        %swap3A_605 = arith.constant 32 : index
        %swap3A_606 = tpu.vector_load %arg11[%swap3A_604, %swap3A_605] {strides = array<i32>} : memref<512x64xf32, #tpu.memory_space<vmem>>, vector<1x16xf32>,
        %swap3A_607 = vector.shape_cast %swap3A_606 : vector<1x16xf32> to vector<16xf32>
        %swap3A_608 = vector.shape_cast %mul3A_603 : vector<16xf32> to vector<1x16xf32>
        tpu.vector_store %arg11[%swap3A_604, %swap3A_605], %swap3A_608 {strides = array<i32>} : memref<512x64xf32, #tpu.memory_space<vmem>>, vector<1x16xf32>,
        %get3A_609 = arith.index_cast %add3A_575 : i32 to index
        %get3A_610 = arith.constant 48 : index
        %get3A_611 = tpu.vector_load %arg11[%get3A_609, %get3A_610] {strides = array<i32>} : memref<512x64xf32, #tpu.memory_space<vmem>>, vector<1x16xf32>,
        %get3A_612 = vector.shape_cast %get3A_611 : vector<1x16xf32> to vector<16xf32>
        %mul3A_613 = vector.broadcast %squeeze3A_571 : f32 to vector<16xf32>
        %mul3A_614 = arith.mulf %get3A_612, %mul3A_613 : vector<16xf32>
        %swap3A_615 = arith.index_cast %add3A_575 : i32 to index
        %swap3A_616 = arith.constant 48 : index
        %swap3A_617 = tpu.vector_load %arg11[%swap3A_615, %swap3A_616] {strides = array<i32>} : memref<512x64xf32, #tpu.memory_space<vmem>>, vector<1x16xf32>,
        %swap3A_618 = vector.shape_cast %swap3A_617 : vector<1x16xf32> to vector<16xf32>
        %swap3A_619 = vector.shape_cast %mul3A_614 : vector<16xf32> to vector<1x16xf32>
        tpu.vector_store %arg11[%swap3A_615, %swap3A_616], %swap3A_619 {strides = array<i32>} : memref<512x64xf32, #tpu.memory_space<vmem>>, vector<1x16xf32>,
        %slice3A_620 = vector.extract_strided_slice %get3A_272 {offsets = [7], sizes = [1], strides = [1]} : vector<16xf32> to vector<1xf32>
        %squeeze3A_621 = vector.extract %slice3A_620[0] : f32 from vector<1xf32>
        %mul3A_622 = arith.constant 16 : i32
        %mul3A_623 = arith.muli %add3A_267, %mul3A_622 : i32
        %add3A_624 = arith.constant 7 : i32
        %add3A_625 = arith.addi %mul3A_623, %add3A_624 : i32
        %get3A_626 = arith.index_cast %add3A_625 : i32 to index
        %get3A_627 = arith.constant 0 : index
        %get3A_628 = tpu.vector_load %arg11[%get3A_626, %get3A_627] {strides = array<i32>} : memref<512x64xf32, #tpu.memory_space<vmem>>, vector<1x16xf32>,
        %get3A_629 = vector.shape_cast %get3A_628 : vector<1x16xf32> to vector<16xf32>
        %mul3A_630 = vector.broadcast %squeeze3A_621 : f32 to vector<16xf32>
        %mul3A_631 = arith.mulf %get3A_629, %mul3A_630 : vector<16xf32>
        %swap3A_632 = arith.index_cast %add3A_625 : i32 to index
        %swap3A_633 = arith.constant 0 : index
        %swap3A_634 = tpu.vector_load %arg11[%swap3A_632, %swap3A_633] {strides = array<i32>} : memref<512x64xf32, #tpu.memory_space<vmem>>, vector<1x16xf32>,
        %swap3A_635 = vector.shape_cast %swap3A_634 : vector<1x16xf32> to vector<16xf32>
        %swap3A_636 = vector.shape_cast %mul3A_631 : vector<16xf32> to vector<1x16xf32>
        tpu.vector_store %arg11[%swap3A_632, %swap3A_633], %swap3A_636 {strides = array<i32>} : memref<512x64xf32, #tpu.memory_space<vmem>>, vector<1x16xf32>,
        %get3A_637 = arith.index_cast %add3A_625 : i32 to index
        %get3A_638 = arith.constant 16 : index
        %get3A_639 = tpu.vector_load %arg11[%get3A_637, %get3A_638] {strides = array<i32>} : memref<512x64xf32, #tpu.memory_space<vmem>>, vector<1x16xf32>,
        %get3A_640 = vector.shape_cast %get3A_639 : vector<1x16xf32> to vector<16xf32>
        %mul3A_641 = vector.broadcast %squeeze3A_621 : f32 to vector<16xf32>
        %mul3A_642 = arith.mulf %get3A_640, %mul3A_641 : vector<16xf32>
        %swap3A_643 = arith.index_cast %add3A_625 : i32 to index
        %swap3A_644 = arith.constant 16 : index
        %swap3A_645 = tpu.vector_load %arg11[%swap3A_643, %swap3A_644] {strides = array<i32>} : memref<512x64xf32, #tpu.memory_space<vmem>>, vector<1x16xf32>,
        %swap3A_646 = vector.shape_cast %swap3A_645 : vector<1x16xf32> to vector<16xf32>
        %swap3A_647 = vector.shape_cast %mul3A_642 : vector<16xf32> to vector<1x16xf32>
        tpu.vector_store %arg11[%swap3A_643, %swap3A_644], %swap3A_647 {strides = array<i32>} : memref<512x64xf32, #tpu.memory_space<vmem>>, vector<1x16xf32>,
        %get3A_648 = arith.index_cast %add3A_625 : i32 to index
        %get3A_649 = arith.constant 32 : index
        %get3A_650 = tpu.vector_load %arg11[%get3A_648, %get3A_649] {strides = array<i32>} : memref<512x64xf32, #tpu.memory_space<vmem>>, vector<1x16xf32>,
        %get3A_651 = vector.shape_cast %get3A_650 : vector<1x16xf32> to vector<16xf32>
        %mul3A_652 = vector.broadcast %squeeze3A_621 : f32 to vector<16xf32>
        %mul3A_653 = arith.mulf %get3A_651, %mul3A_652 : vector<16xf32>
        %swap3A_654 = arith.index_cast %add3A_625 : i32 to index
        %swap3A_655 = arith.constant 32 : index
        %swap3A_656 = tpu.vector_load %arg11[%swap3A_654, %swap3A_655] {strides = array<i32>} : memref<512x64xf32, #tpu.memory_space<vmem>>, vector<1x16xf32>,
        %swap3A_657 = vector.shape_cast %swap3A_656 : vector<1x16xf32> to vector<16xf32>
        %swap3A_658 = vector.shape_cast %mul3A_653 : vector<16xf32> to vector<1x16xf32>
        tpu.vector_store %arg11[%swap3A_654, %swap3A_655], %swap3A_658 {strides = array<i32>} : memref<512x64xf32, #tpu.memory_space<vmem>>, vector<1x16xf32>,
        %get3A_659 = arith.index_cast %add3A_625 : i32 to index
        %get3A_660 = arith.constant 48 : index
        %get3A_661 = tpu.vector_load %arg11[%get3A_659, %get3A_660] {strides = array<i32>} : memref<512x64xf32, #tpu.memory_space<vmem>>, vector<1x16xf32>,
        %get3A_662 = vector.shape_cast %get3A_661 : vector<1x16xf32> to vector<16xf32>
        %mul3A_663 = vector.broadcast %squeeze3A_621 : f32 to vector<16xf32>
        %mul3A_664 = arith.mulf %get3A_662, %mul3A_663 : vector<16xf32>
        %swap3A_665 = arith.index_cast %add3A_625 : i32 to index
        %swap3A_666 = arith.constant 48 : index
        %swap3A_667 = tpu.vector_load %arg11[%swap3A_665, %swap3A_666] {strides = array<i32>} : memref<512x64xf32, #tpu.memory_space<vmem>>, vector<1x16xf32>,
        %swap3A_668 = vector.shape_cast %swap3A_667 : vector<1x16xf32> to vector<16xf32>
        %swap3A_669 = vector.shape_cast %mul3A_664 : vector<16xf32> to vector<1x16xf32>
        tpu.vector_store %arg11[%swap3A_665, %swap3A_666], %swap3A_669 {strides = array<i32>} : memref<512x64xf32, #tpu.memory_space<vmem>>, vector<1x16xf32>,
        %slice3A_670 = vector.extract_strided_slice %get3A_272 {offsets = [8], sizes = [1], strides = [1]} : vector<16xf32> to vector<1xf32>
        %squeeze3A_671 = vector.extract %slice3A_670[0] : f32 from vector<1xf32>
        %mul3A_672 = arith.constant 16 : i32
        %mul3A_673 = arith.muli %add3A_267, %mul3A_672 : i32
        %add3A_674 = arith.constant 8 : i32
        %add3A_675 = arith.addi %mul3A_673, %add3A_674 : i32
        %get3A_676 = arith.index_cast %add3A_675 : i32 to index
        %get3A_677 = arith.constant 0 : index
        %get3A_678 = tpu.vector_load %arg11[%get3A_676, %get3A_677] {strides = array<i32>} : memref<512x64xf32, #tpu.memory_space<vmem>>, vector<1x16xf32>,
        %get3A_679 = vector.shape_cast %get3A_678 : vector<1x16xf32> to vector<16xf32>
        %mul3A_680 = vector.broadcast %squeeze3A_671 : f32 to vector<16xf32>
        %mul3A_681 = arith.mulf %get3A_679, %mul3A_680 : vector<16xf32>
        %swap3A_682 = arith.index_cast %add3A_675 : i32 to index
        %swap3A_683 = arith.constant 0 : index
        %swap3A_684 = tpu.vector_load %arg11[%swap3A_682, %swap3A_683] {strides = array<i32>} : memref<512x64xf32, #tpu.memory_space<vmem>>, vector<1x16xf32>,
        %swap3A_685 = vector.shape_cast %swap3A_684 : vector<1x16xf32> to vector<16xf32>
        %swap3A_686 = vector.shape_cast %mul3A_681 : vector<16xf32> to vector<1x16xf32>
        tpu.vector_store %arg11[%swap3A_682, %swap3A_683], %swap3A_686 {strides = array<i32>} : memref<512x64xf32, #tpu.memory_space<vmem>>, vector<1x16xf32>,
        %get3A_687 = arith.index_cast %add3A_675 : i32 to index
        %get3A_688 = arith.constant 16 : index
        %get3A_689 = tpu.vector_load %arg11[%get3A_687, %get3A_688] {strides = array<i32>} : memref<512x64xf32, #tpu.memory_space<vmem>>, vector<1x16xf32>,
        %get3A_690 = vector.shape_cast %get3A_689 : vector<1x16xf32> to vector<16xf32>
        %mul3A_691 = vector.broadcast %squeeze3A_671 : f32 to vector<16xf32>
        %mul3A_692 = arith.mulf %get3A_690, %mul3A_691 : vector<16xf32>
        %swap3A_693 = arith.index_cast %add3A_675 : i32 to index
        %swap3A_694 = arith.constant 16 : index
        %swap3A_695 = tpu.vector_load %arg11[%swap3A_693, %swap3A_694] {strides = array<i32>} : memref<512x64xf32, #tpu.memory_space<vmem>>, vector<1x16xf32>,
        %swap3A_696 = vector.shape_cast %swap3A_695 : vector<1x16xf32> to vector<16xf32>
        %swap3A_697 = vector.shape_cast %mul3A_692 : vector<16xf32> to vector<1x16xf32>
        tpu.vector_store %arg11[%swap3A_693, %swap3A_694], %swap3A_697 {strides = array<i32>} : memref<512x64xf32, #tpu.memory_space<vmem>>, vector<1x16xf32>,
        %get3A_698 = arith.index_cast %add3A_675 : i32 to index
        %get3A_699 = arith.constant 32 : index
        %get3A_700 = tpu.vector_load %arg11[%get3A_698, %get3A_699] {strides = array<i32>} : memref<512x64xf32, #tpu.memory_space<vmem>>, vector<1x16xf32>,
        %get3A_701 = vector.shape_cast %get3A_700 : vector<1x16xf32> to vector<16xf32>
        %mul3A_702 = vector.broadcast %squeeze3A_671 : f32 to vector<16xf32>
        %mul3A_703 = arith.mulf %get3A_701, %mul3A_702 : vector<16xf32>
        %swap3A_704 = arith.index_cast %add3A_675 : i32 to index
        %swap3A_705 = arith.constant 32 : index
        %swap3A_706 = tpu.vector_load %arg11[%swap3A_704, %swap3A_705] {strides = array<i32>} : memref<512x64xf32, #tpu.memory_space<vmem>>, vector<1x16xf32>,
        %swap3A_707 = vector.shape_cast %swap3A_706 : vector<1x16xf32> to vector<16xf32>
        %swap3A_708 = vector.shape_cast %mul3A_703 : vector<16xf32> to vector<1x16xf32>
        tpu.vector_store %arg11[%swap3A_704, %swap3A_705], %swap3A_708 {strides = array<i32>} : memref<512x64xf32, #tpu.memory_space<vmem>>, vector<1x16xf32>,
        %get3A_709 = arith.index_cast %add3A_675 : i32 to index
        %get3A_710 = arith.constant 48 : index
        %get3A_711 = tpu.vector_load %arg11[%get3A_709, %get3A_710] {strides = array<i32>} : memref<512x64xf32, #tpu.memory_space<vmem>>, vector<1x16xf32>,
        %get3A_712 = vector.shape_cast %get3A_711 : vector<1x16xf32> to vector<16xf32>
        %mul3A_713 = vector.broadcast %squeeze3A_671 : f32 to vector<16xf32>
        %mul3A_714 = arith.mulf %get3A_712, %mul3A_713 : vector<16xf32>
        %swap3A_715 = arith.index_cast %add3A_675 : i32 to index
        %swap3A_716 = arith.constant 48 : index
        %swap3A_717 = tpu.vector_load %arg11[%swap3A_715, %swap3A_716] {strides = array<i32>} : memref<512x64xf32, #tpu.memory_space<vmem>>, vector<1x16xf32>,
        %swap3A_718 = vector.shape_cast %swap3A_717 : vector<1x16xf32> to vector<16xf32>
        %swap3A_719 = vector.shape_cast %mul3A_714 : vector<16xf32> to vector<1x16xf32>
        tpu.vector_store %arg11[%swap3A_715, %swap3A_716], %swap3A_719 {strides = array<i32>} : memref<512x64xf32, #tpu.memory_space<vmem>>, vector<1x16xf32>,
        %slice3A_720 = vector.extract_strided_slice %get3A_272 {offsets = [9], sizes = [1], strides = [1]} : vector<16xf32> to vector<1xf32>
        %squeeze3A_721 = vector.extract %slice3A_720[0] : f32 from vector<1xf32>
        %mul3A_722 = arith.constant 16 : i32
        %mul3A_723 = arith.muli %add3A_267, %mul3A_722 : i32
        %add3A_724 = arith.constant 9 : i32
        %add3A_725 = arith.addi %mul3A_723, %add3A_724 : i32
        %get3A_726 = arith.index_cast %add3A_725 : i32 to index
        %get3A_727 = arith.constant 0 : index
        %get3A_728 = tpu.vector_load %arg11[%get3A_726, %get3A_727] {strides = array<i32>} : memref<512x64xf32, #tpu.memory_space<vmem>>, vector<1x16xf32>,
        %get3A_729 = vector.shape_cast %get3A_728 : vector<1x16xf32> to vector<16xf32>
        %mul3A_730 = vector.broadcast %squeeze3A_721 : f32 to vector<16xf32>
        %mul3A_731 = arith.mulf %get3A_729, %mul3A_730 : vector<16xf32>
        %swap3A_732 = arith.index_cast %add3A_725 : i32 to index
        %swap3A_733 = arith.constant 0 : index
        %swap3A_734 = tpu.vector_load %arg11[%swap3A_732, %swap3A_733] {strides = array<i32>} : memref<512x64xf32, #tpu.memory_space<vmem>>, vector<1x16xf32>,
        %swap3A_735 = vector.shape_cast %swap3A_734 : vector<1x16xf32> to vector<16xf32>
        %swap3A_736 = vector.shape_cast %mul3A_731 : vector<16xf32> to vector<1x16xf32>
        tpu.vector_store %arg11[%swap3A_732, %swap3A_733], %swap3A_736 {strides = array<i32>} : memref<512x64xf32, #tpu.memory_space<vmem>>, vector<1x16xf32>,
        %get3A_737 = arith.index_cast %add3A_725 : i32 to index
        %get3A_738 = arith.constant 16 : index
        %get3A_739 = tpu.vector_load %arg11[%get3A_737, %get3A_738] {strides = array<i32>} : memref<512x64xf32, #tpu.memory_space<vmem>>, vector<1x16xf32>,
        %get3A_740 = vector.shape_cast %get3A_739 : vector<1x16xf32> to vector<16xf32>
        %mul3A_741 = vector.broadcast %squeeze3A_721 : f32 to vector<16xf32>
        %mul3A_742 = arith.mulf %get3A_740, %mul3A_741 : vector<16xf32>
        %swap3A_743 = arith.index_cast %add3A_725 : i32 to index
        %swap3A_744 = arith.constant 16 : index
        %swap3A_745 = tpu.vector_load %arg11[%swap3A_743, %swap3A_744] {strides = array<i32>} : memref<512x64xf32, #tpu.memory_space<vmem>>, vector<1x16xf32>,
        %swap3A_746 = vector.shape_cast %swap3A_745 : vector<1x16xf32> to vector<16xf32>
        %swap3A_747 = vector.shape_cast %mul3A_742 : vector<16xf32> to vector<1x16xf32>
        tpu.vector_store %arg11[%swap3A_743, %swap3A_744], %swap3A_747 {strides = array<i32>} : memref<512x64xf32, #tpu.memory_space<vmem>>, vector<1x16xf32>,
        %get3A_748 = arith.index_cast %add3A_725 : i32 to index
        %get3A_749 = arith.constant 32 : index
        %get3A_750 = tpu.vector_load %arg11[%get3A_748, %get3A_749] {strides = array<i32>} : memref<512x64xf32, #tpu.memory_space<vmem>>, vector<1x16xf32>,
        %get3A_751 = vector.shape_cast %get3A_750 : vector<1x16xf32> to vector<16xf32>
        %mul3A_752 = vector.broadcast %squeeze3A_721 : f32 to vector<16xf32>
        %mul3A_753 = arith.mulf %get3A_751, %mul3A_752 : vector<16xf32>
        %swap3A_754 = arith.index_cast %add3A_725 : i32 to index
        %swap3A_755 = arith.constant 32 : index
        %swap3A_756 = tpu.vector_load %arg11[%swap3A_754, %swap3A_755] {strides = array<i32>} : memref<512x64xf32, #tpu.memory_space<vmem>>, vector<1x16xf32>,
        %swap3A_757 = vector.shape_cast %swap3A_756 : vector<1x16xf32> to vector<16xf32>
        %swap3A_758 = vector.shape_cast %mul3A_753 : vector<16xf32> to vector<1x16xf32>
        tpu.vector_store %arg11[%swap3A_754, %swap3A_755], %swap3A_758 {strides = array<i32>} : memref<512x64xf32, #tpu.memory_space<vmem>>, vector<1x16xf32>,
        %get3A_759 = arith.index_cast %add3A_725 : i32 to index
        %get3A_760 = arith.constant 48 : index
        %get3A_761 = tpu.vector_load %arg11[%get3A_759, %get3A_760] {strides = array<i32>} : memref<512x64xf32, #tpu.memory_space<vmem>>, vector<1x16xf32>,
        %get3A_762 = vector.shape_cast %get3A_761 : vector<1x16xf32> to vector<16xf32>
        %mul3A_763 = vector.broadcast %squeeze3A_721 : f32 to vector<16xf32>
        %mul3A_764 = arith.mulf %get3A_762, %mul3A_763 : vector<16xf32>
        %swap3A_765 = arith.index_cast %add3A_725 : i32 to index
        %swap3A_766 = arith.constant 48 : index
        %swap3A_767 = tpu.vector_load %arg11[%swap3A_765, %swap3A_766] {strides = array<i32>} : memref<512x64xf32, #tpu.memory_space<vmem>>, vector<1x16xf32>,
        %swap3A_768 = vector.shape_cast %swap3A_767 : vector<1x16xf32> to vector<16xf32>
        %swap3A_769 = vector.shape_cast %mul3A_764 : vector<16xf32> to vector<1x16xf32>
        tpu.vector_store %arg11[%swap3A_765, %swap3A_766], %swap3A_769 {strides = array<i32>} : memref<512x64xf32, #tpu.memory_space<vmem>>, vector<1x16xf32>,
        %slice3A_770 = vector.extract_strided_slice %get3A_272 {offsets = [10], sizes = [1], strides = [1]} : vector<16xf32> to vector<1xf32>
        %squeeze3A_771 = vector.extract %slice3A_770[0] : f32 from vector<1xf32>
        %mul3A_772 = arith.constant 16 : i32
        %mul3A_773 = arith.muli %add3A_267, %mul3A_772 : i32
        %add3A_774 = arith.constant 10 : i32
        %add3A_775 = arith.addi %mul3A_773, %add3A_774 : i32
        %get3A_776 = arith.index_cast %add3A_775 : i32 to index
        %get3A_777 = arith.constant 0 : index
        %get3A_778 = tpu.vector_load %arg11[%get3A_776, %get3A_777] {strides = array<i32>} : memref<512x64xf32, #tpu.memory_space<vmem>>, vector<1x16xf32>,
        %get3A_779 = vector.shape_cast %get3A_778 : vector<1x16xf32> to vector<16xf32>
        %mul3A_780 = vector.broadcast %squeeze3A_771 : f32 to vector<16xf32>
        %mul3A_781 = arith.mulf %get3A_779, %mul3A_780 : vector<16xf32>
        %swap3A_782 = arith.index_cast %add3A_775 : i32 to index
        %swap3A_783 = arith.constant 0 : index
        %swap3A_784 = tpu.vector_load %arg11[%swap3A_782, %swap3A_783] {strides = array<i32>} : memref<512x64xf32, #tpu.memory_space<vmem>>, vector<1x16xf32>,
        %swap3A_785 = vector.shape_cast %swap3A_784 : vector<1x16xf32> to vector<16xf32>
        %swap3A_786 = vector.shape_cast %mul3A_781 : vector<16xf32> to vector<1x16xf32>
        tpu.vector_store %arg11[%swap3A_782, %swap3A_783], %swap3A_786 {strides = array<i32>} : memref<512x64xf32, #tpu.memory_space<vmem>>, vector<1x16xf32>,
        %get3A_787 = arith.index_cast %add3A_775 : i32 to index
        %get3A_788 = arith.constant 16 : index
        %get3A_789 = tpu.vector_load %arg11[%get3A_787, %get3A_788] {strides = array<i32>} : memref<512x64xf32, #tpu.memory_space<vmem>>, vector<1x16xf32>,
        %get3A_790 = vector.shape_cast %get3A_789 : vector<1x16xf32> to vector<16xf32>
        %mul3A_791 = vector.broadcast %squeeze3A_771 : f32 to vector<16xf32>
        %mul3A_792 = arith.mulf %get3A_790, %mul3A_791 : vector<16xf32>
        %swap3A_793 = arith.index_cast %add3A_775 : i32 to index
        %swap3A_794 = arith.constant 16 : index
        %swap3A_795 = tpu.vector_load %arg11[%swap3A_793, %swap3A_794] {strides = array<i32>} : memref<512x64xf32, #tpu.memory_space<vmem>>, vector<1x16xf32>,
        %swap3A_796 = vector.shape_cast %swap3A_795 : vector<1x16xf32> to vector<16xf32>
        %swap3A_797 = vector.shape_cast %mul3A_792 : vector<16xf32> to vector<1x16xf32>
        tpu.vector_store %arg11[%swap3A_793, %swap3A_794], %swap3A_797 {strides = array<i32>} : memref<512x64xf32, #tpu.memory_space<vmem>>, vector<1x16xf32>,
        %get3A_798 = arith.index_cast %add3A_775 : i32 to index
        %get3A_799 = arith.constant 32 : index
        %get3A_800 = tpu.vector_load %arg11[%get3A_798, %get3A_799] {strides = array<i32>} : memref<512x64xf32, #tpu.memory_space<vmem>>, vector<1x16xf32>,
        %get3A_801 = vector.shape_cast %get3A_800 : vector<1x16xf32> to vector<16xf32>
        %mul3A_802 = vector.broadcast %squeeze3A_771 : f32 to vector<16xf32>
        %mul3A_803 = arith.mulf %get3A_801, %mul3A_802 : vector<16xf32>
        %swap3A_804 = arith.index_cast %add3A_775 : i32 to index
        %swap3A_805 = arith.constant 32 : index
        %swap3A_806 = tpu.vector_load %arg11[%swap3A_804, %swap3A_805] {strides = array<i32>} : memref<512x64xf32, #tpu.memory_space<vmem>>, vector<1x16xf32>,
        %swap3A_807 = vector.shape_cast %swap3A_806 : vector<1x16xf32> to vector<16xf32>
        %swap3A_808 = vector.shape_cast %mul3A_803 : vector<16xf32> to vector<1x16xf32>
        tpu.vector_store %arg11[%swap3A_804, %swap3A_805], %swap3A_808 {strides = array<i32>} : memref<512x64xf32, #tpu.memory_space<vmem>>, vector<1x16xf32>,
        %get3A_809 = arith.index_cast %add3A_775 : i32 to index
        %get3A_810 = arith.constant 48 : index
        %get3A_811 = tpu.vector_load %arg11[%get3A_809, %get3A_810] {strides = array<i32>} : memref<512x64xf32, #tpu.memory_space<vmem>>, vector<1x16xf32>,
        %get3A_812 = vector.shape_cast %get3A_811 : vector<1x16xf32> to vector<16xf32>
        %mul3A_813 = vector.broadcast %squeeze3A_771 : f32 to vector<16xf32>
        %mul3A_814 = arith.mulf %get3A_812, %mul3A_813 : vector<16xf32>
        %swap3A_815 = arith.index_cast %add3A_775 : i32 to index
        %swap3A_816 = arith.constant 48 : index
        %swap3A_817 = tpu.vector_load %arg11[%swap3A_815, %swap3A_816] {strides = array<i32>} : memref<512x64xf32, #tpu.memory_space<vmem>>, vector<1x16xf32>,
        %swap3A_818 = vector.shape_cast %swap3A_817 : vector<1x16xf32> to vector<16xf32>
        %swap3A_819 = vector.shape_cast %mul3A_814 : vector<16xf32> to vector<1x16xf32>
        tpu.vector_store %arg11[%swap3A_815, %swap3A_816], %swap3A_819 {strides = array<i32>} : memref<512x64xf32, #tpu.memory_space<vmem>>, vector<1x16xf32>,
        %slice3A_820 = vector.extract_strided_slice %get3A_272 {offsets = [11], sizes = [1], strides = [1]} : vector<16xf32> to vector<1xf32>
        %squeeze3A_821 = vector.extract %slice3A_820[0] : f32 from vector<1xf32>
        %mul3A_822 = arith.constant 16 : i32
        %mul3A_823 = arith.muli %add3A_267, %mul3A_822 : i32
        %add3A_824 = arith.constant 11 : i32
        %add3A_825 = arith.addi %mul3A_823, %add3A_824 : i32
        %get3A_826 = arith.index_cast %add3A_825 : i32 to index
        %get3A_827 = arith.constant 0 : index
        %get3A_828 = tpu.vector_load %arg11[%get3A_826, %get3A_827] {strides = array<i32>} : memref<512x64xf32, #tpu.memory_space<vmem>>, vector<1x16xf32>,
        %get3A_829 = vector.shape_cast %get3A_828 : vector<1x16xf32> to vector<16xf32>
        %mul3A_830 = vector.broadcast %squeeze3A_821 : f32 to vector<16xf32>
        %mul3A_831 = arith.mulf %get3A_829, %mul3A_830 : vector<16xf32>
        %swap3A_832 = arith.index_cast %add3A_825 : i32 to index
        %swap3A_833 = arith.constant 0 : index
        %swap3A_834 = tpu.vector_load %arg11[%swap3A_832, %swap3A_833] {strides = array<i32>} : memref<512x64xf32, #tpu.memory_space<vmem>>, vector<1x16xf32>,
        %swap3A_835 = vector.shape_cast %swap3A_834 : vector<1x16xf32> to vector<16xf32>
        %swap3A_836 = vector.shape_cast %mul3A_831 : vector<16xf32> to vector<1x16xf32>
        tpu.vector_store %arg11[%swap3A_832, %swap3A_833], %swap3A_836 {strides = array<i32>} : memref<512x64xf32, #tpu.memory_space<vmem>>, vector<1x16xf32>,
        %get3A_837 = arith.index_cast %add3A_825 : i32 to index
        %get3A_838 = arith.constant 16 : index
        %get3A_839 = tpu.vector_load %arg11[%get3A_837, %get3A_838] {strides = array<i32>} : memref<512x64xf32, #tpu.memory_space<vmem>>, vector<1x16xf32>,
        %get3A_840 = vector.shape_cast %get3A_839 : vector<1x16xf32> to vector<16xf32>
        %mul3A_841 = vector.broadcast %squeeze3A_821 : f32 to vector<16xf32>
        %mul3A_842 = arith.mulf %get3A_840, %mul3A_841 : vector<16xf32>
        %swap3A_843 = arith.index_cast %add3A_825 : i32 to index
        %swap3A_844 = arith.constant 16 : index
        %swap3A_845 = tpu.vector_load %arg11[%swap3A_843, %swap3A_844] {strides = array<i32>} : memref<512x64xf32, #tpu.memory_space<vmem>>, vector<1x16xf32>,
        %swap3A_846 = vector.shape_cast %swap3A_845 : vector<1x16xf32> to vector<16xf32>
        %swap3A_847 = vector.shape_cast %mul3A_842 : vector<16xf32> to vector<1x16xf32>
        tpu.vector_store %arg11[%swap3A_843, %swap3A_844], %swap3A_847 {strides = array<i32>} : memref<512x64xf32, #tpu.memory_space<vmem>>, vector<1x16xf32>,
        %get3A_848 = arith.index_cast %add3A_825 : i32 to index
        %get3A_849 = arith.constant 32 : index
        %get3A_850 = tpu.vector_load %arg11[%get3A_848, %get3A_849] {strides = array<i32>} : memref<512x64xf32, #tpu.memory_space<vmem>>, vector<1x16xf32>,
        %get3A_851 = vector.shape_cast %get3A_850 : vector<1x16xf32> to vector<16xf32>
        %mul3A_852 = vector.broadcast %squeeze3A_821 : f32 to vector<16xf32>
        %mul3A_853 = arith.mulf %get3A_851, %mul3A_852 : vector<16xf32>
        %swap3A_854 = arith.index_cast %add3A_825 : i32 to index
        %swap3A_855 = arith.constant 32 : index
        %swap3A_856 = tpu.vector_load %arg11[%swap3A_854, %swap3A_855] {strides = array<i32>} : memref<512x64xf32, #tpu.memory_space<vmem>>, vector<1x16xf32>,
        %swap3A_857 = vector.shape_cast %swap3A_856 : vector<1x16xf32> to vector<16xf32>
        %swap3A_858 = vector.shape_cast %mul3A_853 : vector<16xf32> to vector<1x16xf32>
        tpu.vector_store %arg11[%swap3A_854, %swap3A_855], %swap3A_858 {strides = array<i32>} : memref<512x64xf32, #tpu.memory_space<vmem>>, vector<1x16xf32>,
        %get3A_859 = arith.index_cast %add3A_825 : i32 to index
        %get3A_860 = arith.constant 48 : index
        %get3A_861 = tpu.vector_load %arg11[%get3A_859, %get3A_860] {strides = array<i32>} : memref<512x64xf32, #tpu.memory_space<vmem>>, vector<1x16xf32>,
        %get3A_862 = vector.shape_cast %get3A_861 : vector<1x16xf32> to vector<16xf32>
        %mul3A_863 = vector.broadcast %squeeze3A_821 : f32 to vector<16xf32>
        %mul3A_864 = arith.mulf %get3A_862, %mul3A_863 : vector<16xf32>
        %swap3A_865 = arith.index_cast %add3A_825 : i32 to index
        %swap3A_866 = arith.constant 48 : index
        %swap3A_867 = tpu.vector_load %arg11[%swap3A_865, %swap3A_866] {strides = array<i32>} : memref<512x64xf32, #tpu.memory_space<vmem>>, vector<1x16xf32>,
        %swap3A_868 = vector.shape_cast %swap3A_867 : vector<1x16xf32> to vector<16xf32>
        %swap3A_869 = vector.shape_cast %mul3A_864 : vector<16xf32> to vector<1x16xf32>
        tpu.vector_store %arg11[%swap3A_865, %swap3A_866], %swap3A_869 {strides = array<i32>} : memref<512x64xf32, #tpu.memory_space<vmem>>, vector<1x16xf32>,
        %slice3A_870 = vector.extract_strided_slice %get3A_272 {offsets = [12], sizes = [1], strides = [1]} : vector<16xf32> to vector<1xf32>
        %squeeze3A_871 = vector.extract %slice3A_870[0] : f32 from vector<1xf32>
        %mul3A_872 = arith.constant 16 : i32
        %mul3A_873 = arith.muli %add3A_267, %mul3A_872 : i32
        %add3A_874 = arith.constant 12 : i32
        %add3A_875 = arith.addi %mul3A_873, %add3A_874 : i32
        %get3A_876 = arith.index_cast %add3A_875 : i32 to index
        %get3A_877 = arith.constant 0 : index
        %get3A_878 = tpu.vector_load %arg11[%get3A_876, %get3A_877] {strides = array<i32>} : memref<512x64xf32, #tpu.memory_space<vmem>>, vector<1x16xf32>,
        %get3A_879 = vector.shape_cast %get3A_878 : vector<1x16xf32> to vector<16xf32>
        %mul3A_880 = vector.broadcast %squeeze3A_871 : f32 to vector<16xf32>
        %mul3A_881 = arith.mulf %get3A_879, %mul3A_880 : vector<16xf32>
        %swap3A_882 = arith.index_cast %add3A_875 : i32 to index
        %swap3A_883 = arith.constant 0 : index
        %swap3A_884 = tpu.vector_load %arg11[%swap3A_882, %swap3A_883] {strides = array<i32>} : memref<512x64xf32, #tpu.memory_space<vmem>>, vector<1x16xf32>,
        %swap3A_885 = vector.shape_cast %swap3A_884 : vector<1x16xf32> to vector<16xf32>
        %swap3A_886 = vector.shape_cast %mul3A_881 : vector<16xf32> to vector<1x16xf32>
        tpu.vector_store %arg11[%swap3A_882, %swap3A_883], %swap3A_886 {strides = array<i32>} : memref<512x64xf32, #tpu.memory_space<vmem>>, vector<1x16xf32>,
        %get3A_887 = arith.index_cast %add3A_875 : i32 to index
        %get3A_888 = arith.constant 16 : index
        %get3A_889 = tpu.vector_load %arg11[%get3A_887, %get3A_888] {strides = array<i32>} : memref<512x64xf32, #tpu.memory_space<vmem>>, vector<1x16xf32>,
        %get3A_890 = vector.shape_cast %get3A_889 : vector<1x16xf32> to vector<16xf32>
        %mul3A_891 = vector.broadcast %squeeze3A_871 : f32 to vector<16xf32>
        %mul3A_892 = arith.mulf %get3A_890, %mul3A_891 : vector<16xf32>
        %swap3A_893 = arith.index_cast %add3A_875 : i32 to index
        %swap3A_894 = arith.constant 16 : index
        %swap3A_895 = tpu.vector_load %arg11[%swap3A_893, %swap3A_894] {strides = array<i32>} : memref<512x64xf32, #tpu.memory_space<vmem>>, vector<1x16xf32>,
        %swap3A_896 = vector.shape_cast %swap3A_895 : vector<1x16xf32> to vector<16xf32>
        %swap3A_897 = vector.shape_cast %mul3A_892 : vector<16xf32> to vector<1x16xf32>
        tpu.vector_store %arg11[%swap3A_893, %swap3A_894], %swap3A_897 {strides = array<i32>} : memref<512x64xf32, #tpu.memory_space<vmem>>, vector<1x16xf32>,
        %get3A_898 = arith.index_cast %add3A_875 : i32 to index
        %get3A_899 = arith.constant 32 : index
        %get3A_900 = tpu.vector_load %arg11[%get3A_898, %get3A_899] {strides = array<i32>} : memref<512x64xf32, #tpu.memory_space<vmem>>, vector<1x16xf32>,
        %get3A_901 = vector.shape_cast %get3A_900 : vector<1x16xf32> to vector<16xf32>
        %mul3A_902 = vector.broadcast %squeeze3A_871 : f32 to vector<16xf32>
        %mul3A_903 = arith.mulf %get3A_901, %mul3A_902 : vector<16xf32>
        %swap3A_904 = arith.index_cast %add3A_875 : i32 to index
        %swap3A_905 = arith.constant 32 : index
        %swap3A_906 = tpu.vector_load %arg11[%swap3A_904, %swap3A_905] {strides = array<i32>} : memref<512x64xf32, #tpu.memory_space<vmem>>, vector<1x16xf32>,
        %swap3A_907 = vector.shape_cast %swap3A_906 : vector<1x16xf32> to vector<16xf32>
        %swap3A_908 = vector.shape_cast %mul3A_903 : vector<16xf32> to vector<1x16xf32>
        tpu.vector_store %arg11[%swap3A_904, %swap3A_905], %swap3A_908 {strides = array<i32>} : memref<512x64xf32, #tpu.memory_space<vmem>>, vector<1x16xf32>,
        %get3A_909 = arith.index_cast %add3A_875 : i32 to index
        %get3A_910 = arith.constant 48 : index
        %get3A_911 = tpu.vector_load %arg11[%get3A_909, %get3A_910] {strides = array<i32>} : memref<512x64xf32, #tpu.memory_space<vmem>>, vector<1x16xf32>,
        %get3A_912 = vector.shape_cast %get3A_911 : vector<1x16xf32> to vector<16xf32>
        %mul3A_913 = vector.broadcast %squeeze3A_871 : f32 to vector<16xf32>
        %mul3A_914 = arith.mulf %get3A_912, %mul3A_913 : vector<16xf32>
        %swap3A_915 = arith.index_cast %add3A_875 : i32 to index
        %swap3A_916 = arith.constant 48 : index
        %swap3A_917 = tpu.vector_load %arg11[%swap3A_915, %swap3A_916] {strides = array<i32>} : memref<512x64xf32, #tpu.memory_space<vmem>>, vector<1x16xf32>,
        %swap3A_918 = vector.shape_cast %swap3A_917 : vector<1x16xf32> to vector<16xf32>
        %swap3A_919 = vector.shape_cast %mul3A_914 : vector<16xf32> to vector<1x16xf32>
        tpu.vector_store %arg11[%swap3A_915, %swap3A_916], %swap3A_919 {strides = array<i32>} : memref<512x64xf32, #tpu.memory_space<vmem>>, vector<1x16xf32>,
        %slice3A_920 = vector.extract_strided_slice %get3A_272 {offsets = [13], sizes = [1], strides = [1]} : vector<16xf32> to vector<1xf32>
        %squeeze3A_921 = vector.extract %slice3A_920[0] : f32 from vector<1xf32>
        %mul3A_922 = arith.constant 16 : i32
        %mul3A_923 = arith.muli %add3A_267, %mul3A_922 : i32
        %add3A_924 = arith.constant 13 : i32
        %add3A_925 = arith.addi %mul3A_923, %add3A_924 : i32
        %get3A_926 = arith.index_cast %add3A_925 : i32 to index
        %get3A_927 = arith.constant 0 : index
        %get3A_928 = tpu.vector_load %arg11[%get3A_926, %get3A_927] {strides = array<i32>} : memref<512x64xf32, #tpu.memory_space<vmem>>, vector<1x16xf32>,
        %get3A_929 = vector.shape_cast %get3A_928 : vector<1x16xf32> to vector<16xf32>
        %mul3A_930 = vector.broadcast %squeeze3A_921 : f32 to vector<16xf32>
        %mul3A_931 = arith.mulf %get3A_929, %mul3A_930 : vector<16xf32>
        %swap3A_932 = arith.index_cast %add3A_925 : i32 to index
        %swap3A_933 = arith.constant 0 : index
        %swap3A_934 = tpu.vector_load %arg11[%swap3A_932, %swap3A_933] {strides = array<i32>} : memref<512x64xf32, #tpu.memory_space<vmem>>, vector<1x16xf32>,
        %swap3A_935 = vector.shape_cast %swap3A_934 : vector<1x16xf32> to vector<16xf32>
        %swap3A_936 = vector.shape_cast %mul3A_931 : vector<16xf32> to vector<1x16xf32>
        tpu.vector_store %arg11[%swap3A_932, %swap3A_933], %swap3A_936 {strides = array<i32>} : memref<512x64xf32, #tpu.memory_space<vmem>>, vector<1x16xf32>,
        %get3A_937 = arith.index_cast %add3A_925 : i32 to index
        %get3A_938 = arith.constant 16 : index
        %get3A_939 = tpu.vector_load %arg11[%get3A_937, %get3A_938] {strides = array<i32>} : memref<512x64xf32, #tpu.memory_space<vmem>>, vector<1x16xf32>,
        %get3A_940 = vector.shape_cast %get3A_939 : vector<1x16xf32> to vector<16xf32>
        %mul3A_941 = vector.broadcast %squeeze3A_921 : f32 to vector<16xf32>
        %mul3A_942 = arith.mulf %get3A_940, %mul3A_941 : vector<16xf32>
        %swap3A_943 = arith.index_cast %add3A_925 : i32 to index
        %swap3A_944 = arith.constant 16 : index
        %swap3A_945 = tpu.vector_load %arg11[%swap3A_943, %swap3A_944] {strides = array<i32>} : memref<512x64xf32, #tpu.memory_space<vmem>>, vector<1x16xf32>,
        %swap3A_946 = vector.shape_cast %swap3A_945 : vector<1x16xf32> to vector<16xf32>
        %swap3A_947 = vector.shape_cast %mul3A_942 : vector<16xf32> to vector<1x16xf32>
        tpu.vector_store %arg11[%swap3A_943, %swap3A_944], %swap3A_947 {strides = array<i32>} : memref<512x64xf32, #tpu.memory_space<vmem>>, vector<1x16xf32>,
        %get3A_948 = arith.index_cast %add3A_925 : i32 to index
        %get3A_949 = arith.constant 32 : index
        %get3A_950 = tpu.vector_load %arg11[%get3A_948, %get3A_949] {strides = array<i32>} : memref<512x64xf32, #tpu.memory_space<vmem>>, vector<1x16xf32>,
        %get3A_951 = vector.shape_cast %get3A_950 : vector<1x16xf32> to vector<16xf32>
        %mul3A_952 = vector.broadcast %squeeze3A_921 : f32 to vector<16xf32>
        %mul3A_953 = arith.mulf %get3A_951, %mul3A_952 : vector<16xf32>
        %swap3A_954 = arith.index_cast %add3A_925 : i32 to index
        %swap3A_955 = arith.constant 32 : index
        %swap3A_956 = tpu.vector_load %arg11[%swap3A_954, %swap3A_955] {strides = array<i32>} : memref<512x64xf32, #tpu.memory_space<vmem>>, vector<1x16xf32>,
        %swap3A_957 = vector.shape_cast %swap3A_956 : vector<1x16xf32> to vector<16xf32>
        %swap3A_958 = vector.shape_cast %mul3A_953 : vector<16xf32> to vector<1x16xf32>
        tpu.vector_store %arg11[%swap3A_954, %swap3A_955], %swap3A_958 {strides = array<i32>} : memref<512x64xf32, #tpu.memory_space<vmem>>, vector<1x16xf32>,
        %get3A_959 = arith.index_cast %add3A_925 : i32 to index
        %get3A_960 = arith.constant 48 : index
        %get3A_961 = tpu.vector_load %arg11[%get3A_959, %get3A_960] {strides = array<i32>} : memref<512x64xf32, #tpu.memory_space<vmem>>, vector<1x16xf32>,
        %get3A_962 = vector.shape_cast %get3A_961 : vector<1x16xf32> to vector<16xf32>
        %mul3A_963 = vector.broadcast %squeeze3A_921 : f32 to vector<16xf32>
        %mul3A_964 = arith.mulf %get3A_962, %mul3A_963 : vector<16xf32>
        %swap3A_965 = arith.index_cast %add3A_925 : i32 to index
        %swap3A_966 = arith.constant 48 : index
        %swap3A_967 = tpu.vector_load %arg11[%swap3A_965, %swap3A_966] {strides = array<i32>} : memref<512x64xf32, #tpu.memory_space<vmem>>, vector<1x16xf32>,
        %swap3A_968 = vector.shape_cast %swap3A_967 : vector<1x16xf32> to vector<16xf32>
        %swap3A_969 = vector.shape_cast %mul3A_964 : vector<16xf32> to vector<1x16xf32>
        tpu.vector_store %arg11[%swap3A_965, %swap3A_966], %swap3A_969 {strides = array<i32>} : memref<512x64xf32, #tpu.memory_space<vmem>>, vector<1x16xf32>,
        %slice3A_970 = vector.extract_strided_slice %get3A_272 {offsets = [14], sizes = [1], strides = [1]} : vector<16xf32> to vector<1xf32>
        %squeeze3A_971 = vector.extract %slice3A_970[0] : f32 from vector<1xf32>
        %mul3A_972 = arith.constant 16 : i32
        %mul3A_973 = arith.muli %add3A_267, %mul3A_972 : i32
        %add3A_974 = arith.constant 14 : i32
        %add3A_975 = arith.addi %mul3A_973, %add3A_974 : i32
        %get3A_976 = arith.index_cast %add3A_975 : i32 to index
        %get3A_977 = arith.constant 0 : index
        %get3A_978 = tpu.vector_load %arg11[%get3A_976, %get3A_977] {strides = array<i32>} : memref<512x64xf32, #tpu.memory_space<vmem>>, vector<1x16xf32>,
        %get3A_979 = vector.shape_cast %get3A_978 : vector<1x16xf32> to vector<16xf32>
        %mul3A_980 = vector.broadcast %squeeze3A_971 : f32 to vector<16xf32>
        %mul3A_981 = arith.mulf %get3A_979, %mul3A_980 : vector<16xf32>
        %swap3A_982 = arith.index_cast %add3A_975 : i32 to index
        %swap3A_983 = arith.constant 0 : index
        %swap3A_984 = tpu.vector_load %arg11[%swap3A_982, %swap3A_983] {strides = array<i32>} : memref<512x64xf32, #tpu.memory_space<vmem>>, vector<1x16xf32>,
        %swap3A_985 = vector.shape_cast %swap3A_984 : vector<1x16xf32> to vector<16xf32>
        %swap3A_986 = vector.shape_cast %mul3A_981 : vector<16xf32> to vector<1x16xf32>
        tpu.vector_store %arg11[%swap3A_982, %swap3A_983], %swap3A_986 {strides = array<i32>} : memref<512x64xf32, #tpu.memory_space<vmem>>, vector<1x16xf32>,
        %get3A_987 = arith.index_cast %add3A_975 : i32 to index
        %get3A_988 = arith.constant 16 : index
        %get3A_989 = tpu.vector_load %arg11[%get3A_987, %get3A_988] {strides = array<i32>} : memref<512x64xf32, #tpu.memory_space<vmem>>, vector<1x16xf32>,
        %get3A_990 = vector.shape_cast %get3A_989 : vector<1x16xf32> to vector<16xf32>
        %mul3A_991 = vector.broadcast %squeeze3A_971 : f32 to vector<16xf32>
        %mul3A_992 = arith.mulf %get3A_990, %mul3A_991 : vector<16xf32>
        %swap3A_993 = arith.index_cast %add3A_975 : i32 to index
        %swap3A_994 = arith.constant 16 : index
        %swap3A_995 = tpu.vector_load %arg11[%swap3A_993, %swap3A_994] {strides = array<i32>} : memref<512x64xf32, #tpu.memory_space<vmem>>, vector<1x16xf32>,
        %swap3A_996 = vector.shape_cast %swap3A_995 : vector<1x16xf32> to vector<16xf32>
        %swap3A_997 = vector.shape_cast %mul3A_992 : vector<16xf32> to vector<1x16xf32>
        tpu.vector_store %arg11[%swap3A_993, %swap3A_994], %swap3A_997 {strides = array<i32>} : memref<512x64xf32, #tpu.memory_space<vmem>>, vector<1x16xf32>,
        %get3A_998 = arith.index_cast %add3A_975 : i32 to index
        %get3A_999 = arith.constant 32 : index
        %get3A_1000 = tpu.vector_load %arg11[%get3A_998, %get3A_999] {strides = array<i32>} : memref<512x64xf32, #tpu.memory_space<vmem>>, vector<1x16xf32>,
        %get3A_1001 = vector.shape_cast %get3A_1000 : vector<1x16xf32> to vector<16xf32>
        %mul3A_1002 = vector.broadcast %squeeze3A_971 : f32 to vector<16xf32>
        %mul3A_1003 = arith.mulf %get3A_1001, %mul3A_1002 : vector<16xf32>
        %swap3A_1004 = arith.index_cast %add3A_975 : i32 to index
        %swap3A_1005 = arith.constant 32 : index
        %swap3A_1006 = tpu.vector_load %arg11[%swap3A_1004, %swap3A_1005] {strides = array<i32>} : memref<512x64xf32, #tpu.memory_space<vmem>>, vector<1x16xf32>,
        %swap3A_1007 = vector.shape_cast %swap3A_1006 : vector<1x16xf32> to vector<16xf32>
        %swap3A_1008 = vector.shape_cast %mul3A_1003 : vector<16xf32> to vector<1x16xf32>
        tpu.vector_store %arg11[%swap3A_1004, %swap3A_1005], %swap3A_1008 {strides = array<i32>} : memref<512x64xf32, #tpu.memory_space<vmem>>, vector<1x16xf32>,
        %get3A_1009 = arith.index_cast %add3A_975 : i32 to index
        %get3A_1010 = arith.constant 48 : index
        %get3A_1011 = tpu.vector_load %arg11[%get3A_1009, %get3A_1010] {strides = array<i32>} : memref<512x64xf32, #tpu.memory_space<vmem>>, vector<1x16xf32>,
        %get3A_1012 = vector.shape_cast %get3A_1011 : vector<1x16xf32> to vector<16xf32>
        %mul3A_1013 = vector.broadcast %squeeze3A_971 : f32 to vector<16xf32>
        %mul3A_1014 = arith.mulf %get3A_1012, %mul3A_1013 : vector<16xf32>
        %swap3A_1015 = arith.index_cast %add3A_975 : i32 to index
        %swap3A_1016 = arith.constant 48 : index
        %swap3A_1017 = tpu.vector_load %arg11[%swap3A_1015, %swap3A_1016] {strides = array<i32>} : memref<512x64xf32, #tpu.memory_space<vmem>>, vector<1x16xf32>,
        %swap3A_1018 = vector.shape_cast %swap3A_1017 : vector<1x16xf32> to vector<16xf32>
        %swap3A_1019 = vector.shape_cast %mul3A_1014 : vector<16xf32> to vector<1x16xf32>
        tpu.vector_store %arg11[%swap3A_1015, %swap3A_1016], %swap3A_1019 {strides = array<i32>} : memref<512x64xf32, #tpu.memory_space<vmem>>, vector<1x16xf32>,
        %slice3A_1020 = vector.extract_strided_slice %get3A_272 {offsets = [15], sizes = [1], strides = [1]} : vector<16xf32> to vector<1xf32>
        %squeeze3A_1021 = vector.extract %slice3A_1020[0] : f32 from vector<1xf32>
        %mul3A_1022 = arith.constant 16 : i32
        %mul3A_1023 = arith.muli %add3A_267, %mul3A_1022 : i32
        %add3A_1024 = arith.constant 15 : i32
        %add3A_1025 = arith.addi %mul3A_1023, %add3A_1024 : i32
        %get3A_1026 = arith.index_cast %add3A_1025 : i32 to index
        %get3A_1027 = arith.constant 0 : index
        %get3A_1028 = tpu.vector_load %arg11[%get3A_1026, %get3A_1027] {strides = array<i32>} : memref<512x64xf32, #tpu.memory_space<vmem>>, vector<1x16xf32>,
        %get3A_1029 = vector.shape_cast %get3A_1028 : vector<1x16xf32> to vector<16xf32>
        %mul3A_1030 = vector.broadcast %squeeze3A_1021 : f32 to vector<16xf32>
        %mul3A_1031 = arith.mulf %get3A_1029, %mul3A_1030 : vector<16xf32>
        %swap3A_1032 = arith.index_cast %add3A_1025 : i32 to index
        %swap3A_1033 = arith.constant 0 : index
        %swap3A_1034 = tpu.vector_load %arg11[%swap3A_1032, %swap3A_1033] {strides = array<i32>} : memref<512x64xf32, #tpu.memory_space<vmem>>, vector<1x16xf32>,
        %swap3A_1035 = vector.shape_cast %swap3A_1034 : vector<1x16xf32> to vector<16xf32>
        %swap3A_1036 = vector.shape_cast %mul3A_1031 : vector<16xf32> to vector<1x16xf32>
        tpu.vector_store %arg11[%swap3A_1032, %swap3A_1033], %swap3A_1036 {strides = array<i32>} : memref<512x64xf32, #tpu.memory_space<vmem>>, vector<1x16xf32>,
        %get3A_1037 = arith.index_cast %add3A_1025 : i32 to index
        %get3A_1038 = arith.constant 16 : index
        %get3A_1039 = tpu.vector_load %arg11[%get3A_1037, %get3A_1038] {strides = array<i32>} : memref<512x64xf32, #tpu.memory_space<vmem>>, vector<1x16xf32>,
        %get3A_1040 = vector.shape_cast %get3A_1039 : vector<1x16xf32> to vector<16xf32>
        %mul3A_1041 = vector.broadcast %squeeze3A_1021 : f32 to vector<16xf32>
        %mul3A_1042 = arith.mulf %get3A_1040, %mul3A_1041 : vector<16xf32>
        %swap3A_1043 = arith.index_cast %add3A_1025 : i32 to index
        %swap3A_1044 = arith.constant 16 : index
        %swap3A_1045 = tpu.vector_load %arg11[%swap3A_1043, %swap3A_1044] {strides = array<i32>} : memref<512x64xf32, #tpu.memory_space<vmem>>, vector<1x16xf32>,
        %swap3A_1046 = vector.shape_cast %swap3A_1045 : vector<1x16xf32> to vector<16xf32>
        %swap3A_1047 = vector.shape_cast %mul3A_1042 : vector<16xf32> to vector<1x16xf32>
        tpu.vector_store %arg11[%swap3A_1043, %swap3A_1044], %swap3A_1047 {strides = array<i32>} : memref<512x64xf32, #tpu.memory_space<vmem>>, vector<1x16xf32>,
        %get3A_1048 = arith.index_cast %add3A_1025 : i32 to index
        %get3A_1049 = arith.constant 32 : index
        %get3A_1050 = tpu.vector_load %arg11[%get3A_1048, %get3A_1049] {strides = array<i32>} : memref<512x64xf32, #tpu.memory_space<vmem>>, vector<1x16xf32>,
        %get3A_1051 = vector.shape_cast %get3A_1050 : vector<1x16xf32> to vector<16xf32>
        %mul3A_1052 = vector.broadcast %squeeze3A_1021 : f32 to vector<16xf32>
        %mul3A_1053 = arith.mulf %get3A_1051, %mul3A_1052 : vector<16xf32>
        %swap3A_1054 = arith.index_cast %add3A_1025 : i32 to index
        %swap3A_1055 = arith.constant 32 : index
        %swap3A_1056 = tpu.vector_load %arg11[%swap3A_1054, %swap3A_1055] {strides = array<i32>} : memref<512x64xf32, #tpu.memory_space<vmem>>, vector<1x16xf32>,
        %swap3A_1057 = vector.shape_cast %swap3A_1056 : vector<1x16xf32> to vector<16xf32>
        %swap3A_1058 = vector.shape_cast %mul3A_1053 : vector<16xf32> to vector<1x16xf32>
        tpu.vector_store %arg11[%swap3A_1054, %swap3A_1055], %swap3A_1058 {strides = array<i32>} : memref<512x64xf32, #tpu.memory_space<vmem>>, vector<1x16xf32>,
        %get3A_1059 = arith.index_cast %add3A_1025 : i32 to index
        %get3A_1060 = arith.constant 48 : index
        %get3A_1061 = tpu.vector_load %arg11[%get3A_1059, %get3A_1060] {strides = array<i32>} : memref<512x64xf32, #tpu.memory_space<vmem>>, vector<1x16xf32>,
        %get3A_1062 = vector.shape_cast %get3A_1061 : vector<1x16xf32> to vector<16xf32>
        %mul3A_1063 = vector.broadcast %squeeze3A_1021 : f32 to vector<16xf32>
        %mul3A_1064 = arith.mulf %get3A_1062, %mul3A_1063 : vector<16xf32>
        %swap3A_1065 = arith.index_cast %add3A_1025 : i32 to index
        %swap3A_1066 = arith.constant 48 : index
        %swap3A_1067 = tpu.vector_load %arg11[%swap3A_1065, %swap3A_1066] {strides = array<i32>} : memref<512x64xf32, #tpu.memory_space<vmem>>, vector<1x16xf32>,
        %swap3A_1068 = vector.shape_cast %swap3A_1067 : vector<1x16xf32> to vector<16xf32>
        %swap3A_1069 = vector.shape_cast %mul3A_1064 : vector<16xf32> to vector<1x16xf32>
        tpu.vector_store %arg11[%swap3A_1065, %swap3A_1066], %swap3A_1069 {strides = array<i32>} : memref<512x64xf32, #tpu.memory_space<vmem>>, vector<1x16xf32>,
      }
      %scan3A_229 = arith.constant 32 : i32
      %rem3A_230 = arith.constant 3 : i32
      %rem3A_231 = arith.remsi %add3A_216, %rem3A_230 : i32
      %scan3A_232 = arith.constant 0 : i32
      %scan3A_233 = arith.constant 4 : i32
      %scan3A_234 = arith.addi %scan3A_232, %scan3A_233 : i32
      %scan3A_235 = arith.constant 1 : i32
      scf.for %scan3A_263 = %scan3A_232 to %scan3A_234 step %scan3A_235  : i32 {
        %mul3A_264 = arith.constant 1 : i32
        %mul3A_265 = arith.muli %scan3A_263, %mul3A_264 : i32
        %add3A_266 = arith.constant 0 : i32
        %add3A_267 = arith.addi %add3A_266, %mul3A_265 : i32
        %mul3A_268 = arith.constant 128 : i32
        %mul3A_269 = arith.muli %add3A_267, %mul3A_268 : i32
        %dma_start3A_270 = arith.constant 0 : i32
        %dma_start3A_271 = tpu.memref_slice %arg12[%mul3A_269, %dma_start3A_270] : memref<512x32xf32, #tpu.memory_space<vmem>> -> memref<128x32xf32, #tpu.memory_space<vmem>>
        %dma_start3A_272 = arith.constant 0 : i32
        %dma_start3A_273 = arith.constant 0 : i32
        %dma_start3A_274 = tpu.memref_slice %arg8[%rem3A_231, %dma_start3A_272, %dma_start3A_273] : memref<3x4x128xi32, #tpu.memory_space<vmem>> -> memref<1x4x128xi32, #tpu.memory_space<vmem>>
        %dma_start3A_275 = tpu.memref_squeeze %dma_start3A_274 : memref<1x4x128xi32, #tpu.memory_space<vmem>> -> memref<4x128xi32, #tpu.memory_space<vmem>>
        %dma_start3A_276 = arith.constant 0 : i32
        %dma_start3A_277 = tpu.memref_slice %dma_start3A_275[%add3A_267, %dma_start3A_276] : memref<4x128xi32, #tpu.memory_space<vmem>> -> memref<1x128xi32, #tpu.memory_space<vmem>>
        %dma_start3A_278 = tpu.memref_squeeze %dma_start3A_277 : memref<1x128xi32, #tpu.memory_space<vmem>> -> memref<128xi32, #tpu.memory_space<vmem>>
        %dma_start3A_279 = arith.constant 0 : i32
        %dma_start3A_280 = arith.constant 0 : i32
        %dma_start3A_281 = tpu.memref_slice %arg13[%dma_start3A_279, %dma_start3A_280] : memref<16384x32xf32, #tpu.memory_space<vmem_shared>> -> memref<16384x32xf32, #tpu.memory_space<vmem_shared>>
        tpu.enqueue_indirect_dma source(%dma_start3A_271 : memref<128x32xf32, #tpu.memory_space<vmem>>) target(%dma_start3A_281 : memref<16384x32xf32, #tpu.memory_space<vmem_shared>>) offsets(%dma_start3A_278 : memref<128xi32, #tpu.memory_space<vmem>>) semaphore(%arg17 : memref<!tpu.dma_semaphore, #tpu.memory_space<semaphore_mem>>) {add = true}
      }
      %scan3A_236 = arith.constant 4 : i32
      %add3A_237 = arith.constant 1 : i32
      %add3A_238 = arith.addi %add3A_216, %add3A_237 : i32
      %lt3A_239 = arith.constant 164 : i32
      %lt3A_240 = arith.cmpi slt, %add3A_238, %lt3A_239 : i32
      %convert_element_type3A_241 = arith.extui %lt3A_240 : i1 to i32
      %cond3A_242 = arith.constant 0 : i32
      %cond3A_243 = arith.cmpi ne, %convert_element_type3A_241, %cond3A_242 : i32
      scf.if %cond3A_243 {
        %dma_wait3A_263 = arith.constant 0 : i32
        %dma_wait3A_264 = arith.constant 0 : i32
        %dma_wait3A_265 = arith.constant 0 : i32
        %dma_wait3A_266 = tpu.memref_slice %arg7[%dma_wait3A_263, %dma_wait3A_264, %dma_wait3A_265] : memref<3x4x128xi32, #tpu.memory_space<vmem>> -> memref<1x4x128xi32, #tpu.memory_space<vmem>>
        %dma_wait3A_267 = tpu.memref_squeeze %dma_wait3A_266 : memref<1x4x128xi32, #tpu.memory_space<vmem>> -> memref<4x128xi32, #tpu.memory_space<vmem>>
        %dma_wait3A_268 = arith.constant 0 : i32
        %dma_wait3A_269 = arith.constant 0 : i32
        %dma_wait3A_270 = tpu.memref_slice %arg2[%dma_wait3A_268, %dma_wait3A_269] : memref<20992x128xi32, #tpu.memory_space<hbm>> -> memref<4x128xi32, #tpu.memory_space<hbm>>
        %dma_wait3A_271 = arith.constant 0 : i32
        %dma_wait3A_272 = arith.constant 0 : i32
        %dma_wait3A_273 = tpu.memref_slice %arg7[%dma_wait3A_263, %dma_wait3A_271, %dma_wait3A_272] : memref<3x4x128xi32, #tpu.memory_space<vmem>> -> memref<1x4x128xi32, #tpu.memory_space<vmem>>
        %dma_wait3A_274 = tpu.memref_squeeze %dma_wait3A_273 : memref<1x4x128xi32, #tpu.memory_space<vmem>> -> memref<4x128xi32, #tpu.memory_space<vmem>>
        %dma_wait3A_275 = arith.constant 0 : i32
        %dma_wait3A_276 = arith.constant 0 : i32
        %dma_wait3A_277 = tpu.memref_slice %arg2[%dma_wait3A_275, %dma_wait3A_276] : memref<20992x128xi32, #tpu.memory_space<hbm>> -> memref<4x128xi32, #tpu.memory_space<hbm>>
        tpu.wait_dma2 semaphore(%arg18 : memref<!tpu.dma_semaphore, #tpu.memory_space<semaphore_mem>>) src(%dma_wait3A_277 : memref<4x128xi32, #tpu.memory_space<hbm>>) dst(%dma_wait3A_274 : memref<4x128xi32, #tpu.memory_space<vmem>>)
        %dma_wait3A_278 = arith.constant 0 : i32
        %dma_wait3A_279 = arith.constant 0 : i32
        %dma_wait3A_280 = arith.constant 0 : i32
        %dma_wait3A_281 = tpu.memref_slice %arg8[%dma_wait3A_278, %dma_wait3A_279, %dma_wait3A_280] : memref<3x4x128xi32, #tpu.memory_space<vmem>> -> memref<1x4x128xi32, #tpu.memory_space<vmem>>
        %dma_wait3A_282 = tpu.memref_squeeze %dma_wait3A_281 : memref<1x4x128xi32, #tpu.memory_space<vmem>> -> memref<4x128xi32, #tpu.memory_space<vmem>>
        %dma_wait3A_283 = arith.constant 0 : i32
        %dma_wait3A_284 = arith.constant 0 : i32
        %dma_wait3A_285 = tpu.memref_slice %arg3[%dma_wait3A_283, %dma_wait3A_284] : memref<20992x128xi32, #tpu.memory_space<hbm>> -> memref<4x128xi32, #tpu.memory_space<hbm>>
        %dma_wait3A_286 = arith.constant 0 : i32
        %dma_wait3A_287 = arith.constant 0 : i32
        %dma_wait3A_288 = tpu.memref_slice %arg8[%dma_wait3A_278, %dma_wait3A_286, %dma_wait3A_287] : memref<3x4x128xi32, #tpu.memory_space<vmem>> -> memref<1x4x128xi32, #tpu.memory_space<vmem>>
        %dma_wait3A_289 = tpu.memref_squeeze %dma_wait3A_288 : memref<1x4x128xi32, #tpu.memory_space<vmem>> -> memref<4x128xi32, #tpu.memory_space<vmem>>
        %dma_wait3A_290 = arith.constant 0 : i32
        %dma_wait3A_291 = arith.constant 0 : i32
        %dma_wait3A_292 = tpu.memref_slice %arg3[%dma_wait3A_290, %dma_wait3A_291] : memref<20992x128xi32, #tpu.memory_space<hbm>> -> memref<4x128xi32, #tpu.memory_space<hbm>>
        tpu.wait_dma2 semaphore(%arg18 : memref<!tpu.dma_semaphore, #tpu.memory_space<semaphore_mem>>) src(%dma_wait3A_292 : memref<4x128xi32, #tpu.memory_space<hbm>>) dst(%dma_wait3A_289 : memref<4x128xi32, #tpu.memory_space<vmem>>)
        %dma_wait3A_293 = arith.constant 0 : i32
        %dma_wait3A_294 = arith.constant 0 : i32
        %dma_wait3A_295 = tpu.memref_slice %arg9[%dma_wait3A_293, %dma_wait3A_294] : memref<3x512xf32, #tpu.memory_space<vmem>> -> memref<1x512xf32, #tpu.memory_space<vmem>>
        %dma_wait3A_296 = tpu.memref_squeeze %dma_wait3A_295 : memref<1x512xf32, #tpu.memory_space<vmem>> -> memref<512xf32, #tpu.memory_space<vmem>>
        %dma_wait3A_297 = arith.constant 0 : i32
        %dma_wait3A_298 = tpu.memref_slice %arg4[%dma_wait3A_297] : memref<2686976xf32, #tpu.memory_space<hbm>> -> memref<512xf32, #tpu.memory_space<hbm>>
        %dma_wait3A_299 = arith.constant 0 : i32
        %dma_wait3A_300 = tpu.memref_slice %arg9[%dma_wait3A_293, %dma_wait3A_299] : memref<3x512xf32, #tpu.memory_space<vmem>> -> memref<1x512xf32, #tpu.memory_space<vmem>>
        %dma_wait3A_301 = tpu.memref_squeeze %dma_wait3A_300 : memref<1x512xf32, #tpu.memory_space<vmem>> -> memref<512xf32, #tpu.memory_space<vmem>>
        %dma_wait3A_302 = arith.constant 0 : i32
        %dma_wait3A_303 = tpu.memref_slice %arg4[%dma_wait3A_302] : memref<2686976xf32, #tpu.memory_space<hbm>> -> memref<512xf32, #tpu.memory_space<hbm>>
        tpu.wait_dma2 semaphore(%arg18 : memref<!tpu.dma_semaphore, #tpu.memory_space<semaphore_mem>>) src(%dma_wait3A_303 : memref<512xf32, #tpu.memory_space<hbm>>) dst(%dma_wait3A_301 : memref<512xf32, #tpu.memory_space<vmem>>)
      } else {
      }
      %ge3A_244 = arith.constant 1 : i32
      %ge3A_245 = arith.cmpi sge, %add3A_216, %ge3A_244 : i32
      %convert_element_type3A_246 = arith.extui %ge3A_245 : i1 to i32
      %cond3A_247 = arith.constant 0 : i32
      %cond3A_248 = arith.cmpi ne, %convert_element_type3A_246, %cond3A_247 : i32
      scf.if %cond3A_248 {
        %dma_wait3A_263 = arith.constant 0 : i32
        %dma_wait3A_264 = arith.constant 0 : i32
        %dma_wait3A_265 = tpu.memref_slice %arg13[%dma_wait3A_263, %dma_wait3A_264] : memref<16384x32xf32, #tpu.memory_space<vmem_shared>> -> memref<512x32xf32, #tpu.memory_space<vmem_shared>>
        %dma_wait3A_266 = arith.constant 0 : i32
        %dma_wait3A_267 = arith.constant 0 : i32
        %dma_wait3A_268 = tpu.memref_slice %arg13[%dma_wait3A_266, %dma_wait3A_267] : memref<16384x32xf32, #tpu.memory_space<vmem_shared>> -> memref<512x32xf32, #tpu.memory_space<vmem_shared>>
        tpu.wait_dma2 semaphore(%arg16 : memref<!tpu.dma_semaphore, #tpu.memory_space<semaphore_mem>>) src(%arg12 : memref<512x32xf32, #tpu.memory_space<vmem>>) dst(%dma_wait3A_268 : memref<512x32xf32, #tpu.memory_space<vmem_shared>>)
      } else {
      }
      %add3A_249 = arith.constant 1 : i32
      %add3A_250 = arith.addi %add3A_216, %add3A_249 : i32
      %lt3A_251 = arith.constant 164 : i32
      %lt3A_252 = arith.cmpi slt, %add3A_250, %lt3A_251 : i32
      %convert_element_type3A_253 = arith.extui %lt3A_252 : i1 to i32
      %cond3A_254 = arith.constant 0 : i32
      %cond3A_255 = arith.cmpi ne, %convert_element_type3A_253, %cond3A_254 : i32
      scf.if %cond3A_255 {
        %add3A_263 = arith.constant 1 : i32
        %add3A_264 = arith.addi %add3A_216, %add3A_263 : i32
        %rem3A_265 = arith.constant 3 : i32
        %rem3A_266 = arith.remsi %add3A_264, %rem3A_265 : i32
        %scan3A_267 = arith.constant 0 : i32
        %scan3A_268 = arith.constant 4 : i32
        %scan3A_269 = arith.addi %scan3A_267, %scan3A_268 : i32
        %scan3A_270 = arith.constant 1 : i32
        scf.for %scan3A_272 = %scan3A_267 to %scan3A_269 step %scan3A_270  : i32 {
          %mul3A_273 = arith.constant 1 : i32
          %mul3A_274 = arith.muli %scan3A_272, %mul3A_273 : i32
          %add3A_275 = arith.constant 0 : i32
          %add3A_276 = arith.addi %add3A_275, %mul3A_274 : i32
          %mul3A_277 = arith.constant 128 : i32
          %mul3A_278 = arith.muli %add3A_276, %mul3A_277 : i32
          %dma_start3A_279 = arith.constant 0 : i32
          %dma_start3A_280 = tpu.memref_slice %arg10[%mul3A_278, %dma_start3A_279] : memref<512x64xf32, #tpu.memory_space<vmem>> -> memref<128x64xf32, #tpu.memory_space<vmem>>
          %dma_start3A_281 = arith.constant 0 : i32
          %dma_start3A_282 = arith.constant 0 : i32
          %dma_start3A_283 = tpu.memref_slice %arg7[%rem3A_266, %dma_start3A_281, %dma_start3A_282] : memref<3x4x128xi32, #tpu.memory_space<vmem>> -> memref<1x4x128xi32, #tpu.memory_space<vmem>>
          %dma_start3A_284 = tpu.memref_squeeze %dma_start3A_283 : memref<1x4x128xi32, #tpu.memory_space<vmem>> -> memref<4x128xi32, #tpu.memory_space<vmem>>
          %dma_start3A_285 = arith.constant 0 : i32
          %dma_start3A_286 = tpu.memref_slice %dma_start3A_284[%add3A_276, %dma_start3A_285] : memref<4x128xi32, #tpu.memory_space<vmem>> -> memref<1x128xi32, #tpu.memory_space<vmem>>
          %dma_start3A_287 = tpu.memref_squeeze %dma_start3A_286 : memref<1x128xi32, #tpu.memory_space<vmem>> -> memref<128xi32, #tpu.memory_space<vmem>>
          %dma_start3A_288 = arith.constant 0 : i32
          %dma_start3A_289 = arith.constant 0 : i32
          %dma_start3A_290 = tpu.memref_slice %arg5[%dma_start3A_288, %dma_start3A_289] : memref<16384x64xf32, #tpu.memory_space<hbm>> -> memref<16384x64xf32, #tpu.memory_space<hbm>>
          tpu.enqueue_indirect_dma source(%dma_start3A_290 : memref<16384x64xf32, #tpu.memory_space<hbm>>) target(%dma_start3A_280 : memref<128x64xf32, #tpu.memory_space<vmem>>) offsets(%dma_start3A_287 : memref<128xi32, #tpu.memory_space<vmem>>) semaphore(%arg14 : memref<!tpu.dma_semaphore, #tpu.memory_space<semaphore_mem>>)
        }
        %scan3A_271 = arith.constant 4 : i32
      } else {
      }
      %add3A_256 = arith.constant 2 : i32
      %add3A_257 = arith.addi %add3A_216, %add3A_256 : i32
      %lt3A_258 = arith.constant 164 : i32
      %lt3A_259 = arith.cmpi slt, %add3A_257, %lt3A_258 : i32
      %convert_element_type3A_260 = arith.extui %lt3A_259 : i1 to i32
      %cond3A_261 = arith.constant 0 : i32
      %cond3A_262 = arith.cmpi ne, %convert_element_type3A_260, %cond3A_261 : i32
      scf.if %cond3A_262 {
        %add3A_263 = arith.constant 2 : i32
        %add3A_264 = arith.addi %add3A_216, %add3A_263 : i32
        %rem3A_265 = arith.constant 3 : i32
        %rem3A_266 = arith.remsi %add3A_264, %rem3A_265 : i32
        %add3A_267 = arith.addi %mul3A_2, %add3A_264 : i32
        %mul3A_268 = arith.constant 4 : i32
        %mul3A_269 = arith.muli %add3A_267, %mul3A_268 : i32
        %dma_start3A_270 = arith.constant 0 : i32
        %dma_start3A_271 = arith.constant 0 : i32
        %dma_start3A_272 = tpu.memref_slice %arg7[%rem3A_266, %dma_start3A_270, %dma_start3A_271] : memref<3x4x128xi32, #tpu.memory_space<vmem>> -> memref<1x4x128xi32, #tpu.memory_space<vmem>>
        %dma_start3A_273 = tpu.memref_squeeze %dma_start3A_272 : memref<1x4x128xi32, #tpu.memory_space<vmem>> -> memref<4x128xi32, #tpu.memory_space<vmem>>
        %dma_start3A_274 = arith.constant 0 : i32
        %dma_start3A_275 = tpu.memref_slice %arg2[%mul3A_269, %dma_start3A_274] : memref<20992x128xi32, #tpu.memory_space<hbm>> -> memref<4x128xi32, #tpu.memory_space<hbm>>
        %dma_start3A_276 = arith.constant 0 : i32
        %dma_start3A_277 = arith.constant 0 : i32
        %dma_start3A_278 = tpu.memref_slice %arg7[%rem3A_266, %dma_start3A_276, %dma_start3A_277] : memref<3x4x128xi32, #tpu.memory_space<vmem>> -> memref<1x4x128xi32, #tpu.memory_space<vmem>>
        %dma_start3A_279 = tpu.memref_squeeze %dma_start3A_278 : memref<1x4x128xi32, #tpu.memory_space<vmem>> -> memref<4x128xi32, #tpu.memory_space<vmem>>
        %dma_start3A_280 = arith.constant 0 : i32
        %dma_start3A_281 = tpu.memref_slice %arg2[%mul3A_269, %dma_start3A_280] : memref<20992x128xi32, #tpu.memory_space<hbm>> -> memref<4x128xi32, #tpu.memory_space<hbm>>
        tpu.enqueue_dma source(%dma_start3A_281 : memref<4x128xi32, #tpu.memory_space<hbm>>) target(%dma_start3A_279 : memref<4x128xi32, #tpu.memory_space<vmem>>) target_semaphore(%arg19 : memref<!tpu.dma_semaphore, #tpu.memory_space<semaphore_mem>>)
        %dma_start3A_282 = arith.constant 0 : i32
        %dma_start3A_283 = arith.constant 0 : i32
        %dma_start3A_284 = tpu.memref_slice %arg8[%rem3A_266, %dma_start3A_282, %dma_start3A_283] : memref<3x4x128xi32, #tpu.memory_space<vmem>> -> memref<1x4x128xi32, #tpu.memory_space<vmem>>
        %dma_start3A_285 = tpu.memref_squeeze %dma_start3A_284 : memref<1x4x128xi32, #tpu.memory_space<vmem>> -> memref<4x128xi32, #tpu.memory_space<vmem>>
        %dma_start3A_286 = arith.constant 0 : i32
        %dma_start3A_287 = tpu.memref_slice %arg3[%mul3A_269, %dma_start3A_286] : memref<20992x128xi32, #tpu.memory_space<hbm>> -> memref<4x128xi32, #tpu.memory_space<hbm>>
        %dma_start3A_288 = arith.constant 0 : i32
        %dma_start3A_289 = arith.constant 0 : i32
        %dma_start3A_290 = tpu.memref_slice %arg8[%rem3A_266, %dma_start3A_288, %dma_start3A_289] : memref<3x4x128xi32, #tpu.memory_space<vmem>> -> memref<1x4x128xi32, #tpu.memory_space<vmem>>
        %dma_start3A_291 = tpu.memref_squeeze %dma_start3A_290 : memref<1x4x128xi32, #tpu.memory_space<vmem>> -> memref<4x128xi32, #tpu.memory_space<vmem>>
        %dma_start3A_292 = arith.constant 0 : i32
        %dma_start3A_293 = tpu.memref_slice %arg3[%mul3A_269, %dma_start3A_292] : memref<20992x128xi32, #tpu.memory_space<hbm>> -> memref<4x128xi32, #tpu.memory_space<hbm>>
        tpu.enqueue_dma source(%dma_start3A_293 : memref<4x128xi32, #tpu.memory_space<hbm>>) target(%dma_start3A_291 : memref<4x128xi32, #tpu.memory_space<vmem>>) target_semaphore(%arg19 : memref<!tpu.dma_semaphore, #tpu.memory_space<semaphore_mem>>)
        %mul3A_294 = arith.constant 128 : i32
        %mul3A_295 = arith.muli %mul3A_269, %mul3A_294 : i32
        %dma_start3A_296 = arith.constant 0 : i32
        %dma_start3A_297 = tpu.memref_slice %arg9[%rem3A_266, %dma_start3A_296] : memref<3x512xf32, #tpu.memory_space<vmem>> -> memref<1x512xf32, #tpu.memory_space<vmem>>
        %dma_start3A_298 = tpu.memref_squeeze %dma_start3A_297 : memref<1x512xf32, #tpu.memory_space<vmem>> -> memref<512xf32, #tpu.memory_space<vmem>>
        %dma_start3A_299 = tpu.memref_slice %arg4[%mul3A_295] : memref<2686976xf32, #tpu.memory_space<hbm>> -> memref<512xf32, #tpu.memory_space<hbm>>
        %dma_start3A_300 = arith.constant 0 : i32
        %dma_start3A_301 = tpu.memref_slice %arg9[%rem3A_266, %dma_start3A_300] : memref<3x512xf32, #tpu.memory_space<vmem>> -> memref<1x512xf32, #tpu.memory_space<vmem>>
        %dma_start3A_302 = tpu.memref_squeeze %dma_start3A_301 : memref<1x512xf32, #tpu.memory_space<vmem>> -> memref<512xf32, #tpu.memory_space<vmem>>
        %dma_start3A_303 = tpu.memref_slice %arg4[%mul3A_295] : memref<2686976xf32, #tpu.memory_space<hbm>> -> memref<512xf32, #tpu.memory_space<hbm>>
        tpu.enqueue_dma source(%dma_start3A_303 : memref<512xf32, #tpu.memory_space<hbm>>) target(%dma_start3A_302 : memref<512xf32, #tpu.memory_space<vmem>>) target_semaphore(%arg19 : memref<!tpu.dma_semaphore, #tpu.memory_space<semaphore_mem>>)
      } else {
      }
    }
    %scan3A_147 = arith.constant 82 : i32
    %dma_wait3A_148 = arith.constant 0 : i32
    %dma_wait3A_149 = arith.constant 0 : i32
    %dma_wait3A_150 = tpu.memref_slice %arg13[%dma_wait3A_148, %dma_wait3A_149] : memref<16384x32xf32, #tpu.memory_space<vmem_shared>> -> memref<512x32xf32, #tpu.memory_space<vmem_shared>>
    %dma_wait3A_151 = arith.constant 0 : i32
    %dma_wait3A_152 = arith.constant 0 : i32
    %dma_wait3A_153 = tpu.memref_slice %arg13[%dma_wait3A_151, %dma_wait3A_152] : memref<16384x32xf32, #tpu.memory_space<vmem_shared>> -> memref<512x32xf32, #tpu.memory_space<vmem_shared>>
    tpu.wait_dma2 semaphore(%arg17 : memref<!tpu.dma_semaphore, #tpu.memory_space<semaphore_mem>>) src(%arg12 : memref<512x32xf32, #tpu.memory_space<vmem>>) dst(%dma_wait3A_153 : memref<512x32xf32, #tpu.memory_space<vmem_shared>>)
    %barrier3A_154 = arith.constant 0 : index
    tpu.barrier barrier_id(%barrier3A_154)
    %mul3A_155 = arith.constant 1024 : i32
    %mul3A_156 = arith.muli %arg1, %mul3A_155 : i32
    %mul3A_157 = arith.constant 16384 : i32
    %mul3A_158 = arith.muli %arg0, %mul3A_157 : i32
    %mul3A_159 = arith.constant 1024 : i32
    %mul3A_160 = arith.muli %arg1, %mul3A_159 : i32
    %add3A_161 = arith.addi %mul3A_158, %mul3A_160 : i32
    "tpu.region"() ({
      %run_scoped3A = tpu.sem_alloc : memref<!tpu.dma_semaphore, #tpu.memory_space<semaphore_mem>>
      %dma_start3A_162 = arith.constant 0 : i32
      %dma_start3A_163 = tpu.memref_slice %arg6[%add3A_161, %dma_start3A_162] : memref<32768x32xf32, #tpu.memory_space<hbm>> -> memref<1024x32xf32, #tpu.memory_space<hbm>>
      %dma_start3A_164 = arith.constant 0 : i32
      %dma_start3A_165 = tpu.memref_slice %arg13[%mul3A_156, %dma_start3A_164] : memref<16384x32xf32, #tpu.memory_space<vmem_shared>> -> memref<1024x32xf32, #tpu.memory_space<vmem_shared>>
      tpu.enqueue_dma source(%dma_start3A_165 : memref<1024x32xf32, #tpu.memory_space<vmem_shared>>) target(%dma_start3A_163 : memref<1024x32xf32, #tpu.memory_space<hbm>>) target_semaphore(%run_scoped3A : memref<!tpu.dma_semaphore, #tpu.memory_space<semaphore_mem>>)
      %dma_wait3A_166 = arith.constant 0 : i32
      %dma_wait3A_167 = tpu.memref_slice %arg6[%add3A_161, %dma_wait3A_166] : memref<32768x32xf32, #tpu.memory_space<hbm>> -> memref<1024x32xf32, #tpu.memory_space<hbm>>
      %dma_wait3A_168 = arith.constant 0 : i32
      %dma_wait3A_169 = tpu.memref_slice %arg13[%mul3A_156, %dma_wait3A_168] : memref<16384x32xf32, #tpu.memory_space<vmem_shared>> -> memref<1024x32xf32, #tpu.memory_space<vmem_shared>>
      tpu.wait_dma2 semaphore(%run_scoped3A : memref<!tpu.dma_semaphore, #tpu.memory_space<semaphore_mem>>) src(%dma_wait3A_169 : memref<1024x32xf32, #tpu.memory_space<vmem_shared>>) dst(%dma_wait3A_167 : memref<1024x32xf32, #tpu.memory_space<hbm>>)
      tpu.yield
    }) : () -> ()
    return
  }
}

module attributes {stable_mosaic.version = 14 : i64} {
  func.func @_combine_act_body(%arg0: i32, %arg1: memref<2x2048x32xf32, #tpu.memory_space<vmem>>, %arg2: memref<2x2048x32xf32, #tpu.memory_space<vmem>>, %arg3: memref<2048x64xf32, #tpu.memory_space<vmem>>) attributes {dimension_semantics = [#tpu.dimension_semantics<arbitrary>], iteration_bounds = array<i64: 8>, scalar_prefetch = 0 : i64, scratch_operands = 0 : i64, tpu.core_type = #tpu.core_type<tc>, window_params = [{transform_indices = @transform_0, window_bounds = array<i64: 2, 2048, 32>}, {transform_indices = @transform_1, window_bounds = array<i64: 2, 2048, 32>}, {transform_indices = @transform_2, window_bounds = array<i64: 2048, 64>}]} {
    %get3A = arith.constant 0 : index
    %get3A_0 = arith.constant 0 : index
    %get3A_1 = arith.constant 0 : index
    %get3A_2 = vector.load %arg1[%get3A, %get3A_0, %get3A_1] : memref<2x2048x32xf32, #tpu.memory_space<vmem>>, vector<1x2048x32xf32>
    %get3A_3 = vector.shape_cast %get3A_2 : vector<1x2048x32xf32> to vector<2048x32xf32>
    %get3A_4 = arith.constant 1 : index
    %get3A_5 = arith.constant 0 : index
    %get3A_6 = arith.constant 0 : index
    %get3A_7 = vector.load %arg1[%get3A_4, %get3A_5, %get3A_6] : memref<2x2048x32xf32, #tpu.memory_space<vmem>>, vector<1x2048x32xf32>
    %get3A_8 = vector.shape_cast %get3A_7 : vector<1x2048x32xf32> to vector<2048x32xf32>
    %add3A = arith.addf %get3A_3, %get3A_8 : vector<2048x32xf32>
    %get3A_9 = arith.constant 0 : index
    %get3A_10 = arith.constant 0 : index
    %get3A_11 = arith.constant 0 : index
    %get3A_12 = vector.load %arg2[%get3A_9, %get3A_10, %get3A_11] : memref<2x2048x32xf32, #tpu.memory_space<vmem>>, vector<1x2048x32xf32>
    %get3A_13 = vector.shape_cast %get3A_12 : vector<1x2048x32xf32> to vector<2048x32xf32>
    %get3A_14 = arith.constant 1 : index
    %get3A_15 = arith.constant 0 : index
    %get3A_16 = arith.constant 0 : index
    %get3A_17 = vector.load %arg2[%get3A_14, %get3A_15, %get3A_16] : memref<2x2048x32xf32, #tpu.memory_space<vmem>>, vector<1x2048x32xf32>
    %get3A_18 = vector.shape_cast %get3A_17 : vector<1x2048x32xf32> to vector<2048x32xf32>
    %add3A_19 = arith.addf %get3A_13, %get3A_18 : vector<2048x32xf32>
    %concatenate3A = tpu.concatenate %add3A, %add3A_19 in 1 : vector<2048x32xf32>, vector<2048x32xf32> -> vector<2048x64xf32>
    %ge3A = arith.constant 0.000000e+00 : f32
    %ge3A_20 = vector.broadcast %ge3A : f32 to vector<2048x64xf32>
    %ge3A_21 = arith.cmpf oge, %concatenate3A, %ge3A_20 : vector<2048x64xf32>
    %mul3A = arith.constant 2.000000e-01 : f32
    %mul3A_22 = vector.broadcast %mul3A : f32 to vector<2048x64xf32>
    %mul3A_23 = arith.mulf %mul3A_22, %concatenate3A : vector<2048x64xf32>
    %select_n3A = arith.select %ge3A_21, %concatenate3A, %mul3A_23 : vector<2048x64xi1>, vector<2048x64xf32>
    %swap3A = arith.constant 0 : index
    %swap3A_24 = arith.constant 0 : index
    %swap3A_25 = vector.load %arg3[%swap3A, %swap3A_24] : memref<2048x64xf32, #tpu.memory_space<vmem>>, vector<2048x64xf32>
    tpu.vector_store %arg3[%swap3A, %swap3A_24], %select_n3A {strides = array<i32>} : memref<2048x64xf32, #tpu.memory_space<vmem>>, vector<2048x64xf32>,
    return
  }
  func.func @transform_0(%arg0: i32) -> (i32, i32, i32) {
    %c0_i32 = arith.constant 0 : i32
    %c0_i32_0 = arith.constant 0 : i32
    %c0_i32_1 = arith.constant 0 : i32
    return %c0_i32, %arg0, %c0_i32_0 : i32, i32, i32
  }
  func.func @transform_1(%arg0: i32) -> (i32, i32, i32) {
    %c0_i32 = arith.constant 0 : i32
    %c0_i32_0 = arith.constant 0 : i32
    %c0_i32_1 = arith.constant 0 : i32
    return %c0_i32, %arg0, %c0_i32_0 : i32, i32, i32
  }
  func.func @transform_2(%arg0: i32) -> (i32, i32) {
    %c0_i32 = arith.constant 0 : i32
    %c0_i32_0 = arith.constant 0 : i32
    return %arg0, %c0_i32 : i32, i32
  }
}

</mosaic_0001>

<sc_bundles>
// kernel: kernel.5.cloned.1.call-start
scs
__scs_entry_jumppad:
0x0: {  	(pc) =	sbr.rel $0x88, $3  }
0x1: {  	(tag) =	ssettag $0x0;
	lr =	simm.s32 $0x1  }
0x2: {  	[smem:$0x3F9E] =	sst lr;
	_ =	strace $0xD0000000  }
0x3: {  	_ = 	snop  }
0x4: {  	_ = 	snop  }
0x5: {  	_ = 	snop  }
0x6: {  	_ = 	snop  }
0x7: {  	_ = 	snop  }
__scs_overlays_trampoline_lowered:
0x8: {  	[smem:$0x3FAD] =	sst s0  }
0x9: {  	[smem:$0x3FAE] =	sst s1  }
0xa: {  	[smem:$0x3FAF] =	sst s2  }
0xb: {  	[smem:$0x3FB0] =	sst s3  }
0xc: {  	[smem:$0x3FB1] =	sst s4  }
0xd: {  	[smem:$0x3FB2] =	sst s5  }
0xe: {  	[smem:$0x3FB3] =	sst s6  }
0xf: {  	[smem:$0x3FB4] =	sst s7  }
0x10: {  	[smem:$0x3FB5] =	sst s8  }
0x11: {  	[smem:$0x3FB6] =	sst s9;
	s0 =	simm.s32 @!p0 $0x0  }
0x12: {  	s1 =	sld [smem:$0x3F9C];
	s0 =	simm.s32 @p0 $0x1  }
0x13: {  	[smem:$0x3FB7] =	sst s0;
	s0 =	simm.s32 @!p1 $0x0  }
0x14: {  	s2 =	sld [smem:$0x3F9B];
	s0 =	simm.s32 @p1 $0x1  }
0x15: {  	[smem:$0x3FB8] =	sst s0;
	s0 =	simm.s32 @!p2 $0x0  }
0x16: {  	s3 =	sld [smem:$0x3FDB];
	s0 =	simm.s32 @p2 $0x1  }
0x17: {  	s4 =	simm.s32 $0x1BF5;
	[smem:$0x3FBA] =	sst s0  }
0x18: {  	s0 =	sld [smem:$0x3F9D];
	_ =	swait.ge [sflag:s4], $0x0  }
0x19: {  	s7 =	sld [smem:$0x3F9E]  }
0x1a: {  	s8 =	sadd.s32 $0xFFFFE003, lr  }
0x1b: {  	s9 =	sadd.s32 $0xFFFFFEF7, lr;
	s5 =	simm.s32 $0xFFFFFFFF;
	p2 =	slt.u32 s8, $0xFFFFF086  }
0x1c: {  	p1 =	slt.u32 s9, $0xF7A;
	s5 =	simm.s32 @!p2 $0x0  }
0x1d: {  	s5 =	simm.s32 @p1 $0x1;
	p0 =	seq.s32 s7, s2  }
0x1e: {  	s7 =	smul.u32 @!p0 $0xF7A, s2;
	p2 =	seq.s32 @!p0 s5, $0x0  }
0x1f: {  	s9 =	smul.u32 $0xF7A, s1;
	s8 =	simm.s32 @!p0 $0x1BF5;
	p2 =	por !p2, p0  }
0x20: {  	[sflag:s8] =	ssyncset.s32 @!p0 $0xFFFFF086;
	s6 =	sadd.s32 @!p0 s3, s7;
	s7 =	simm.s32 @!p0 $0x108  }
0x21: {  	s3 =	sadd.s32 s3, s9;
	s6 =	sadd.s32 @!p0 $0x88, s6;
	s7 =	simm.s32 @p2 $0x1082  }
0x22: {  	[simem:s7], [sflag:s8] =	dma.local @!p0 [hbm:s6], $0xF7A  }
0x23: {  	s9 =	sor.u32 $0xD0000000, s2;
	s6 =	simm.s32 $0x108;
	_ =	swait.ge @!p0 [sflag:s8], $0x0  }
0x24: {  	s3 =	sadd.s32 $0x88, s3;
	s6 =	simm.s32 @!p1 $0x1082;
	[sflag:s4] =	ssyncset.s32 $0xFFFFF086  }
0x25: {  	[simem:s6], [sflag:s4] =	dma.local [hbm:s3], $0xF7A  }
0x26: {  	[smem:$0x3F9E] =	sst s1;
	(tag) =	ssettag s2;
	_ =	strace s9  }
0x27: {  	s1 =	sld [smem:$0x3FAE]  }
0x28: {  	s2 =	sld [smem:$0x3FAF]  }
0x29: {  	s4 =	sld [smem:$0x3FB1]  }
0x2a: {  	p0 =	seq.s32 s5, $0x0;
	s5 =	sld [smem:$0x3FB2]  }
0x2b: {  	s6 =	sld [smem:$0x3FB3]  }
0x2c: {  	s7 =	sld [smem:$0x3FB4]  }
0x2d: {  	s3 =	simm.s32 $0x108;
	s8 =	sld [smem:$0x3FB5]  }
0x2e: {  	s3 =	simm.s32 @!p0 $0x1082;
	s9 =	sld [smem:$0x3FB6]  }
0x2f: {  	lr =	sadd.s32 s0, s3;
	s0 =	sld [smem:$0x3FAD]  }
0x30: {  	s3 =	sld [smem:$0x3FB0]  }
0x31: {  	[smem:$0x3FB9] =	sst s10  }
0x32: {  	s10 =	sld [smem:$0x3FB7];
	_ =	sdelay $0x3  }
0x33: {  	p0 =	seq.s32 s10, $0x1;
	s10 =	sld [smem:$0x3FB9];
	_ =	sdelay $0x3  }
0x34: {  	[smem:$0x3FB9] =	sst s10  }
0x35: {  	s10 =	sld [smem:$0x3FB8];
	_ =	sdelay $0x3  }
0x36: {  	p1 =	seq.s32 s10, $0x1;
	s10 =	sld [smem:$0x3FB9];
	_ =	sdelay $0x3  }
0x37: {  	[smem:$0x3FB9] =	sst s10  }
0x38: {  	s10 =	sld [smem:$0x3FBA]  }
0x39: {  	_ = 	snop;
	(pc) =	sbr.ind lr, $3  }
0x3a: {  	_ = 	snop  }
0x3b: {  	_ = 	snop  }
0x3c: {  	p2 =	seq.s32 s10, $0x1;
	s10 =	sld [smem:$0x3FB9]  }
0x3d: {  	_ =	shalt  }
0x3e: {  	_ =	shalt  }
0x3f: {  	_ =	shalt  }
0x40: {  	_ =	shalt  }
0x41: {  	_ =	shalt  }
0x42: {  	_ =	shalt  }
0x43: {  	_ =	shalt  }
0x44: {  	_ =	shalt  }
0x45: {  	_ =	shalt  }
0x46: {  	_ =	shalt  }
0x47: {  	_ =	shalt  }
0x48: {  	_ =	shalt  }
0x49: {  	_ =	shalt  }
0x4a: {  	_ =	shalt  }
0x4b: {  	_ =	shalt  }
0x4c: {  	_ =	shalt  }
0x4d: {  	_ =	shalt  }
0x4e: {  	_ =	shalt  }
0x4f: {  	_ =	shalt  }
0x50: {  	_ =	shalt  }
0x51: {  	_ =	shalt  }
0x52: {  	_ =	shalt  }
0x53: {  	_ =	shalt  }
0x54: {  	_ =	shalt  }
0x55: {  	_ =	shalt  }
0x56: {  	_ =	shalt  }
0x57: {  	_ =	shalt  }
0x58: {  	_ =	shalt  }
0x59: {  	_ =	shalt  }
0x5a: {  	_ =	shalt  }
0x5b: {  	_ =	shalt  }
0x5c: {  	_ =	shalt  }
0x5d: {  	_ =	shalt  }
0x5e: {  	_ =	shalt  }
0x5f: {  	_ =	shalt  }
0x60: {  	_ =	shalt  }
0x61: {  	_ =	shalt  }
0x62: {  	_ =	shalt  }
0x63: {  	_ =	shalt  }
0x64: {  	_ =	shalt  }
0x65: {  	_ =	shalt  }
0x66: {  	_ =	shalt  }
0x67: {  	_ =	shalt  }
0x68: {  	_ =	shalt  }
0x69: {  	_ =	shalt  }
0x6a: {  	_ =	shalt  }
0x6b: {  	_ =	shalt  }
0x6c: {  	_ =	shalt  }
0x6d: {  	_ =	shalt  }
0x6e: {  	_ =	shalt  }
0x6f: {  	_ =	shalt  }
0x70: {  	_ =	shalt  }
0x71: {  	_ =	shalt  }
0x72: {  	_ =	shalt  }
0x73: {  	_ =	shalt  }
0x74: {  	_ =	shalt  }
0x75: {  	_ =	shalt  }
0x76: {  	_ =	shalt  }
0x77: {  	_ =	shalt  }
0x78: {  	_ =	shalt  }
0x79: {  	_ =	shalt  }
0x7a: {  	_ =	shalt  }
0x7b: {  	_ =	shalt  }
0x7c: {  	_ =	shalt  }
0x7d: {  	_ =	shalt  }
0x7e: {  	_ =	shalt  }
0x7f: {  	_ =	shalt  }
0x80: {  	_ =	shalt  }
0x81: {  	_ =	shalt  }
0x82: {  	_ =	shalt  }
0x83: {  	_ =	shalt  }
0x84: {  	_ =	shalt  }
0x85: {  	_ =	shalt  }
0x86: {  	_ =	shalt  }
0x87: {  	_ =	shalt  }
.Lfunc_end0:
.L_simem_size_0:
called_computation_lowered:
.L_overlay_start_0:
0x88: {  	s2 =	sld [smem:$0x3FD9]  }
0x89: {  	s3 =	sld [smem:$0x3FFE];
	_ =	sdelay $0x1  }
0x8a: {  	s1 =	srdreg.scid  }
0x8b: {  	s0 =	sand.u32 $0x1, s1  }
0x8c: {  	s17 =	sshll.u32 s0, $0xA;
	s2 =	sadd.s32 s3, s2  }
0x8d: {  	s2 =	sadd.s32 s2, s17  }
0x8e: {  	[smem:$0x3FC5] =	sst s2  }
0x8f: {  	_ = 	snop  }
0x90: {  	s2 =	sld [smem:$0x3FD0];
	(tm) =	ssettm $0x1  }
0x91: {  	s18 =	sld [smem:$0x3FFB];
	_ =	sdelay $0x3  }
0x92: {  	_ =	strace s18  }
0x93: {  	s3 =	sld [smem:$0x3FFC];
	_ =	sdelay $0x3  }
0x94: {  	_ =	strace s3  }
0x95: {  	s3 =	sld [smem:$0x3FFD];
	_ =	sdelay $0x3  }
0x96: {  	_ =	strace s3  }
0x97: {  	_ =	strace $0x8FFFFFFF  }
0x98: {  	s19 =	sld [smem:$0x3FDB];
	_ =	sdelay $0x1  }
0x99: {  	s4 =	simm.s32 $_scs_section_size  }
0x9a: {  	s5 =	simm.s32 $_size__tile_overlayer_lowered;
	s6 =	simm.s32 $_tile_overlayer_lowered  }
0x9b: {  	s22 =	simm.s32 $0x1BFF;
	s21 =	sshll.u32 s6, $0x1;
	s3 =	sadd.s32 s4, s19  }
0x9c: {  	s7 =	simm.s32 $0x0;
	s20 =	sshll.u32 s5, $0x1;
	s5 =	sadd.s32 s21, s3  }
0x9d: {  	[timem:s7], [sflag:s22] =	dma.local [hbm:s5], s20  }
0x9e: {  	_ =	swait.ge [sflag:s22], s20  }
0x9f: {  	s4 =	ssub.s32 $0x0, s20;
	[sflag:s22] =	ssyncset.done $0x0  }
0xa0: {  	[sflag:s22] =	ssyncadd.s32 s4;
	_ =	sdelay $0x1  }
0xa1: {  	s23 =	simm.s32 $0x1B8B  }
0xa2: {  	_ =	swait.ge [sflag:s23], $0x1  }
0xa3: {  	[sflag:s23] =	ssyncset.done $0x0  }
0xa4: {  	s25 =	simm.s32 $0x1B8E;
	s24 =	sld [smem:$0x3FFE];
	[sflag:s23] =	ssyncadd.s32 $0xFFFFFFFF  }
0xa5: {  	s26 =	simm.s32 $execute0_lowered;
	[smem:$0x3FD2] =	sst s25  }
0xa6: {  	s5 =	sshll.u32 s26, $0x1;
	_ =	strace $0x80000046;
	[dreg:$0x1] =	wrdreg $0xFFFFFFFF  }
0xa7: {  	s28 =	simm.s32 $_size_execute0_lowered;
	s3 =	sadd.s32 s3, s5;
	[dreg:$0x0] =	wrdreg $0x0  }
0xa8: {  	s5 =	sshll.u32 s28, $0x1;
	[dreg:$0x2] =	wrdreg s3  }
0xa9: {  	[dreg:$0x3] =	wrdreg s5  }
0xaa: {  	[dreg:$0x4] =	wrdreg $0xC0  }
0xab: {  	_ =	task [dreg:s7], $0x5FFFF  }
0xac: {  	[dreg:$0x1] =	wrdreg $0xFFFFFFFF  }
0xad: {  	[dreg:$0x0] =	wrdreg $0x60  }
0xae: {  	[dreg:$0x2] =	wrdreg s24  }
0xaf: {  	[dreg:$0x3] =	wrdreg s2  }
0xb0: {  	[dreg:$0x4] =	wrdreg $0x152000  }
0xb1: {  	[dreg:$0x5] =	wrdreg $0x9  }
0xb2: {  	_ =	task.clear_ibuf [dreg:s7], $0x6FFFF;
	_ =	strace $0x90000046  }
0xb3: {  	s29 =	simm.s32 $0x9;
	_ =	strace $0x80000048  }
0xb4: {  	_ =	swait.ge [sflag:s29], $0x1  }
0xb5: {  	[sflag:s29] =	ssyncadd.s32 $0xFFFFFFFF  }
0xb6: {  	_ =	strace $0x90000048  }
0xb7: {  	_ =	sfence  }
0xb8: {  	s30 =	sld [smem:$0x0];
	_ =	sdelay $0x2  }
0xb9: {  	s31 =	sshll.u32 s1, $0xD;
	s1 =	sshrl.u32 s1, $0x2  }
0xba: {  	s3 =	sand.u32 $0x4000, s31;
	s1 =	sadd.s32 s1, s30  }
0xbb: {  	s0 =	sor.u32 s3, s0;
	s1 =	sshll.u32 s1, $0x11  }
0xbc: {  	s0 =	sor.u32 s1, s0  }
0xbd: {  	s0 =	sadd.s32 $0x8F2B, s0  }
0xbe: {  	[sflag:s0] =	ssyncadd.remote.s32 $0x1  }
0xbf: {  	_ =	sfence.sel $0xFFFF  }
0xc0: {  	[dreg:$0x0] =	wrdreg $0xFFFFFFFF;
	(pc) =	sbr.abs _section_cstart, $3  }
0xc1: {  	[dreg:$0x1] =	wrdreg $0xFFFFFFFF  }
0xc2: {  	_ =	task.clear_ibuf [dreg:s7], $0x2FFFF;
	_ =	strace $0x9FFFFFFF  }
0xc3: {  	(tm) =	ssettm $0x7FFFFFFF  }
tec
execute0_lowered:
.L_overlay_start_1:
0x0: {  	(tag) =	ssettag $0x1  }
0x1: {  	s0 =	rddreg [dreg:$0x0]  }
0x2: {  	s1 =	rddreg [dreg:$0x1]  }
0x3: {  	s2 =	rddreg [dreg:$0x2];
	s3 =	simm.s32 $0x0  }
0x4: {  	s12 =	stileid.u32;
	s4 =	srdreg.scid;
	s19 =	simm.s32 $0x11200  }
0x5: {  	s29 =	simm.s32 $0x14200;
	s31 =	simm.s32 $0x6;
	s14 =	simm.s32 $0x3  }
0x6: {  	[smem:$0x7FF] =	sst s3;
	s5 =	sadd.s32 $0x52A00, s0;
	s6 =	sadd.s32 $0xA00, s0  }
0x7: {  	s7 =	sadd.s32 $0xA4A00, s0;
	s4 =	sand.u32 $0x1, s4;
	s8 =	sshll.u32 s12, $0x1  }
0x8: {  	s9 =	sshll.u32 s12, $0xC;
	s12 =	sshll.u32 s12, $0xF;
	s10 =	ssub.s32 $0x2, s4  }
0x9: {  	s8 =	sor.u32 s4, s8;
	s0 =	sadd.s32 s9, s0;
	s4 =	sshll.u32 s4, $0x10  }
0xa: {  	_ =	strace $0x80000047;
	s13 =	smul.u32 $0x2900, s8;
	s0 =	sadd.s32 s4, s0  }
0xb: {  	s11 =	sshrl.u32 s10, $0x1;
	s9 =	smul.u32 $0xA4, s8;
	s0 =	sadd.s32 $0xF6A00, s0  }
0xc: {  	s10 =	ssub.s32 s10, s11;
	s11 =	sadd.s32 s12, s2;
	[dreg:$0xc] =	wrdreg s0  }
0xd: {  	s4 =	simm.s32 $0x0;
	s20 =	sadd.s32 $0x4000, s11;
	[dreg:$0x4] =	wrdreg s11  }
0xe: {  	s21 =	sadd.s32 s5, s13;
	s22 =	sadd.s32 s6, s13;
	[dreg:$0x5] =	wrdreg s20  }
0xf: {  	s23 =	sor.u32 $0x40, s13;
	s24 =	sadd.s32 s7, s13;
	[dreg:$0x6] =	wrdreg s21  }
0x10: {  	s30 =	smax.u32 s10, $0x1;
	s10 =	simm.s32 $0x7;
	[dreg:$0x7] =	wrdreg s22  }
.Ltmp0:
0x11: {  	s13 =	simm.s32 $0x2;
	[dreg:$0x8] =	wrdreg s24;
	(pc) =	sbr.rel .LBB2_1-.Ltmp0, $4  }
0x12: {  	s25 =	sadd.s32 s5, s23;
	s26 =	sadd.s32 s6, s23;
	[dreg:$0xd] =	wrdreg s30  }
0x13: {  	s28 =	sadd.s32 s7, s23;
	s24 =	simm.s32 $0x5;
	[dreg:$0x9] =	wrdreg s25  }
0x14: {  	s21 =	simm.s32 $0x1;
	s22 =	simm.s32 $0x12200;
	[dreg:$0xa] =	wrdreg s26  }
0x15: {  	v0 =	vimm.f32 $0.0e+00;
	s23 =	simm.s32 $0x13200;
	[dreg:$0xb] =	wrdreg s28;
	s25 =	simm.s32 $0x80  }
.LBB2_10:
0x16: {  	_ =	swait.ge [sflag:s14], $0x4000  }
0x17: {  	[sflag:s14] =	ssyncset.done $0x0  }
0x18: {  	s0 =	simm.s32 $0x4;
	[sflag:s14] =	ssyncadd.s32 $0xFFFFC000  }
0x19: {  	_ =	swait.ge [sflag:s0], $0x4000  }
0x1a: {  	[sflag:s0] =	ssyncset.done $0x0  }
0x1b: {  	[sflag:s0] =	ssyncadd.s32 $0xFFFFC000  }
0x1c: {  	s26 =	stileid.u32;
	[bflag:$0x0] =	sbarrier.arrive $0xFFFF  }
0x1d: {  	s10 =	simm.s32 $0x7;
	s0 =	sshll.u32 s26, $0x6;
	s11 =	rddreg [dreg:$0x4]  }
0x1e: {  	s0 =	sor.u32 $0x1C07, s0;
	s8 =	rddreg [dreg:$0xc];
	s4 =	sshrl.u32 s11, $0x3  }
0x1f: {  	[hbm:s8], [sflag:s0] =	dma.local [spmem:s4], $0x1000  }
0x20: {  	_ =	swait.ge [sflag:s10], $0x1000  }
0x21: {  	s28 =	rddreg [dreg:$0xe]  }
0x22: {  	s30 =	rddreg [dreg:$0xd];
	s4 =	sadd.s32 $0x1, s28  }
0x23: {  	p0 =	sne.s32 s4, s30  }
.Ltmp1:
0x24: {  	_ = 	snop;
	(pc) =	sbr.rel @!p0 .LBB2_11-.Ltmp1, $3  }
0x25: {  	_ =	sdelay $0x1  }
0x26: {  	[sflag:s10] =	ssyncset.done $0x0  }
0x27: {  	[sflag:s10] =	ssyncadd.s32 $0xFFFFF000  }
.LBB2_1:
0x28: {  	[dreg:$0xe] =	wrdreg s4;
	s0 =	simm.s32 $0x80;
	s4 =	simm.s32 $0x0  }
.LBB2_2:
0x29: {  	p0 =	sne.s32 s0, $0xFF80;
	[tilespmem:s4+$0x11200] =	vst v0;
	s8 =	smov.u32 s0;
	s0 =	sadd.s32 $0x80, s0  }
.Ltmp2:
0x2a: {  	[tilespmem:s4+$0x11210] =	vst v0;
	(pc) =	sbr.rel @p0 .LBB2_2-.Ltmp2, $2  }
0x2b: {  	_ =	sdelay $0x2  }
0x2c: {  	s4 =	sshra.s32 s8, $0x2  }
0x2d: {  	[tilespmem:s4+$0x11200] =	vst v0  }
0x2e: {  	[tilespmem:s4+$0x11210] =	vst v0  }
0x2f: {  	[spmem:s11] =	stream.linear.scatter [tilespmem:s19], [sflag:$0x7], $0x4000, $0x38;
	[tilespmem:$0x1D200] =	vst v63  }
0x30: {  	_ =	swait.ge [sflag:s10], $0x4000  }
0x31: {  	[sflag:s10] =	ssyncset.done $0x0  }
0x32: {  	s0 =	rddreg [dreg:$0x5];
	[sflag:s10] =	ssyncadd.s32 $0xFFFFC000  }
0x33: {  	[spmem:s0] =	stream.linear.scatter [tilespmem:s19], [sflag:$0x7], $0x4000, $0x38;
	[tilespmem:$0x1D200] =	vst v63  }
0x34: {  	_ =	swait.ge [sflag:s10], $0x4000  }
0x35: {  	[sflag:s10] =	ssyncset.done $0x0  }
0x36: {  	[sflag:s10] =	ssyncadd.s32 $0xFFFFC000  }
0x37: {  	[bflag:$0x0] =	sbarrier.arrive $0xFFFF  }
0x38: {  	s17 =	simm.s32 $0x0;
	s16 =	rddreg [dreg:$0x6]  }
0x39: {  	[tilespmem:s17], [sflag:$0x5] =	stream.linear.gather [hbm4b:s16+s17], $0x200, $0x38;
	[tilespmem:$0x1D200] =	vst v63  }
0x3a: {  	s20 =	simm.s32 $0x600;
	s18 =	rddreg [dreg:$0x7]  }
0x3b: {  	[tilespmem:s20], [sflag:$0x5] =	stream.linear.gather [hbm4b:s18+s17], $0x200, $0x38;
	[tilespmem:$0x1D200] =	vst v63  }
0x3c: {  	s26 =	rddreg [dreg:$0x8];
	s18 =	simm.s32 $0xC00  }
0x3d: {  	[tilespmem:s18], [sflag:$0x5] =	stream.linear.gather [hbm4b:s26+s17], $0x200, $0x38;
	[tilespmem:$0x1D200] =	vst v63  }
0x3e: {  	s30 =	simm.s32 $0x200;
	s28 =	rddreg [dreg:$0x9]  }
0x3f: {  	[tilespmem:s30], [sflag:$0x6] =	stream.linear.gather [hbm4b:s28+s17], $0x200, $0x38;
	[tilespmem:$0x1D200] =	vst v63  }
0x40: {  	s10 =	simm.s32 $0x800;
	s8 =	rddreg [dreg:$0xa]  }
0x41: {  	[tilespmem:s10], [sflag:$0x6] =	stream.linear.gather [hbm4b:s8+s17], $0x200, $0x38;
	[tilespmem:$0x1D200] =	vst v63  }
0x42: {  	s15 =	simm.s32 $0xE00;
	s11 =	rddreg [dreg:$0xb]  }
0x43: {  	[tilespmem:s15], [sflag:$0x6] =	stream.linear.gather [hbm4b:s11+s17], $0x200, $0x38;
	[tilespmem:$0x1D200] =	vst v63  }
0x44: {  	_ =	swait.ge [sflag:s24], $0x200  }
0x45: {  	[sflag:s24] =	ssyncset.done $0x0  }
0x46: {  	[sflag:s24] =	ssyncadd.s32 $0xFFFFFE00  }
0x47: {  	_ =	swait.ge [sflag:s24], $0x200  }
0x48: {  	[sflag:s24] =	ssyncset.done $0x0  }
0x49: {  	[sflag:s24] =	ssyncadd.s32 $0xFFFFFE00  }
0x4a: {  	_ =	swait.ge [sflag:s24], $0x200  }
0x4b: {  	[sflag:s24] =	ssyncset.done $0x0  }
0x4c: {  	s12 =	simm.s32 $0x1200;
	[sflag:s24] =	ssyncadd.s32 $0xFFFFFE00  }
0x4d: {  	[tilespmem:s12], [sflag:$0x1] =	stream.indirect.gather [hbm4b:s1+s25], $0x40, s17, s25, $0xb8;
	[tilespmem:$0x1D200] =	vst v63  }
0x4e: {  	s16 =	simm.s32 $0x3200  }
0x4f: {  	[tilespmem:s16], [sflag:$0x1] =	stream.indirect.gather [hbm4b:s1+s25], $0x40, s25, s25, $0xb8;
	[tilespmem:$0x1D200] =	vst v63  }
0x50: {  	s20 =	simm.s32 $0x100;
	s26 =	simm.s32 $0x5200;
	s28 =	simm.s32 $0x180  }
0x51: {  	[tilespmem:s26], [sflag:$0x1] =	stream.indirect.gather [hbm4b:s1+s25], $0x40, s20, s25, $0xb8;
	[tilespmem:$0x1D200] =	vst v63  }
0x52: {  	s30 =	simm.s32 $0x7200;
	s8 =	simm.s32 $0x1;
	s20 =	simm.s32 $0x0  }
0x53: {  	[tilespmem:s30], [sflag:$0x1] =	stream.indirect.gather [hbm4b:s1+s25], $0x40, s28, s25, $0xb8;
	[tilespmem:$0x1D200] =	vst v63  }
.LBB2_4:
0x54: {  	s0 =	smulhi.u32 $0xAAAAAAAB, s8  }
0x55: {  	s4 =	smulhi.u32 $0xAAAAAAAB, s17  }
0x56: {  	s16 =	smul.u32 $0x156, s20;
	s0 =	sshrl.u32 s0, $0x1  }
0x57: {  	s4 =	sshrl.u32 s4, $0x1;
	s0 =	smul.u32 $0xFFFFE800, s0  }
0x58: {  	s4 =	smul.u32 $0xFFFFE800, s4  }
0x59: {  	s16 =	sshrl.u32 s16, $0x9  }
0x5a: {  	s16 =	sand.u32 $0x7F, s16;
	s0 =	sshra.s32 s0, $0x2;
	s11 =	sshra.s32 s4, $0x2  }
0x5b: {  	s28 =	smul.u32 $0x3, s16;
	s26 =	sadd.s32 s0, s15;
	s0 =	sadd.s32 s11, s18  }
0x5c: {  	s16 =	sshll.u32 s20, $0x1;
	v1 =	vmov s0  }
0x5d: {  	_ =	swait.ge [sflag:s21], $0x8000;
	s12 =	ssub.s32 s16, s28  }
0x5e: {  	s30 =	simm.s32 $0x1400;
	[sflag:s21] =	ssyncset.done $0x0;
	s4 =	sand.u32 $0xFF, s12  }
0x5f: {  	[sflag:s21] =	ssyncadd.s32 $0xFFFF8000;
	s0 =	simm.s32 $0x0;
	s28 =	sshll.u32 s4, $0xB  }
.LBB2_5:
0x60: {  	s4 =	sshra.s32 s0, $0x2  }
0x61: {  	v2 =	vld.idx.msk [tilespmem:v1+s4+$0x0 ss:$0x1], $0xffff;
	_ =	sdelay $0x1  }
0x62: {  	v3 =	vld [tilespmem:s30+$0xFFFFFE00];
	_ =	sdelay $0x2  }
0x63: {  	v4 =	vbroadcast v2, $0x0;
	_ =	sdelay $0x1  }
0x64: {  	v3 =	vmul.f32 v4, v3;
	_ =	sdelay $0x1  }
0x65: {  	[tilespmem:s30+$0xFFFFFE00] =	vst v3;
	v3 =	vld [tilespmem:s30+$0xFFFFFE10];
	_ =	sdelay $0x4  }
0x66: {  	v3 =	vmul.f32 v3, v4;
	_ =	sdelay $0x1  }
0x67: {  	[tilespmem:s30+$0xFFFFFE10] =	vst v3;
	v3 =	vld [tilespmem:s30+$0xFFFFFE20];
	_ =	sdelay $0x4  }
0x68: {  	v3 =	vmul.f32 v3, v4;
	_ =	sdelay $0x1  }
0x69: {  	[tilespmem:s30+$0xFFFFFE20] =	vst v3;
	v3 =	vld [tilespmem:s30+$0xFFFFFE30];
	_ =	sdelay $0x4  }
0x6a: {  	v3 =	vmul.f32 v3, v4;
	_ =	sdelay $0x1  }
0x6b: {  	[tilespmem:s30+$0xFFFFFE30] =	vst v3;
	v3 =	vld [tilespmem:s30+$0xFFFFFE40];
	_ =	sdelay $0x2  }
0x6c: {  	v50 =	vbroadcast v2, $0x1;
	_ =	sdelay $0x1  }
0x6d: {  	v3 =	vmul.f32 v3, v50;
	_ =	sdelay $0x1  }
0x6e: {  	[tilespmem:s30+$0xFFFFFE40] =	vst v3;
	v3 =	vld [tilespmem:s30+$0xFFFFFE50];
	_ =	sdelay $0x4  }
0x6f: {  	v3 =	vmul.f32 v3, v50;
	_ =	sdelay $0x1  }
0x70: {  	[tilespmem:s30+$0xFFFFFE50] =	vst v3;
	v3 =	vld [tilespmem:s30+$0xFFFFFE60];
	_ =	sdelay $0x4  }
0x71: {  	v3 =	vmul.f32 v3, v50;
	_ =	sdelay $0x1  }
0x72: {  	[tilespmem:s30+$0xFFFFFE60] =	vst v3;
	v3 =	vld [tilespmem:s30+$0xFFFFFE70];
	_ =	sdelay $0x4  }
0x73: {  	v3 =	vmul.f32 v3, v50;
	_ =	sdelay $0x1  }
0x74: {  	[tilespmem:s30+$0xFFFFFE70] =	vst v3;
	v3 =	vld [tilespmem:s30+$0xFFFFFE80];
	_ =	sdelay $0x2  }
0x75: {  	v51 =	vbroadcast v2, $0x2;
	_ =	sdelay $0x1  }
0x76: {  	v3 =	vmul.f32 v3, v51;
	_ =	sdelay $0x1  }
0x77: {  	[tilespmem:s30+$0xFFFFFE80] =	vst v3;
	v3 =	vld [tilespmem:s30+$0xFFFFFE90];
	_ =	sdelay $0x4  }
0x78: {  	v3 =	vmul.f32 v3, v51;
	_ =	sdelay $0x1  }
0x79: {  	[tilespmem:s30+$0xFFFFFE90] =	vst v3;
	v3 =	vld [tilespmem:s30+$0xFFFFFEA0];
	_ =	sdelay $0x4  }
0x7a: {  	v3 =	vmul.f32 v3, v51;
	_ =	sdelay $0x1  }
0x7b: {  	[tilespmem:s30+$0xFFFFFEA0] =	vst v3;
	v3 =	vld [tilespmem:s30+$0xFFFFFEB0];
	_ =	sdelay $0x4  }
0x7c: {  	v3 =	vmul.f32 v3, v51;
	_ =	sdelay $0x1  }
0x7d: {  	[tilespmem:s30+$0xFFFFFEB0] =	vst v3;
	v3 =	vld [tilespmem:s30+$0xFFFFFEC0];
	_ =	sdelay $0x2  }
0x7e: {  	v52 =	vbroadcast v2, $0x3;
	_ =	sdelay $0x1  }
0x7f: {  	v3 =	vmul.f32 v3, v52;
	_ =	sdelay $0x1  }
0x80: {  	[tilespmem:s30+$0xFFFFFEC0] =	vst v3;
	v3 =	vld [tilespmem:s30+$0xFFFFFED0];
	_ =	sdelay $0x4  }
0x81: {  	v3 =	vmul.f32 v3, v52;
	_ =	sdelay $0x1  }
0x82: {  	[tilespmem:s30+$0xFFFFFED0] =	vst v3;
	v3 =	vld [tilespmem:s30+$0xFFFFFEE0];
	_ =	sdelay $0x4  }
0x83: {  	v3 =	vmul.f32 v3, v52;
	_ =	sdelay $0x1  }
0x84: {  	[tilespmem:s30+$0xFFFFFEE0] =	vst v3;
	v3 =	vld [tilespmem:s30+$0xFFFFFEF0];
	_ =	sdelay $0x4  }
0x85: {  	v3 =	vmul.f32 v3, v52;
	_ =	sdelay $0x1  }
0x86: {  	[tilespmem:s30+$0xFFFFFEF0] =	vst v3;
	v3 =	vld [tilespmem:s30+$0xFFFFFF00];
	_ =	sdelay $0x2  }
0x87: {  	v53 =	vbroadcast v2, $0x4;
	_ =	sdelay $0x1  }
0x88: {  	v3 =	vmul.f32 v3, v53;
	_ =	sdelay $0x1  }
0x89: {  	[tilespmem:s30+$0xFFFFFF00] =	vst v3;
	v3 =	vld [tilespmem:s30+$0xFFFFFF10];
	_ =	sdelay $0x4  }
0x8a: {  	v3 =	vmul.f32 v3, v53;
	_ =	sdelay $0x1  }
0x8b: {  	[tilespmem:s30+$0xFFFFFF10] =	vst v3;
	v3 =	vld [tilespmem:s30+$0xFFFFFF20];
	_ =	sdelay $0x4  }
0x8c: {  	v3 =	vmul.f32 v3, v53;
	_ =	sdelay $0x1  }
0x8d: {  	[tilespmem:s30+$0xFFFFFF20] =	vst v3;
	v3 =	vld [tilespmem:s30+$0xFFFFFF30];
	_ =	sdelay $0x4  }
0x8e: {  	v3 =	vmul.f32 v3, v53;
	_ =	sdelay $0x1  }
0x8f: {  	[tilespmem:s30+$0xFFFFFF30] =	vst v3;
	v3 =	vld [tilespmem:s30+$0xFFFFFF40];
	_ =	sdelay $0x2  }
0x90: {  	v54 =	vbroadcast v2, $0x5;
	_ =	sdelay $0x1  }
0x91: {  	v3 =	vmul.f32 v3, v54;
	_ =	sdelay $0x1  }
0x92: {  	[tilespmem:s30+$0xFFFFFF40] =	vst v3;
	v3 =	vld [tilespmem:s30+$0xFFFFFF50];
	_ =	sdelay $0x4  }
0x93: {  	v3 =	vmul.f32 v3, v54;
	_ =	sdelay $0x1  }
0x94: {  	[tilespmem:s30+$0xFFFFFF50] =	vst v3;
	v3 =	vld [tilespmem:s30+$0xFFFFFF60];
	_ =	sdelay $0x4  }
0x95: {  	v3 =	vmul.f32 v3, v54;
	_ =	sdelay $0x1  }
0x96: {  	[tilespmem:s30+$0xFFFFFF60] =	vst v3;
	v3 =	vld [tilespmem:s30+$0xFFFFFF70];
	_ =	sdelay $0x4  }
0x97: {  	v3 =	vmul.f32 v3, v54;
	_ =	sdelay $0x1  }
0x98: {  	[tilespmem:s30+$0xFFFFFF70] =	vst v3;
	v3 =	vld [tilespmem:s30+$0xFFFFFF80];
	_ =	sdelay $0x2  }
0x99: {  	v55 =	vbroadcast v2, $0x6;
	_ =	sdelay $0x1  }
0x9a: {  	v3 =	vmul.f32 v3, v55;
	_ =	sdelay $0x1  }
0x9b: {  	[tilespmem:s30+$0xFFFFFF80] =	vst v3;
	v3 =	vld [tilespmem:s30+$0xFFFFFF90];
	_ =	sdelay $0x4  }
0x9c: {  	v3 =	vmul.f32 v3, v55;
	_ =	sdelay $0x1  }
0x9d: {  	[tilespmem:s30+$0xFFFFFF90] =	vst v3;
	v3 =	vld [tilespmem:s30+$0xFFFFFFA0];
	_ =	sdelay $0x4  }
0x9e: {  	v3 =	vmul.f32 v3, v55;
	_ =	sdelay $0x1  }
0x9f: {  	[tilespmem:s30+$0xFFFFFFA0] =	vst v3;
	v3 =	vld [tilespmem:s30+$0xFFFFFFB0];
	_ =	sdelay $0x4  }
0xa0: {  	v3 =	vmul.f32 v3, v55;
	_ =	sdelay $0x1  }
0xa1: {  	[tilespmem:s30+$0xFFFFFFB0] =	vst v3;
	v3 =	vld [tilespmem:s30+$0xFFFFFFC0];
	_ =	sdelay $0x2  }
0xa2: {  	v56 =	vbroadcast v2, $0x7;
	_ =	sdelay $0x1  }
0xa3: {  	v3 =	vmul.f32 v3, v56;
	_ =	sdelay $0x1  }
0xa4: {  	[tilespmem:s30+$0xFFFFFFC0] =	vst v3;
	v3 =	vld [tilespmem:s30+$0xFFFFFFD0];
	_ =	sdelay $0x4  }
0xa5: {  	v3 =	vmul.f32 v3, v56;
	_ =	sdelay $0x1  }
0xa6: {  	[tilespmem:s30+$0xFFFFFFD0] =	vst v3;
	v3 =	vld [tilespmem:s30+$0xFFFFFFE0];
	_ =	sdelay $0x4  }
0xa7: {  	v3 =	vmul.f32 v3, v56;
	_ =	sdelay $0x1  }
0xa8: {  	[tilespmem:s30+$0xFFFFFFE0] =	vst v3;
	v3 =	vld [tilespmem:s30+$0xFFFFFFF0];
	_ =	sdelay $0x4  }
0xa9: {  	v3 =	vmul.f32 v3, v56;
	_ =	sdelay $0x1  }
0xaa: {  	[tilespmem:s30+$0xFFFFFFF0] =	vst v3;
	v3 =	vld [tilespmem:s30+$0x0];
	_ =	sdelay $0x2  }
0xab: {  	v57 =	vbroadcast v2, $0x8;
	_ =	sdelay $0x1  }
0xac: {  	v3 =	vmul.f32 v3, v57;
	_ =	sdelay $0x1  }
0xad: {  	[tilespmem:s30+$0x0] =	vst v3;
	v3 =	vld [tilespmem:s30+$0x10];
	_ =	sdelay $0x4  }
0xae: {  	v3 =	vmul.f32 v3, v57;
	_ =	sdelay $0x1  }
0xaf: {  	[tilespmem:s30+$0x10] =	vst v3;
	v3 =	vld [tilespmem:s30+$0x20];
	_ =	sdelay $0x4  }
0xb0: {  	v3 =	vmul.f32 v3, v57;
	_ =	sdelay $0x1  }
0xb1: {  	[tilespmem:s30+$0x20] =	vst v3;
	v3 =	vld [tilespmem:s30+$0x30];
	_ =	sdelay $0x4  }
0xb2: {  	v3 =	vmul.f32 v3, v57;
	_ =	sdelay $0x1  }
0xb3: {  	[tilespmem:s30+$0x30] =	vst v3;
	v3 =	vld [tilespmem:s30+$0x40];
	_ =	sdelay $0x2  }
0xb4: {  	v58 =	vbroadcast v2, $0x9;
	_ =	sdelay $0x1  }
0xb5: {  	v3 =	vmul.f32 v3, v58;
	_ =	sdelay $0x1  }
0xb6: {  	[tilespmem:s30+$0x40] =	vst v3;
	v3 =	vld [tilespmem:s30+$0x50];
	_ =	sdelay $0x4  }
0xb7: {  	v3 =	vmul.f32 v3, v58;
	_ =	sdelay $0x1  }
0xb8: {  	[tilespmem:s30+$0x50] =	vst v3;
	v3 =	vld [tilespmem:s30+$0x60];
	_ =	sdelay $0x4  }
0xb9: {  	v3 =	vmul.f32 v3, v58;
	_ =	sdelay $0x1  }
0xba: {  	[tilespmem:s30+$0x60] =	vst v3;
	v3 =	vld [tilespmem:s30+$0x70];
	_ =	sdelay $0x4  }
0xbb: {  	v3 =	vmul.f32 v3, v58;
	_ =	sdelay $0x1  }
0xbc: {  	[tilespmem:s30+$0x70] =	vst v3;
	v3 =	vld [tilespmem:s30+$0x80];
	_ =	sdelay $0x2  }
0xbd: {  	v59 =	vbroadcast v2, $0xA;
	_ =	sdelay $0x1  }
0xbe: {  	v3 =	vmul.f32 v3, v59;
	_ =	sdelay $0x1  }
0xbf: {  	[tilespmem:s30+$0x80] =	vst v3;
	v3 =	vld [tilespmem:s30+$0x90];
	_ =	sdelay $0x4  }
0xc0: {  	v3 =	vmul.f32 v3, v59;
	_ =	sdelay $0x1  }
0xc1: {  	[tilespmem:s30+$0x90] =	vst v3;
	v3 =	vld [tilespmem:s30+$0xA0];
	_ =	sdelay $0x4  }
0xc2: {  	v3 =	vmul.f32 v3, v59;
	_ =	sdelay $0x1  }
0xc3: {  	[tilespmem:s30+$0xA0] =	vst v3;
	v3 =	vld [tilespmem:s30+$0xB0];
	_ =	sdelay $0x4  }
0xc4: {  	v3 =	vmul.f32 v3, v59;
	_ =	sdelay $0x1  }
0xc5: {  	[tilespmem:s30+$0xB0] =	vst v3;
	v3 =	vld [tilespmem:s30+$0xC0];
	_ =	sdelay $0x2  }
0xc6: {  	v60 =	vbroadcast v2, $0xB;
	_ =	sdelay $0x1  }
0xc7: {  	v3 =	vmul.f32 v3, v60;
	_ =	sdelay $0x1  }
0xc8: {  	[tilespmem:s30+$0xC0] =	vst v3;
	v3 =	vld [tilespmem:s30+$0xD0];
	_ =	sdelay $0x4  }
0xc9: {  	v3 =	vmul.f32 v3, v60;
	_ =	sdelay $0x1  }
0xca: {  	[tilespmem:s30+$0xD0] =	vst v3;
	v3 =	vld [tilespmem:s30+$0xE0];
	_ =	sdelay $0x4  }
0xcb: {  	v3 =	vmul.f32 v3, v60;
	_ =	sdelay $0x1  }
0xcc: {  	[tilespmem:s30+$0xE0] =	vst v3;
	v3 =	vld [tilespmem:s30+$0xF0];
	_ =	sdelay $0x4  }
0xcd: {  	v3 =	vmul.f32 v3, v60;
	_ =	sdelay $0x1  }
0xce: {  	[tilespmem:s30+$0xF0] =	vst v3;
	v3 =	vld [tilespmem:s30+$0x100];
	_ =	sdelay $0x2  }
0xcf: {  	v61 =	vbroadcast v2, $0xC;
	_ =	sdelay $0x1  }
0xd0: {  	v3 =	vmul.f32 v3, v61;
	_ =	sdelay $0x1  }
0xd1: {  	[tilespmem:s30+$0x100] =	vst v3;
	v3 =	vld [tilespmem:s30+$0x110];
	_ =	sdelay $0x4  }
0xd2: {  	v3 =	vmul.f32 v3, v61;
	_ =	sdelay $0x1  }
0xd3: {  	[tilespmem:s30+$0x110] =	vst v3;
	v3 =	vld [tilespmem:s30+$0x120];
	_ =	sdelay $0x4  }
0xd4: {  	v3 =	vmul.f32 v3, v61;
	_ =	sdelay $0x1  }
0xd5: {  	[tilespmem:s30+$0x120] =	vst v3;
	v3 =	vld [tilespmem:s30+$0x130];
	_ =	sdelay $0x4  }
0xd6: {  	v3 =	vmul.f32 v3, v61;
	_ =	sdelay $0x1  }
0xd7: {  	[tilespmem:s30+$0x130] =	vst v3;
	v3 =	vld [tilespmem:s30+$0x140];
	_ =	sdelay $0x2  }
0xd8: {  	v62 =	vbroadcast v2, $0xD;
	_ =	sdelay $0x1  }
0xd9: {  	v3 =	vmul.f32 v3, v62;
	_ =	sdelay $0x1  }
0xda: {  	[tilespmem:s30+$0x140] =	vst v3;
	v3 =	vld [tilespmem:s30+$0x150];
	_ =	sdelay $0x4  }
0xdb: {  	v3 =	vmul.f32 v3, v62;
	_ =	sdelay $0x1  }
0xdc: {  	[tilespmem:s30+$0x150] =	vst v3;
	v3 =	vld [tilespmem:s30+$0x160];
	_ =	sdelay $0x4  }
0xdd: {  	v3 =	vmul.f32 v3, v62;
	_ =	sdelay $0x1  }
0xde: {  	[tilespmem:s30+$0x160] =	vst v3;
	v3 =	vld [tilespmem:s30+$0x170];
	_ =	sdelay $0x4  }
0xdf: {  	v3 =	vmul.f32 v3, v62;
	_ =	sdelay $0x1  }
0xe0: {  	[tilespmem:s30+$0x170] =	vst v3;
	v3 =	vld [tilespmem:s30+$0x180];
	_ =	sdelay $0x2  }
0xe1: {  	v63 =	vbroadcast v2, $0xE;
	_ =	sdelay $0x1  }
0xe2: {  	v3 =	vmul.f32 v3, v63;
	_ =	sdelay $0x1  }
0xe3: {  	[tilespmem:s30+$0x180] =	vst v3;
	v3 =	vld [tilespmem:s30+$0x190];
	_ =	sdelay $0x4  }
0xe4: {  	v3 =	vmul.f32 v3, v63;
	_ =	sdelay $0x1  }
0xe5: {  	[tilespmem:s30+$0x190] =	vst v3;
	v3 =	vld [tilespmem:s30+$0x1A0];
	_ =	sdelay $0x4  }
0xe6: {  	v3 =	vmul.f32 v3, v63;
	_ =	sdelay $0x1  }
0xe7: {  	[tilespmem:s30+$0x1A0] =	vst v3;
	v3 =	vld [tilespmem:s30+$0x1B0];
	_ =	sdelay $0x4  }
0xe8: {  	v3 =	vmul.f32 v3, v63;
	_ =	sdelay $0x1  }
0xe9: {  	[tilespmem:s30+$0x1B0] =	vst v3;
	v3 =	vld [tilespmem:s30+$0x1C0];
	_ =	sdelay $0x2  }
0xea: {  	v2 =	vbroadcast v2, $0xF;
	_ =	sdelay $0x1  }
0xeb: {  	v3 =	vmul.f32 v3, v2;
	_ =	sdelay $0x1  }
0xec: {  	[tilespmem:s30+$0x1C0] =	vst v3;
	v3 =	vld [tilespmem:s30+$0x1D0];
	_ =	sdelay $0x4  }
0xed: {  	v3 =	vmul.f32 v3, v2;
	_ =	sdelay $0x1  }
0xee: {  	[tilespmem:s30+$0x1D0] =	vst v3;
	v3 =	vld [tilespmem:s30+$0x1E0];
	_ =	sdelay $0x4  }
0xef: {  	v3 =	vmul.f32 v3, v2;
	_ =	sdelay $0x1  }
0xf0: {  	[tilespmem:s30+$0x1E0] =	vst v3;
	v3 =	vld [tilespmem:s30+$0x1F0];
	_ =	sdelay $0x1  }
0xf1: {  	p0 =	seq.s32 s0, $0x7C0  }
.Ltmp3:
0xf2: {  	_ = 	snop;
	(pc) =	sbr.rel @!p0 .LBB2_5-.Ltmp3, $3  }
0xf3: {  	_ = 	snop  }
0xf4: {  	v2 =	vmul.f32 v3, v2;
	_ =	sdelay $0x1  }
0xf5: {  	s0 =	sadd.s32 $0x40, s0;
	[tilespmem:s30+$0x1F0] =	vst v2;
	s30 =	sadd.s32 $0x400, s30  }
0xf6: {  	s0 =	sshrl.u32 s28, $0x2  }
0xf7: {  	s4 =	sadd.s32 $0x600, s0  }
0xf8: {  	[spmem:s2] =	stream.indirect.scatter.add.f32 [tilespmem:s19], [sflag:$0x3], $0x20, s4, s25, $0xb8;
	[tilespmem:$0x1D200] =	vst v63  }
0xf9: {  	s12 =	sadd.s32 $0x680, s0  }
0xfa: {  	[spmem:s2] =	stream.indirect.scatter.add.f32 [tilespmem:s22], [sflag:$0x3], $0x20, s12, s25, $0xb8;
	[tilespmem:$0x1D200] =	vst v63  }
0xfb: {  	s10 =	sadd.s32 $0x700, s0  }
0xfc: {  	[spmem:s2] =	stream.indirect.scatter.add.f32 [tilespmem:s23], [sflag:$0x3], $0x20, s10, s25, $0xb8;
	[tilespmem:$0x1D200] =	vst v63  }
0xfd: {  	s0 =	sadd.s32 $0x780, s0  }
0xfe: {  	[spmem:s2] =	stream.indirect.scatter.add.f32 [tilespmem:s29], [sflag:$0x3], $0x20, s0, s25, $0xb8;
	[tilespmem:$0x1D200] =	vst v63  }
0xff: {  	_ =	swait.ge [sflag:s31], $0x200  }
0x100: {  	[sflag:s31] =	ssyncset.done $0x0  }
0x101: {  	[sflag:s31] =	ssyncadd.s32 $0xFFFFFE00  }
0x102: {  	_ =	swait.ge [sflag:s31], $0x200  }
0x103: {  	[sflag:s31] =	ssyncset.done $0x0  }
0x104: {  	[sflag:s31] =	ssyncadd.s32 $0xFFFFFE00  }
0x105: {  	_ =	swait.ge [sflag:s31], $0x200  }
0x106: {  	p0 =	seq.s32 s20, $0x0;
	[sflag:s31] =	ssyncset.done $0x0  }
0x107: {  	s11 =	sor.u32 $0x1, s16;
	s4 =	simm.s32 @!p0 $0x4;
	[sflag:s31] =	ssyncadd.s32 $0xFFFFFE00  }
0x108: {  	s12 =	smulhi.u32 $0x55555556, s11;
	_ =	swait.ge @!p0 [sflag:s4], $0x4000  }
0x109: {  	[sflag:s4] =	ssyncset.done @!p0 $0x0  }
0x10a: {  	[sflag:s4] =	ssyncadd.s32 @!p0 $0xFFFFC000;
	s4 =	smul.u32 $0x3, s12  }
0x10b: {  	s28 =	sadd.s32 $0x2, s16;
	p0 =	seq.s32 s20, $0x51  }
0x10c: {  	s0 =	ssub.s32 s11, s4;
	s4 =	smulhi.u32 @!p0 $0x55555556, s28  }
0x10d: {  	s10 =	simm.s32 $0x9200;
	s0 =	sshll.u32 s0, $0xB  }
0x10e: {  	s12 =	simm.s32 $0xB200;
	s30 =	sshrl.u32 s0, $0x2;
	s0 =	smul.u32 @!p0 $0x3, s4  }
0x10f: {  	[tilespmem:s10], [sflag:$0x2] =	stream.indirect.gather [hbm4b:s1+s25], $0x40, s30, s25, $0xb8;
	[tilespmem:$0x1D200] =	vst v63  }
0x110: {  	s4 =	sadd.s32 @!p0 s9, s28;
	s11 =	sor.u32 $0x80, s30;
	s10 =	sor.u32 $0x100, s30  }
0x111: {  	[tilespmem:s12], [sflag:$0x2] =	stream.indirect.gather [hbm4b:s1+s25], $0x40, s11, s25, $0xb8;
	[tilespmem:$0x1D200] =	vst v63  }
0x112: {  	s4 =	sshll.u32 @!p0 s4, $0x6;
	s0 =	ssub.s32 @!p0 s28, s0;
	s11 =	simm.s32 $0xD200  }
0x113: {  	[tilespmem:s11], [sflag:$0x2] =	stream.indirect.gather [hbm4b:s1+s25], $0x40, s10, s25, $0xb8;
	[tilespmem:$0x1D200] =	vst v63  }
0x114: {  	s4 =	sand.u32 @!p0 $0x1FFFFF80, s4;
	s12 =	sor.u32 $0x180, s30;
	s10 =	simm.s32 $0xF200  }
0x115: {  	[tilespmem:s10], [sflag:$0x2] =	stream.indirect.gather [hbm4b:s1+s25], $0x40, s12, s25, $0xb8;
	[tilespmem:$0x1D200] =	vst v63  }
0x116: {  	s0 =	sshll.u32 @!p0 s0, $0x9;
	s11 =	simm.s32 @!p0 $0x0;
	s10 =	sadd.s32 @!p0 s5, s4  }
0x117: {  	[tilespmem:s0], [sflag:$0x5] =	stream.linear.gather @!p0 [hbm4b:s10+s11], $0x200, $0x38;
	[tilespmem:$0x1D200] =	vst v63  }
0x118: {  	s12 =	sadd.s32 @!p0 s6, s4;
	s10 =	sadd.s32 @!p0 $0x600, s0  }
0x119: {  	[tilespmem:s10], [sflag:$0x5] =	stream.linear.gather @!p0 [hbm4b:s12+s11], $0x200, $0x38;
	[tilespmem:$0x1D200] =	vst v63  }
0x11a: {  	s4 =	sadd.s32 @!p0 s7, s4;
	s0 =	sadd.s32 @!p0 $0xC00, s0  }
0x11b: {  	v1 =	vmov s26;
	[tilespmem:s0], [sflag:$0x5] =	stream.linear.gather @!p0 [hbm4b:s4+s11], $0x200, $0x38;
	[tilespmem:$0x1D200] =	vst v63  }
0x11c: {  	_ =	swait.ge [sflag:s13], $0x8000  }
0x11d: {  	[sflag:s13] =	ssyncset.done $0x0  }
0x11e: {  	s0 =	simm.s32 $0x0;
	s4 =	simm.s32 $0x9400;
	[sflag:s13] =	ssyncadd.s32 $0xFFFF8000  }
.LBB2_7:
0x11f: {  	s10 =	sshra.s32 s0, $0x2  }
0x120: {  	v2 =	vld.idx.msk [tilespmem:v1+s10+$0x0 ss:$0x1], $0xffff;
	_ =	sdelay $0x1  }
0x121: {  	v3 =	vld [tilespmem:s4+$0xFFFFFE00];
	_ =	sdelay $0x2  }
0x122: {  	v4 =	vbroadcast v2, $0x0;
	_ =	sdelay $0x1  }
0x123: {  	v3 =	vmul.f32 v4, v3;
	_ =	sdelay $0x1  }
0x124: {  	[tilespmem:s4+$0xFFFFFE00] =	vst v3;
	v3 =	vld [tilespmem:s4+$0xFFFFFE10];
	_ =	sdelay $0x4  }
0x125: {  	v3 =	vmul.f32 v3, v4;
	_ =	sdelay $0x1  }
0x126: {  	[tilespmem:s4+$0xFFFFFE10] =	vst v3;
	v3 =	vld [tilespmem:s4+$0xFFFFFE20];
	_ =	sdelay $0x4  }
0x127: {  	v3 =	vmul.f32 v3, v4;
	_ =	sdelay $0x1  }
0x128: {  	[tilespmem:s4+$0xFFFFFE20] =	vst v3;
	v3 =	vld [tilespmem:s4+$0xFFFFFE30];
	_ =	sdelay $0x4  }
0x129: {  	v3 =	vmul.f32 v3, v4;
	_ =	sdelay $0x1  }
0x12a: {  	[tilespmem:s4+$0xFFFFFE30] =	vst v3;
	v3 =	vld [tilespmem:s4+$0xFFFFFE40];
	_ =	sdelay $0x2  }
0x12b: {  	v50 =	vbroadcast v2, $0x1;
	_ =	sdelay $0x1  }
0x12c: {  	v3 =	vmul.f32 v3, v50;
	_ =	sdelay $0x1  }
0x12d: {  	[tilespmem:s4+$0xFFFFFE40] =	vst v3;
	v3 =	vld [tilespmem:s4+$0xFFFFFE50];
	_ =	sdelay $0x4  }
0x12e: {  	v3 =	vmul.f32 v3, v50;
	_ =	sdelay $0x1  }
0x12f: {  	[tilespmem:s4+$0xFFFFFE50] =	vst v3;
	v3 =	vld [tilespmem:s4+$0xFFFFFE60];
	_ =	sdelay $0x4  }
0x130: {  	v3 =	vmul.f32 v3, v50;
	_ =	sdelay $0x1  }
0x131: {  	[tilespmem:s4+$0xFFFFFE60] =	vst v3;
	v3 =	vld [tilespmem:s4+$0xFFFFFE70];
	_ =	sdelay $0x4  }
0x132: {  	v3 =	vmul.f32 v3, v50;
	_ =	sdelay $0x1  }
0x133: {  	[tilespmem:s4+$0xFFFFFE70] =	vst v3;
	v3 =	vld [tilespmem:s4+$0xFFFFFE80];
	_ =	sdelay $0x2  }
0x134: {  	v51 =	vbroadcast v2, $0x2;
	_ =	sdelay $0x1  }
0x135: {  	v3 =	vmul.f32 v3, v51;
	_ =	sdelay $0x1  }
0x136: {  	[tilespmem:s4+$0xFFFFFE80] =	vst v3;
	v3 =	vld [tilespmem:s4+$0xFFFFFE90];
	_ =	sdelay $0x4  }
0x137: {  	v3 =	vmul.f32 v3, v51;
	_ =	sdelay $0x1  }
0x138: {  	[tilespmem:s4+$0xFFFFFE90] =	vst v3;
	v3 =	vld [tilespmem:s4+$0xFFFFFEA0];
	_ =	sdelay $0x4  }
0x139: {  	v3 =	vmul.f32 v3, v51;
	_ =	sdelay $0x1  }
0x13a: {  	[tilespmem:s4+$0xFFFFFEA0] =	vst v3;
	v3 =	vld [tilespmem:s4+$0xFFFFFEB0];
	_ =	sdelay $0x4  }
0x13b: {  	v3 =	vmul.f32 v3, v51;
	_ =	sdelay $0x1  }
0x13c: {  	[tilespmem:s4+$0xFFFFFEB0] =	vst v3;
	v3 =	vld [tilespmem:s4+$0xFFFFFEC0];
	_ =	sdelay $0x2  }
0x13d: {  	v52 =	vbroadcast v2, $0x3;
	_ =	sdelay $0x1  }
0x13e: {  	v3 =	vmul.f32 v3, v52;
	_ =	sdelay $0x1  }
0x13f: {  	[tilespmem:s4+$0xFFFFFEC0] =	vst v3;
	v3 =	vld [tilespmem:s4+$0xFFFFFED0];
	_ =	sdelay $0x4  }
0x140: {  	v3 =	vmul.f32 v3, v52;
	_ =	sdelay $0x1  }
0x141: {  	[tilespmem:s4+$0xFFFFFED0] =	vst v3;
	v3 =	vld [tilespmem:s4+$0xFFFFFEE0];
	_ =	sdelay $0x4  }
0x142: {  	v3 =	vmul.f32 v3, v52;
	_ =	sdelay $0x1  }
0x143: {  	[tilespmem:s4+$0xFFFFFEE0] =	vst v3;
	v3 =	vld [tilespmem:s4+$0xFFFFFEF0];
	_ =	sdelay $0x4  }
0x144: {  	v3 =	vmul.f32 v3, v52;
	_ =	sdelay $0x1  }
0x145: {  	[tilespmem:s4+$0xFFFFFEF0] =	vst v3;
	v3 =	vld [tilespmem:s4+$0xFFFFFF00];
	_ =	sdelay $0x2  }
0x146: {  	v53 =	vbroadcast v2, $0x4;
	_ =	sdelay $0x1  }
0x147: {  	v3 =	vmul.f32 v3, v53;
	_ =	sdelay $0x1  }
0x148: {  	[tilespmem:s4+$0xFFFFFF00] =	vst v3;
	v3 =	vld [tilespmem:s4+$0xFFFFFF10];
	_ =	sdelay $0x4  }
0x149: {  	v3 =	vmul.f32 v3, v53;
	_ =	sdelay $0x1  }
0x14a: {  	[tilespmem:s4+$0xFFFFFF10] =	vst v3;
	v3 =	vld [tilespmem:s4+$0xFFFFFF20];
	_ =	sdelay $0x4  }
0x14b: {  	v3 =	vmul.f32 v3, v53;
	_ =	sdelay $0x1  }
0x14c: {  	[tilespmem:s4+$0xFFFFFF20] =	vst v3;
	v3 =	vld [tilespmem:s4+$0xFFFFFF30];
	_ =	sdelay $0x4  }
0x14d: {  	v3 =	vmul.f32 v3, v53;
	_ =	sdelay $0x1  }
0x14e: {  	[tilespmem:s4+$0xFFFFFF30] =	vst v3;
	v3 =	vld [tilespmem:s4+$0xFFFFFF40];
	_ =	sdelay $0x2  }
0x14f: {  	v54 =	vbroadcast v2, $0x5;
	_ =	sdelay $0x1  }
0x150: {  	v3 =	vmul.f32 v3, v54;
	_ =	sdelay $0x1  }
0x151: {  	[tilespmem:s4+$0xFFFFFF40] =	vst v3;
	v3 =	vld [tilespmem:s4+$0xFFFFFF50];
	_ =	sdelay $0x4  }
0x152: {  	v3 =	vmul.f32 v3, v54;
	_ =	sdelay $0x1  }
0x153: {  	[tilespmem:s4+$0xFFFFFF50] =	vst v3;
	v3 =	vld [tilespmem:s4+$0xFFFFFF60];
	_ =	sdelay $0x4  }
0x154: {  	v3 =	vmul.f32 v3, v54;
	_ =	sdelay $0x1  }
0x155: {  	[tilespmem:s4+$0xFFFFFF60] =	vst v3;
	v3 =	vld [tilespmem:s4+$0xFFFFFF70];
	_ =	sdelay $0x4  }
0x156: {  	v3 =	vmul.f32 v3, v54;
	_ =	sdelay $0x1  }
0x157: {  	[tilespmem:s4+$0xFFFFFF70] =	vst v3;
	v3 =	vld [tilespmem:s4+$0xFFFFFF80];
	_ =	sdelay $0x2  }
0x158: {  	v55 =	vbroadcast v2, $0x6;
	_ =	sdelay $0x1  }
0x159: {  	v3 =	vmul.f32 v3, v55;
	_ =	sdelay $0x1  }
0x15a: {  	[tilespmem:s4+$0xFFFFFF80] =	vst v3;
	v3 =	vld [tilespmem:s4+$0xFFFFFF90];
	_ =	sdelay $0x4  }
0x15b: {  	v3 =	vmul.f32 v3, v55;
	_ =	sdelay $0x1  }
0x15c: {  	[tilespmem:s4+$0xFFFFFF90] =	vst v3;
	v3 =	vld [tilespmem:s4+$0xFFFFFFA0];
	_ =	sdelay $0x4  }
0x15d: {  	v3 =	vmul.f32 v3, v55;
	_ =	sdelay $0x1  }
0x15e: {  	[tilespmem:s4+$0xFFFFFFA0] =	vst v3;
	v3 =	vld [tilespmem:s4+$0xFFFFFFB0];
	_ =	sdelay $0x4  }
0x15f: {  	v3 =	vmul.f32 v3, v55;
	_ =	sdelay $0x1  }
0x160: {  	[tilespmem:s4+$0xFFFFFFB0] =	vst v3;
	v3 =	vld [tilespmem:s4+$0xFFFFFFC0];
	_ =	sdelay $0x2  }
0x161: {  	v56 =	vbroadcast v2, $0x7;
	_ =	sdelay $0x1  }
0x162: {  	v3 =	vmul.f32 v3, v56;
	_ =	sdelay $0x1  }
0x163: {  	[tilespmem:s4+$0xFFFFFFC0] =	vst v3;
	v3 =	vld [tilespmem:s4+$0xFFFFFFD0];
	_ =	sdelay $0x4  }
0x164: {  	v3 =	vmul.f32 v3, v56;
	_ =	sdelay $0x1  }
0x165: {  	[tilespmem:s4+$0xFFFFFFD0] =	vst v3;
	v3 =	vld [tilespmem:s4+$0xFFFFFFE0];
	_ =	sdelay $0x4  }
0x166: {  	v3 =	vmul.f32 v3, v56;
	_ =	sdelay $0x1  }
0x167: {  	[tilespmem:s4+$0xFFFFFFE0] =	vst v3;
	v3 =	vld [tilespmem:s4+$0xFFFFFFF0];
	_ =	sdelay $0x4  }
0x168: {  	v3 =	vmul.f32 v3, v56;
	_ =	sdelay $0x1  }
0x169: {  	[tilespmem:s4+$0xFFFFFFF0] =	vst v3;
	v3 =	vld [tilespmem:s4+$0x0];
	_ =	sdelay $0x2  }
0x16a: {  	v57 =	vbroadcast v2, $0x8;
	_ =	sdelay $0x1  }
0x16b: {  	v3 =	vmul.f32 v3, v57;
	_ =	sdelay $0x1  }
0x16c: {  	[tilespmem:s4+$0x0] =	vst v3;
	v3 =	vld [tilespmem:s4+$0x10];
	_ =	sdelay $0x4  }
0x16d: {  	v3 =	vmul.f32 v3, v57;
	_ =	sdelay $0x1  }
0x16e: {  	[tilespmem:s4+$0x10] =	vst v3;
	v3 =	vld [tilespmem:s4+$0x20];
	_ =	sdelay $0x4  }
0x16f: {  	v3 =	vmul.f32 v3, v57;
	_ =	sdelay $0x1  }
0x170: {  	[tilespmem:s4+$0x20] =	vst v3;
	v3 =	vld [tilespmem:s4+$0x30];
	_ =	sdelay $0x4  }
0x171: {  	v3 =	vmul.f32 v3, v57;
	_ =	sdelay $0x1  }
0x172: {  	[tilespmem:s4+$0x30] =	vst v3;
	v3 =	vld [tilespmem:s4+$0x40];
	_ =	sdelay $0x2  }
0x173: {  	v58 =	vbroadcast v2, $0x9;
	_ =	sdelay $0x1  }
0x174: {  	v3 =	vmul.f32 v3, v58;
	_ =	sdelay $0x1  }
0x175: {  	[tilespmem:s4+$0x40] =	vst v3;
	v3 =	vld [tilespmem:s4+$0x50];
	_ =	sdelay $0x4  }
0x176: {  	v3 =	vmul.f32 v3, v58;
	_ =	sdelay $0x1  }
0x177: {  	[tilespmem:s4+$0x50] =	vst v3;
	v3 =	vld [tilespmem:s4+$0x60];
	_ =	sdelay $0x4  }
0x178: {  	v3 =	vmul.f32 v3, v58;
	_ =	sdelay $0x1  }
0x179: {  	[tilespmem:s4+$0x60] =	vst v3;
	v3 =	vld [tilespmem:s4+$0x70];
	_ =	sdelay $0x4  }
0x17a: {  	v3 =	vmul.f32 v3, v58;
	_ =	sdelay $0x1  }
0x17b: {  	[tilespmem:s4+$0x70] =	vst v3;
	v3 =	vld [tilespmem:s4+$0x80];
	_ =	sdelay $0x2  }
0x17c: {  	v59 =	vbroadcast v2, $0xA;
	_ =	sdelay $0x1  }
0x17d: {  	v3 =	vmul.f32 v3, v59;
	_ =	sdelay $0x1  }
0x17e: {  	[tilespmem:s4+$0x80] =	vst v3;
	v3 =	vld [tilespmem:s4+$0x90];
	_ =	sdelay $0x4  }
0x17f: {  	v3 =	vmul.f32 v3, v59;
	_ =	sdelay $0x1  }
0x180: {  	[tilespmem:s4+$0x90] =	vst v3;
	v3 =	vld [tilespmem:s4+$0xA0];
	_ =	sdelay $0x4  }
0x181: {  	v3 =	vmul.f32 v3, v59;
	_ =	sdelay $0x1  }
0x182: {  	[tilespmem:s4+$0xA0] =	vst v3;
	v3 =	vld [tilespmem:s4+$0xB0];
	_ =	sdelay $0x4  }
0x183: {  	v3 =	vmul.f32 v3, v59;
	_ =	sdelay $0x1  }
0x184: {  	[tilespmem:s4+$0xB0] =	vst v3;
	v3 =	vld [tilespmem:s4+$0xC0];
	_ =	sdelay $0x2  }
0x185: {  	v60 =	vbroadcast v2, $0xB;
	_ =	sdelay $0x1  }
0x186: {  	v3 =	vmul.f32 v3, v60;
	_ =	sdelay $0x1  }
0x187: {  	[tilespmem:s4+$0xC0] =	vst v3;
	v3 =	vld [tilespmem:s4+$0xD0];
	_ =	sdelay $0x4  }
0x188: {  	v3 =	vmul.f32 v3, v60;
	_ =	sdelay $0x1  }
0x189: {  	[tilespmem:s4+$0xD0] =	vst v3;
	v3 =	vld [tilespmem:s4+$0xE0];
	_ =	sdelay $0x4  }
0x18a: {  	v3 =	vmul.f32 v3, v60;
	_ =	sdelay $0x1  }
0x18b: {  	[tilespmem:s4+$0xE0] =	vst v3;
	v3 =	vld [tilespmem:s4+$0xF0];
	_ =	sdelay $0x4  }
0x18c: {  	v3 =	vmul.f32 v3, v60;
	_ =	sdelay $0x1  }
0x18d: {  	[tilespmem:s4+$0xF0] =	vst v3;
	v3 =	vld [tilespmem:s4+$0x100];
	_ =	sdelay $0x2  }
0x18e: {  	v61 =	vbroadcast v2, $0xC;
	_ =	sdelay $0x1  }
0x18f: {  	v3 =	vmul.f32 v3, v61;
	_ =	sdelay $0x1  }
0x190: {  	[tilespmem:s4+$0x100] =	vst v3;
	v3 =	vld [tilespmem:s4+$0x110];
	_ =	sdelay $0x4  }
0x191: {  	v3 =	vmul.f32 v3, v61;
	_ =	sdelay $0x1  }
0x192: {  	[tilespmem:s4+$0x110] =	vst v3;
	v3 =	vld [tilespmem:s4+$0x120];
	_ =	sdelay $0x4  }
0x193: {  	v3 =	vmul.f32 v3, v61;
	_ =	sdelay $0x1  }
0x194: {  	[tilespmem:s4+$0x120] =	vst v3;
	v3 =	vld [tilespmem:s4+$0x130];
	_ =	sdelay $0x4  }
0x195: {  	v3 =	vmul.f32 v3, v61;
	_ =	sdelay $0x1  }
0x196: {  	[tilespmem:s4+$0x130] =	vst v3;
	v3 =	vld [tilespmem:s4+$0x140];
	_ =	sdelay $0x2  }
0x197: {  	v62 =	vbroadcast v2, $0xD;
	_ =	sdelay $0x1  }
0x198: {  	v3 =	vmul.f32 v3, v62;
	_ =	sdelay $0x1  }
0x199: {  	[tilespmem:s4+$0x140] =	vst v3;
	v3 =	vld [tilespmem:s4+$0x150];
	_ =	sdelay $0x4  }
0x19a: {  	v3 =	vmul.f32 v3, v62;
	_ =	sdelay $0x1  }
0x19b: {  	[tilespmem:s4+$0x150] =	vst v3;
	v3 =	vld [tilespmem:s4+$0x160];
	_ =	sdelay $0x4  }
0x19c: {  	v3 =	vmul.f32 v3, v62;
	_ =	sdelay $0x1  }
0x19d: {  	[tilespmem:s4+$0x160] =	vst v3;
	v3 =	vld [tilespmem:s4+$0x170];
	_ =	sdelay $0x4  }
0x19e: {  	v3 =	vmul.f32 v3, v62;
	_ =	sdelay $0x1  }
0x19f: {  	[tilespmem:s4+$0x170] =	vst v3;
	v3 =	vld [tilespmem:s4+$0x180];
	_ =	sdelay $0x2  }
0x1a0: {  	v63 =	vbroadcast v2, $0xE;
	_ =	sdelay $0x1  }
0x1a1: {  	v3 =	vmul.f32 v3, v63;
	_ =	sdelay $0x1  }
0x1a2: {  	[tilespmem:s4+$0x180] =	vst v3;
	v3 =	vld [tilespmem:s4+$0x190];
	_ =	sdelay $0x4  }
0x1a3: {  	v3 =	vmul.f32 v3, v63;
	_ =	sdelay $0x1  }
0x1a4: {  	[tilespmem:s4+$0x190] =	vst v3;
	v3 =	vld [tilespmem:s4+$0x1A0];
	_ =	sdelay $0x4  }
0x1a5: {  	v3 =	vmul.f32 v3, v63;
	_ =	sdelay $0x1  }
0x1a6: {  	[tilespmem:s4+$0x1A0] =	vst v3;
	v3 =	vld [tilespmem:s4+$0x1B0];
	_ =	sdelay $0x4  }
0x1a7: {  	v3 =	vmul.f32 v3, v63;
	_ =	sdelay $0x1  }
0x1a8: {  	[tilespmem:s4+$0x1B0] =	vst v3;
	v3 =	vld [tilespmem:s4+$0x1C0];
	_ =	sdelay $0x2  }
0x1a9: {  	v2 =	vbroadcast v2, $0xF;
	_ =	sdelay $0x1  }
0x1aa: {  	v3 =	vmul.f32 v3, v2;
	_ =	sdelay $0x1  }
0x1ab: {  	[tilespmem:s4+$0x1C0] =	vst v3;
	v3 =	vld [tilespmem:s4+$0x1D0];
	_ =	sdelay $0x4  }
0x1ac: {  	v3 =	vmul.f32 v3, v2;
	_ =	sdelay $0x1  }
0x1ad: {  	[tilespmem:s4+$0x1D0] =	vst v3;
	v3 =	vld [tilespmem:s4+$0x1E0];
	_ =	sdelay $0x4  }
0x1ae: {  	v3 =	vmul.f32 v3, v2;
	_ =	sdelay $0x1  }
0x1af: {  	[tilespmem:s4+$0x1E0] =	vst v3;
	v3 =	vld [tilespmem:s4+$0x1F0];
	_ =	sdelay $0x1  }
0x1b0: {  	p1 =	seq.s32 s0, $0x7C0  }
.Ltmp4:
0x1b1: {  	_ = 	snop;
	(pc) =	sbr.rel @!p1 .LBB2_7-.Ltmp4, $3  }
0x1b2: {  	_ = 	snop  }
0x1b3: {  	v2 =	vmul.f32 v3, v2;
	_ =	sdelay $0x1  }
0x1b4: {  	s0 =	sadd.s32 $0x40, s0;
	[tilespmem:s4+$0x1F0] =	vst v2;
	s4 =	sadd.s32 $0x400, s4  }
0x1b5: {  	s0 =	sadd.s32 $0x600, s30  }
0x1b6: {  	[spmem:s2] =	stream.indirect.scatter.add.f32 [tilespmem:s19], [sflag:$0x4], $0x20, s0, s25, $0xb8;
	[tilespmem:$0x1D200] =	vst v63  }
0x1b7: {  	s12 =	sadd.s32 $0x680, s30  }
0x1b8: {  	[spmem:s2] =	stream.indirect.scatter.add.f32 [tilespmem:s22], [sflag:$0x4], $0x20, s12, s25, $0xb8;
	[tilespmem:$0x1D200] =	vst v63  }
.Ltmp5:
0x1b9: {  	_ = 	snop;
	(pc) =	sbr.rel @p0 .LBB2_10-.Ltmp5, $4  }
0x1ba: {  	s26 =	sadd.s32 $0x700, s30  }
0x1bb: {  	[spmem:s2] =	stream.indirect.scatter.add.f32 [tilespmem:s23], [sflag:$0x4], $0x20, s26, s25, $0xb8;
	[tilespmem:$0x1D200] =	vst v63  }
0x1bc: {  	s30 =	sadd.s32 $0x780, s30  }
0x1bd: {  	[spmem:s2] =	stream.indirect.scatter.add.f32 [tilespmem:s29], [sflag:$0x4], $0x20, s30, s25, $0xb8;
	[tilespmem:$0x1D200] =	vst v63  }
0x1be: {  	_ =	swait.ge [sflag:s24], $0x200  }
0x1bf: {  	[sflag:s24] =	ssyncset.done $0x0  }
0x1c0: {  	[sflag:s24] =	ssyncadd.s32 $0xFFFFFE00  }
0x1c1: {  	_ =	swait.ge [sflag:s24], $0x200  }
0x1c2: {  	[sflag:s24] =	ssyncset.done $0x0  }
0x1c3: {  	[sflag:s24] =	ssyncadd.s32 $0xFFFFFE00  }
0x1c4: {  	s0 =	smulhi.u32 $0x55555556, s28;
	_ =	swait.ge [sflag:s24], $0x200  }
0x1c5: {  	[sflag:s24] =	ssyncset.done $0x0  }
0x1c6: {  	s0 =	smul.u32 $0x3, s0;
	[sflag:s24] =	ssyncadd.s32 $0xFFFFFE00  }
0x1c7: {  	s4 =	simm.s32 $0x1200;
	_ =	swait.ge [sflag:s14], $0x4000  }
0x1c8: {  	s10 =	simm.s32 $0x3200;
	s0 =	ssub.s32 s28, s0;
	[sflag:s14] =	ssyncset.done $0x0  }
0x1c9: {  	s28 =	sadd.s32 $0x3, s16;
	s0 =	sshll.u32 s0, $0x9;
	[sflag:s14] =	ssyncadd.s32 $0xFFFFC000  }
0x1ca: {  	[tilespmem:s4], [sflag:$0x1] =	stream.indirect.gather [hbm4b:s1+s25], $0x40, s0, s25, $0xb8;
	[tilespmem:$0x1D200] =	vst v63  }
0x1cb: {  	s26 =	simm.s32 $0x5200;
	s30 =	smulhi.u32 $0x55555556, s28;
	s11 =	sor.u32 $0x80, s0  }
0x1cc: {  	[tilespmem:s10], [sflag:$0x1] =	stream.indirect.gather [hbm4b:s1+s25], $0x40, s11, s25, $0xb8;
	[tilespmem:$0x1D200] =	vst v63  }
0x1cd: {  	s16 =	sadd.s32 s9, s28;
	s12 =	sor.u32 $0x100, s0;
	s0 =	sor.u32 $0x180, s0  }
0x1ce: {  	[tilespmem:s26], [sflag:$0x1] =	stream.indirect.gather [hbm4b:s1+s25], $0x40, s12, s25, $0xb8;
	[tilespmem:$0x1D200] =	vst v63  }
0x1cf: {  	s11 =	simm.s32 $0x7200;
	s10 =	sshll.u32 s16, $0x6;
	s12 =	smul.u32 $0x3, s30  }
0x1d0: {  	[tilespmem:s11], [sflag:$0x1] =	stream.indirect.gather [hbm4b:s1+s25], $0x40, s0, s25, $0xb8;
	[tilespmem:$0x1D200] =	vst v63  }
0x1d1: {  	s26 =	sand.u32 $0x1FFFFFC0, s10;
	s0 =	ssub.s32 s28, s12  }
0x1d2: {  	s20 =	sadd.s32 $0x1, s20;
	s10 =	sadd.s32 s5, s26;
	s0 =	sshll.u32 s0, $0x9  }
0x1d3: {  	[tilespmem:s0], [sflag:$0x6] =	stream.linear.gather [hbm4b:s10+s3], $0x200, $0x38;
	[tilespmem:$0x1D200] =	vst v63  }
.Ltmp6:
0x1d4: {  	s18 =	sadd.s32 $0x400, s18;
	s17 =	sadd.s32 $0x2, s17;
	(pc) =	sbr.rel .LBB2_4-.Ltmp6, $4  }
0x1d5: {  	s15 =	sadd.s32 $0x400, s15;
	s30 =	sadd.s32 s6, s26;
	s28 =	sadd.s32 $0x600, s0  }
0x1d6: {  	[tilespmem:s28], [sflag:$0x6] =	stream.linear.gather [hbm4b:s30+s3], $0x200, $0x38;
	[tilespmem:$0x1D200] =	vst v63  }
0x1d7: {  	s8 =	sadd.s32 $0x2, s8;
	s4 =	sadd.s32 s7, s26;
	s0 =	sadd.s32 $0xC00, s0  }
0x1d8: {  	[tilespmem:s0], [sflag:$0x6] =	stream.linear.gather [hbm4b:s4+s3], $0x200, $0x38;
	[tilespmem:$0x1D200] =	vst v63  }
.LBB2_11:
0x1d9: {  	_ =	sfence.sel $0x180000  }
0x1da: {  	[bflag:$0x0] =	sbarrier.arrive $0xFFFF  }
0x1db: {  	_ =	strace $0x90000047  }
0x1dc: {  	s0 =	stileid.u32;
	[bflag:$0x2] =	sbarrier.arrive $0xFFFF  }
0x1dd: {  	p0 =	sne.s32 s0, $0x0;
	s0 =	rddreg [dreg:$0x3]  }
0x1de: {  	s0 =	sadd.s32 @!p0 $0x100000, s0  }
0x1df: {  	[sflag:s0] =	ssyncadd.tile.s32 @!p0 $0x1;
	_ =	shalt  }
.Lfunc_end2:
_tile_overlayer_lowered:
.L_overlay_start_2:
0x1e0: {  	(tag) =	ssettag $0x2  }
0x1e1: {  	s0 =	rddreg [dreg:$0x0];
	s2 =	stileid.u32  }
0x1e2: {  	s1 =	rddreg [dreg:$0x1];
	p0 =	sne.s32 s2, $0x0  }
0x1e3: {  	s3 =	rddreg [dreg:$0x2];
	[bflag:$0x3] =	sbarrier.arrive $0xFFFF;
	s2 =	simm.s32 @!p0 $0x1C07  }
0x1e4: {  	[timem:s3], [sflag:s2] =	dma.local @!p0 [hbm:s0], s1  }
0x1e5: {  	s0 =	simm.s32 @!p0 $0x7  }
0x1e6: {  	_ =	swait.ge @!p0 [sflag:s0], s1  }
0x1e7: {  	s1 =	ssub.s32 @!p0 $0x0, s1;
	[sflag:s0] =	ssyncset.done @!p0 $0x0  }
0x1e8: {  	[sflag:s0] =	ssyncadd.s32 @!p0 s1  }
0x1e9: {  	[bflag:$0x3] =	sbarrier.arrive $0xFFFF  }
0x1ea: {  	_ =	shalt  }

</sc_bundles>
